<compile_context>
chip_gen: v7x
topology: tpu7x:2x2x1
jax: 0.10.2.dev20260603
libtpu: 0.0.44.dev20260713+nightly
codegen_flags: <defaults>
</compile_context>

<pallas_src>
import jax
import jax.numpy as jnp
import numpy as np
from jax import lax
from jax.experimental import pallas as pl
from jax.experimental.pallas import tpu as pltpu
from jax.experimental.pallas import tpu_sc as plsc

N_ROWS = 1048576
N_DIMS = 16
NC, NS = 2, 16
NW = NC * NS
ROWS_PER_W = N_ROWS // NW
CH = 512
NG = CH // N_DIMS
N_CHUNKS = ROWS_PER_W // CH
K_SUP = float(np.sqrt(-np.log(0.01)))
K2 = K_SUP * K_SUP
PENALTY = 200.0


def _sc_body(x_hbm, c_hbm, w_hbm, m_hbm, out_hbm,
             xb, yb, pb, sb, si0, si1, so0, so1):
    wid = lax.axis_index("s") * NC + lax.axis_index("c")
    slab = wid * ROWS_PER_W

    pltpu.sync_copy(c_hbm, pb.at[0])
    pltpu.sync_copy(w_hbm, pb.at[1])
    pltpu.sync_copy(m_hbm, pb.at[2])
    cv = pb[0]
    wv = pb[1]
    mv = pb[2]
    iw = 1.0 / wv
    k2v = jnp.where(wv > 0.0, jnp.float32(K2), jnp.float32(-1.0))
    row_iota = lax.iota(jnp.int32, N_DIMS)
    cols = [row_iota * 0 + d for d in range(N_DIMS)]
    sems_i = (si0, si1)
    sems_o = (so0, so1)

    def make_group_body(par):
        parv = row_iota * 0 + par

        def group_body(j, _):
            jbase = j * N_DIMS
            vs = [xb[par, jbase + r] for r in range(N_DIMS)]
            ts = [(v - cv) * iw for v in vs]
            qs = [t * t for t in ts]
            qqs = [jnp.where(q < k2v, q, jnp.float32(PENALTY)) for q in qs]
            for r in range(N_DIMS):
                sb[par, j, r, pl.ds(0, N_DIMS)] = qqs[r]
            jv = row_iota * 0 + j
            g = [plsc.load_gather(sb, [parv, jv, row_iota, cols[d]])
                 for d in range(N_DIMS)]
            while len(g) > 1:
                g = [g[i] + g[i + 1] for i in range(0, len(g), 2)]
            yb[par, pl.ds(jbase, N_DIMS)] = mv * jnp.exp(-g[0])
            return 0

        return group_body

    pltpu.async_copy(x_hbm.at[pl.ds(slab, CH)], xb.at[0], si0)

    def pair_body(p, _):
        for par in range(2):
            k = 2 * p + par
            base = slab + k * CH
            @pl.when(k + 1 < N_CHUNKS)
            def _():
                pltpu.async_copy(
                    x_hbm.at[pl.ds(base + CH, CH)], xb.at[1 - par],
                    sems_i[1 - par])
            pltpu.make_async_copy(
                x_hbm.at[pl.ds(base, CH)], xb.at[par], sems_i[par]).wait()
            @pl.when(k >= 2)
            def _():
                pltpu.make_async_copy(
                    yb.at[par], out_hbm.at[pl.ds(base, CH)],
                    sems_o[par]).wait()
            plsc.parallel_loop(0, NG, 1, unroll=2, carry=jnp.int32(0))(
                make_group_body(par))
            pltpu.async_copy(yb.at[par], out_hbm.at[pl.ds(base, CH)],
                             sems_o[par])
        return 0

    lax.fori_loop(0, N_CHUNKS // 2, pair_body, 0)
    for par in range(2):
        base = slab + (N_CHUNKS - 2 + par) * CH
        pltpu.make_async_copy(
            yb.at[par], out_hbm.at[pl.ds(base, CH)], sems_o[par]).wait()


def kernel(x, c, w, m):
    m16 = jnp.broadcast_to(m, (N_DIMS,))
    mesh = plsc.VectorSubcoreMesh(core_axis_name="c", subcore_axis_name="s")
    f = pl.kernel(
        _sc_body,
        out_type=jax.ShapeDtypeStruct((N_ROWS,), jnp.float32),
        mesh=mesh,
        compiler_params=pltpu.CompilerParams(
            needs_layout_passes=False, use_tc_tiling_on_sc=False),
        scratch_types=[
            pltpu.VMEM((2, CH, N_DIMS), jnp.float32),
            pltpu.VMEM((2, CH), jnp.float32),
            pltpu.VMEM((3, N_DIMS), jnp.float32),
            pltpu.VMEM((2, NG, N_DIMS, N_DIMS + 1), jnp.float32),
            pltpu.SemaphoreType.DMA,
            pltpu.SemaphoreType.DMA,
            pltpu.SemaphoreType.DMA,
            pltpu.SemaphoreType.DMA,
        ],
    )
    return f(x, c, w, m16)

# --- scband reference (transcript-rebuilt; emitter-appended) ---
"""Pipeline reference for scband-bump-fcn-43353399886045 (READ-ONLY COPY).

The authoritative reference and input builder live on the scoring server;
editing this copy changes nothing except your own understanding.
"""

import jax, jax.numpy as jnp
import numpy as np

N_SMPS = 1048576
N_DIMS = 16
SUPPORT_P = 0.01
SUPPORT_K = float(np.sqrt(-1.0 * np.log(SUPPORT_P)))


def setup_inputs(seed: int = 0) -> dict:
    key = jax.random.key(seed)
    kx, = jax.random.split(key, 1)
    x = jax.random.normal(kx, (N_SMPS, N_DIMS), dtype=jnp.float32)
    c = jnp.zeros((N_DIMS,), dtype=jnp.float32)
    w = jnp.ones((N_DIMS,), dtype=jnp.float32)
    m = jnp.array([2.0], dtype=jnp.float32)
    return {"x": x, "c": c, "w": w, "m": m}


def reference(x, c, w, m):
    # y = m * exp(-sum(((x - c)/w)**2)), zeroed outside the support box
    min_bounds = -1.0 * SUPPORT_K * w + c
    max_bounds = SUPPORT_K * w + c
    lower = x > min_bounds
    upper = x < max_bounds
    in_support = jnp.all(lower & upper, axis=1)
    vals = m * jnp.exp(-1.0 * jnp.sum(((x - c) / w) ** 2, axis=1))
    y = jnp.where(in_support, vals, jnp.zeros_like(vals))
    return y

if __name__ == "__main__":
    import jax
    _d = setup_inputs()
    print(jax.jit(kernel)(*tuple(_d.values())))

</pallas_src>

<mosaic_0001>
#map = affine_map<(d0, d1) -> (0, 0)>
#map1 = affine_map<(d0, d1) -> (0)>
module attributes {stable_mosaic.version = 14 : i64} {
  func.func @_sc_body(%arg0: i32, %arg1: i32, %arg2: memref<1048576x16xf32, #tpu.memory_space<hbm>>, %arg3: memref<16xf32, #tpu.memory_space<hbm>>, %arg4: memref<16xf32, #tpu.memory_space<hbm>>, %arg5: memref<16xf32, #tpu.memory_space<hbm>>, %arg6: memref<1048576xf32, #tpu.memory_space<hbm>>, %arg7: memref<2x512x16xf32, #tpu.memory_space<vmem>>, %arg8: memref<2x512xf32, #tpu.memory_space<vmem>>, %arg9: memref<3x16xf32, #tpu.memory_space<vmem>>, %arg10: memref<2x32x16x17xf32, #tpu.memory_space<vmem>>, %arg11: memref<!tpu.dma_semaphore, #tpu.memory_space<semaphore_mem>>, %arg12: memref<!tpu.dma_semaphore, #tpu.memory_space<semaphore_mem>>, %arg13: memref<!tpu.dma_semaphore, #tpu.memory_space<semaphore_mem>>, %arg14: memref<!tpu.dma_semaphore, #tpu.memory_space<semaphore_mem>>) attributes {dimension_semantics = [#tpu.dimension_semantics<core_parallel>, #tpu.dimension_semantics<subcore_parallel>], iteration_bounds = array<i64: 2, 16>, scalar_prefetch = 0 : i64, scratch_operands = 8 : i64, tpu.core_type = #tpu.core_type<sc_vector_subcore>, window_params = [{transform_indices = #map}, {transform_indices = #map1}, {transform_indices = #map1}, {transform_indices = #map1}, {transform_indices = #map1}]} {
    %mul3A = arith.constant 2 : i32
    %mul3A_0 = arith.muli %arg1, %mul3A : i32
    %add3A = arith.addi %mul3A_0, %arg0 : i32
    %mul3A_1 = arith.constant 32768 : i32
    %mul3A_2 = arith.muli %add3A, %mul3A_1 : i32
    %run_scoped3A = arith.constant 0 : i32
    "tpu.region"() ({
      %run_scoped3A_157 = tpu.sem_alloc : memref<!tpu.dma_semaphore, #tpu.memory_space<semaphore_mem>>
      %dma_start3A_158 = arith.constant 0 : i32
      %dma_start3A_159 = tpu.memref_slice %arg9[%run_scoped3A, %dma_start3A_158] : memref<3x16xf32, #tpu.memory_space<vmem>> -> memref<1x16xf32, #tpu.memory_space<vmem>>
      %dma_start3A_160 = tpu.memref_squeeze %dma_start3A_159 : memref<1x16xf32, #tpu.memory_space<vmem>> -> memref<16xf32, #tpu.memory_space<vmem>>
      %dma_start3A_161 = arith.constant 0 : i32
      %dma_start3A_162 = tpu.memref_slice %arg9[%run_scoped3A, %dma_start3A_161] : memref<3x16xf32, #tpu.memory_space<vmem>> -> memref<1x16xf32, #tpu.memory_space<vmem>>
      %dma_start3A_163 = tpu.memref_squeeze %dma_start3A_162 : memref<1x16xf32, #tpu.memory_space<vmem>> -> memref<16xf32, #tpu.memory_space<vmem>>
      tpu.enqueue_dma source(%arg3 : memref<16xf32, #tpu.memory_space<hbm>>) target(%dma_start3A_163 : memref<16xf32, #tpu.memory_space<vmem>>) target_semaphore(%run_scoped3A_157 : memref<!tpu.dma_semaphore, #tpu.memory_space<semaphore_mem>>)
      %dma_wait3A_164 = arith.constant 0 : i32
      %dma_wait3A_165 = tpu.memref_slice %arg9[%run_scoped3A, %dma_wait3A_164] : memref<3x16xf32, #tpu.memory_space<vmem>> -> memref<1x16xf32, #tpu.memory_space<vmem>>
      %dma_wait3A_166 = tpu.memref_squeeze %dma_wait3A_165 : memref<1x16xf32, #tpu.memory_space<vmem>> -> memref<16xf32, #tpu.memory_space<vmem>>
      %dma_wait3A_167 = arith.constant 0 : i32
      %dma_wait3A_168 = tpu.memref_slice %arg9[%run_scoped3A, %dma_wait3A_167] : memref<3x16xf32, #tpu.memory_space<vmem>> -> memref<1x16xf32, #tpu.memory_space<vmem>>
      %dma_wait3A_169 = tpu.memref_squeeze %dma_wait3A_168 : memref<1x16xf32, #tpu.memory_space<vmem>> -> memref<16xf32, #tpu.memory_space<vmem>>
      tpu.wait_dma2 semaphore(%run_scoped3A_157 : memref<!tpu.dma_semaphore, #tpu.memory_space<semaphore_mem>>) src(%arg3 : memref<16xf32, #tpu.memory_space<hbm>>) dst(%dma_wait3A_169 : memref<16xf32, #tpu.memory_space<vmem>>)
      tpu.yield
    }) : () -> ()
    %run_scoped3A_3 = arith.constant 1 : i32
    "tpu.region"() ({
      %run_scoped3A_157 = tpu.sem_alloc : memref<!tpu.dma_semaphore, #tpu.memory_space<semaphore_mem>>
      %dma_start3A_158 = arith.constant 0 : i32
      %dma_start3A_159 = tpu.memref_slice %arg9[%run_scoped3A_3, %dma_start3A_158] : memref<3x16xf32, #tpu.memory_space<vmem>> -> memref<1x16xf32, #tpu.memory_space<vmem>>
      %dma_start3A_160 = tpu.memref_squeeze %dma_start3A_159 : memref<1x16xf32, #tpu.memory_space<vmem>> -> memref<16xf32, #tpu.memory_space<vmem>>
      %dma_start3A_161 = arith.constant 0 : i32
      %dma_start3A_162 = tpu.memref_slice %arg9[%run_scoped3A_3, %dma_start3A_161] : memref<3x16xf32, #tpu.memory_space<vmem>> -> memref<1x16xf32, #tpu.memory_space<vmem>>
      %dma_start3A_163 = tpu.memref_squeeze %dma_start3A_162 : memref<1x16xf32, #tpu.memory_space<vmem>> -> memref<16xf32, #tpu.memory_space<vmem>>
      tpu.enqueue_dma source(%arg4 : memref<16xf32, #tpu.memory_space<hbm>>) target(%dma_start3A_163 : memref<16xf32, #tpu.memory_space<vmem>>) target_semaphore(%run_scoped3A_157 : memref<!tpu.dma_semaphore, #tpu.memory_space<semaphore_mem>>)
      %dma_wait3A_164 = arith.constant 0 : i32
      %dma_wait3A_165 = tpu.memref_slice %arg9[%run_scoped3A_3, %dma_wait3A_164] : memref<3x16xf32, #tpu.memory_space<vmem>> -> memref<1x16xf32, #tpu.memory_space<vmem>>
      %dma_wait3A_166 = tpu.memref_squeeze %dma_wait3A_165 : memref<1x16xf32, #tpu.memory_space<vmem>> -> memref<16xf32, #tpu.memory_space<vmem>>
      %dma_wait3A_167 = arith.constant 0 : i32
      %dma_wait3A_168 = tpu.memref_slice %arg9[%run_scoped3A_3, %dma_wait3A_167] : memref<3x16xf32, #tpu.memory_space<vmem>> -> memref<1x16xf32, #tpu.memory_space<vmem>>
      %dma_wait3A_169 = tpu.memref_squeeze %dma_wait3A_168 : memref<1x16xf32, #tpu.memory_space<vmem>> -> memref<16xf32, #tpu.memory_space<vmem>>
      tpu.wait_dma2 semaphore(%run_scoped3A_157 : memref<!tpu.dma_semaphore, #tpu.memory_space<semaphore_mem>>) src(%arg4 : memref<16xf32, #tpu.memory_space<hbm>>) dst(%dma_wait3A_169 : memref<16xf32, #tpu.memory_space<vmem>>)
      tpu.yield
    }) : () -> ()
    %run_scoped3A_4 = arith.constant 2 : i32
    "tpu.region"() ({
      %run_scoped3A_157 = tpu.sem_alloc : memref<!tpu.dma_semaphore, #tpu.memory_space<semaphore_mem>>
      %dma_start3A_158 = arith.constant 0 : i32
      %dma_start3A_159 = tpu.memref_slice %arg9[%run_scoped3A_4, %dma_start3A_158] : memref<3x16xf32, #tpu.memory_space<vmem>> -> memref<1x16xf32, #tpu.memory_space<vmem>>
      %dma_start3A_160 = tpu.memref_squeeze %dma_start3A_159 : memref<1x16xf32, #tpu.memory_space<vmem>> -> memref<16xf32, #tpu.memory_space<vmem>>
      %dma_start3A_161 = arith.constant 0 : i32
      %dma_start3A_162 = tpu.memref_slice %arg9[%run_scoped3A_4, %dma_start3A_161] : memref<3x16xf32, #tpu.memory_space<vmem>> -> memref<1x16xf32, #tpu.memory_space<vmem>>
      %dma_start3A_163 = tpu.memref_squeeze %dma_start3A_162 : memref<1x16xf32, #tpu.memory_space<vmem>> -> memref<16xf32, #tpu.memory_space<vmem>>
      tpu.enqueue_dma source(%arg5 : memref<16xf32, #tpu.memory_space<hbm>>) target(%dma_start3A_163 : memref<16xf32, #tpu.memory_space<vmem>>) target_semaphore(%run_scoped3A_157 : memref<!tpu.dma_semaphore, #tpu.memory_space<semaphore_mem>>)
      %dma_wait3A_164 = arith.constant 0 : i32
      %dma_wait3A_165 = tpu.memref_slice %arg9[%run_scoped3A_4, %dma_wait3A_164] : memref<3x16xf32, #tpu.memory_space<vmem>> -> memref<1x16xf32, #tpu.memory_space<vmem>>
      %dma_wait3A_166 = tpu.memref_squeeze %dma_wait3A_165 : memref<1x16xf32, #tpu.memory_space<vmem>> -> memref<16xf32, #tpu.memory_space<vmem>>
      %dma_wait3A_167 = arith.constant 0 : i32
      %dma_wait3A_168 = tpu.memref_slice %arg9[%run_scoped3A_4, %dma_wait3A_167] : memref<3x16xf32, #tpu.memory_space<vmem>> -> memref<1x16xf32, #tpu.memory_space<vmem>>
      %dma_wait3A_169 = tpu.memref_squeeze %dma_wait3A_168 : memref<1x16xf32, #tpu.memory_space<vmem>> -> memref<16xf32, #tpu.memory_space<vmem>>
      tpu.wait_dma2 semaphore(%run_scoped3A_157 : memref<!tpu.dma_semaphore, #tpu.memory_space<semaphore_mem>>) src(%arg5 : memref<16xf32, #tpu.memory_space<hbm>>) dst(%dma_wait3A_169 : memref<16xf32, #tpu.memory_space<vmem>>)
      tpu.yield
    }) : () -> ()
    %get3A = arith.constant 0 : i32
    %get3A_5 = arith.index_cast %get3A : i32 to index
    %get3A_6 = arith.constant 0 : index
    %get3A_7 = tpu.vector_load %arg9[%get3A_5, %get3A_6] {strides = array<i32>} : memref<3x16xf32, #tpu.memory_space<vmem>>, vector<16xf32>,
    %get3A_8 = arith.constant 1 : i32
    %get3A_9 = arith.index_cast %get3A_8 : i32 to index
    %get3A_10 = arith.constant 0 : index
    %get3A_11 = tpu.vector_load %arg9[%get3A_9, %get3A_10] {strides = array<i32>} : memref<3x16xf32, #tpu.memory_space<vmem>>, vector<16xf32>,
    %get3A_12 = arith.constant 2 : i32
    %get3A_13 = arith.index_cast %get3A_12 : i32 to index
    %get3A_14 = arith.constant 0 : index
    %get3A_15 = tpu.vector_load %arg9[%get3A_13, %get3A_14] {strides = array<i32>} : memref<3x16xf32, #tpu.memory_space<vmem>>, vector<16xf32>,
    %div3A = arith.constant 1.000000e+00 : f32
    %div3A_16 = vector.broadcast %div3A : f32 to vector<16xf32>
    %div3A_17 = arith.divf %div3A_16, %get3A_11 : vector<16xf32>
    %gt3A = arith.constant 0.000000e+00 : f32
    %gt3A_18 = vector.broadcast %gt3A : f32 to vector<16xf32>
    %gt3A_19 = arith.cmpf ogt, %get3A_11, %gt3A_18 : vector<16xf32>
    %jit3A = arith.constant 4.60517025 : f32
    %jit3A_20 = arith.constant -1.000000e+00 : f32
    %broadcast_in_dim3A = vector.broadcast %jit3A : f32 to vector<16xf32>
    %broadcast_in_dim3A_21 = vector.broadcast %jit3A_20 : f32 to vector<16xf32>
    %select_n3A = arith.select %gt3A_19, %broadcast_in_dim3A, %broadcast_in_dim3A_21 : vector<16xi1>, vector<16xf32>
    %iota3A = tpu.iota {dimensions = array<i32: 0>} : vector<16xi32>
    %mul3A_22 = arith.constant 0 : i32
    %mul3A_23 = vector.broadcast %mul3A_22 : i32 to vector<16xi32>
    %mul3A_24 = arith.muli %iota3A, %mul3A_23 : vector<16xi32>
    %add3A_25 = arith.constant 0 : i32
    %add3A_26 = vector.broadcast %add3A_25 : i32 to vector<16xi32>
    %add3A_27 = arith.addi %mul3A_24, %add3A_26 : vector<16xi32>
    %mul3A_28 = arith.constant 0 : i32
    %mul3A_29 = vector.broadcast %mul3A_28 : i32 to vector<16xi32>
    %mul3A_30 = arith.muli %iota3A, %mul3A_29 : vector<16xi32>
    %add3A_31 = arith.constant 1 : i32
    %add3A_32 = vector.broadcast %add3A_31 : i32 to vector<16xi32>
    %add3A_33 = arith.addi %mul3A_30, %add3A_32 : vector<16xi32>
    %mul3A_34 = arith.constant 0 : i32
    %mul3A_35 = vector.broadcast %mul3A_34 : i32 to vector<16xi32>
    %mul3A_36 = arith.muli %iota3A, %mul3A_35 : vector<16xi32>
    %add3A_37 = arith.constant 2 : i32
    %add3A_38 = vector.broadcast %add3A_37 : i32 to vector<16xi32>
    %add3A_39 = arith.addi %mul3A_36, %add3A_38 : vector<16xi32>
    %mul3A_40 = arith.constant 0 : i32
    %mul3A_41 = vector.broadcast %mul3A_40 : i32 to vector<16xi32>
    %mul3A_42 = arith.muli %iota3A, %mul3A_41 : vector<16xi32>
    %add3A_43 = arith.constant 3 : i32
    %add3A_44 = vector.broadcast %add3A_43 : i32 to vector<16xi32>
    %add3A_45 = arith.addi %mul3A_42, %add3A_44 : vector<16xi32>
    %mul3A_46 = arith.constant 0 : i32
    %mul3A_47 = vector.broadcast %mul3A_46 : i32 to vector<16xi32>
    %mul3A_48 = arith.muli %iota3A, %mul3A_47 : vector<16xi32>
    %add3A_49 = arith.constant 4 : i32
    %add3A_50 = vector.broadcast %add3A_49 : i32 to vector<16xi32>
    %add3A_51 = arith.addi %mul3A_48, %add3A_50 : vector<16xi32>
    %mul3A_52 = arith.constant 0 : i32
    %mul3A_53 = vector.broadcast %mul3A_52 : i32 to vector<16xi32>
    %mul3A_54 = arith.muli %iota3A, %mul3A_53 : vector<16xi32>
    %add3A_55 = arith.constant 5 : i32
    %add3A_56 = vector.broadcast %add3A_55 : i32 to vector<16xi32>
    %add3A_57 = arith.addi %mul3A_54, %add3A_56 : vector<16xi32>
    %mul3A_58 = arith.constant 0 : i32
    %mul3A_59 = vector.broadcast %mul3A_58 : i32 to vector<16xi32>
    %mul3A_60 = arith.muli %iota3A, %mul3A_59 : vector<16xi32>
    %add3A_61 = arith.constant 6 : i32
    %add3A_62 = vector.broadcast %add3A_61 : i32 to vector<16xi32>
    %add3A_63 = arith.addi %mul3A_60, %add3A_62 : vector<16xi32>
    %mul3A_64 = arith.constant 0 : i32
    %mul3A_65 = vector.broadcast %mul3A_64 : i32 to vector<16xi32>
    %mul3A_66 = arith.muli %iota3A, %mul3A_65 : vector<16xi32>
    %add3A_67 = arith.constant 7 : i32
    %add3A_68 = vector.broadcast %add3A_67 : i32 to vector<16xi32>
    %add3A_69 = arith.addi %mul3A_66, %add3A_68 : vector<16xi32>
    %mul3A_70 = arith.constant 0 : i32
    %mul3A_71 = vector.broadcast %mul3A_70 : i32 to vector<16xi32>
    %mul3A_72 = arith.muli %iota3A, %mul3A_71 : vector<16xi32>
    %add3A_73 = arith.constant 8 : i32
    %add3A_74 = vector.broadcast %add3A_73 : i32 to vector<16xi32>
    %add3A_75 = arith.addi %mul3A_72, %add3A_74 : vector<16xi32>
    %mul3A_76 = arith.constant 0 : i32
    %mul3A_77 = vector.broadcast %mul3A_76 : i32 to vector<16xi32>
    %mul3A_78 = arith.muli %iota3A, %mul3A_77 : vector<16xi32>
    %add3A_79 = arith.constant 9 : i32
    %add3A_80 = vector.broadcast %add3A_79 : i32 to vector<16xi32>
    %add3A_81 = arith.addi %mul3A_78, %add3A_80 : vector<16xi32>
    %mul3A_82 = arith.constant 0 : i32
    %mul3A_83 = vector.broadcast %mul3A_82 : i32 to vector<16xi32>
    %mul3A_84 = arith.muli %iota3A, %mul3A_83 : vector<16xi32>
    %add3A_85 = arith.constant 10 : i32
    %add3A_86 = vector.broadcast %add3A_85 : i32 to vector<16xi32>
    %add3A_87 = arith.addi %mul3A_84, %add3A_86 : vector<16xi32>
    %mul3A_88 = arith.constant 0 : i32
    %mul3A_89 = vector.broadcast %mul3A_88 : i32 to vector<16xi32>
    %mul3A_90 = arith.muli %iota3A, %mul3A_89 : vector<16xi32>
    %add3A_91 = arith.constant 11 : i32
    %add3A_92 = vector.broadcast %add3A_91 : i32 to vector<16xi32>
    %add3A_93 = arith.addi %mul3A_90, %add3A_92 : vector<16xi32>
    %mul3A_94 = arith.constant 0 : i32
    %mul3A_95 = vector.broadcast %mul3A_94 : i32 to vector<16xi32>
    %mul3A_96 = arith.muli %iota3A, %mul3A_95 : vector<16xi32>
    %add3A_97 = arith.constant 12 : i32
    %add3A_98 = vector.broadcast %add3A_97 : i32 to vector<16xi32>
    %add3A_99 = arith.addi %mul3A_96, %add3A_98 : vector<16xi32>
    %mul3A_100 = arith.constant 0 : i32
    %mul3A_101 = vector.broadcast %mul3A_100 : i32 to vector<16xi32>
    %mul3A_102 = arith.muli %iota3A, %mul3A_101 : vector<16xi32>
    %add3A_103 = arith.constant 13 : i32
    %add3A_104 = vector.broadcast %add3A_103 : i32 to vector<16xi32>
    %add3A_105 = arith.addi %mul3A_102, %add3A_104 : vector<16xi32>
    %mul3A_106 = arith.constant 0 : i32
    %mul3A_107 = vector.broadcast %mul3A_106 : i32 to vector<16xi32>
    %mul3A_108 = arith.muli %iota3A, %mul3A_107 : vector<16xi32>
    %add3A_109 = arith.constant 14 : i32
    %add3A_110 = vector.broadcast %add3A_109 : i32 to vector<16xi32>
    %add3A_111 = arith.addi %mul3A_108, %add3A_110 : vector<16xi32>
    %mul3A_112 = arith.constant 0 : i32
    %mul3A_113 = vector.broadcast %mul3A_112 : i32 to vector<16xi32>
    %mul3A_114 = arith.muli %iota3A, %mul3A_113 : vector<16xi32>
    %add3A_115 = arith.constant 15 : i32
    %add3A_116 = vector.broadcast %add3A_115 : i32 to vector<16xi32>
    %add3A_117 = arith.addi %mul3A_114, %add3A_116 : vector<16xi32>
    %dma_start3A = arith.constant 0 : i32
    %dma_start3A_118 = arith.constant 0 : i32
    %dma_start3A_119 = arith.constant 0 : i32
    %dma_start3A_120 = tpu.memref_slice %arg7[%dma_start3A, %dma_start3A_118, %dma_start3A_119] : memref<2x512x16xf32, #tpu.memory_space<vmem>> -> memref<1x512x16xf32, #tpu.memory_space<vmem>>
    %dma_start3A_121 = tpu.memref_squeeze %dma_start3A_120 : memref<1x512x16xf32, #tpu.memory_space<vmem>> -> memref<512x16xf32, #tpu.memory_space<vmem>>
    %dma_start3A_122 = arith.constant 0 : i32
    %dma_start3A_123 = tpu.memref_slice %arg2[%mul3A_2, %dma_start3A_122] : memref<1048576x16xf32, #tpu.memory_space<hbm>> -> memref<512x16xf32, #tpu.memory_space<hbm>>
    %dma_start3A_124 = arith.constant 0 : i32
    %dma_start3A_125 = arith.constant 0 : i32
    %dma_start3A_126 = tpu.memref_slice %arg7[%dma_start3A, %dma_start3A_124, %dma_start3A_125] : memref<2x512x16xf32, #tpu.memory_space<vmem>> -> memref<1x512x16xf32, #tpu.memory_space<vmem>>
    %dma_start3A_127 = tpu.memref_squeeze %dma_start3A_126 : memref<1x512x16xf32, #tpu.memory_space<vmem>> -> memref<512x16xf32, #tpu.memory_space<vmem>>
    %dma_start3A_128 = arith.constant 0 : i32
    %dma_start3A_129 = tpu.memref_slice %arg2[%mul3A_2, %dma_start3A_128] : memref<1048576x16xf32, #tpu.memory_space<hbm>> -> memref<512x16xf32, #tpu.memory_space<hbm>>
    tpu.enqueue_dma source(%dma_start3A_129 : memref<512x16xf32, #tpu.memory_space<hbm>>) target(%dma_start3A_127 : memref<512x16xf32, #tpu.memory_space<vmem>>) target_semaphore(%arg11 : memref<!tpu.dma_semaphore, #tpu.memory_space<semaphore_mem>>)
    %scan3A = arith.constant 0 : i32
    %scan3A_130 = arith.constant 0 : i32
    %scan3A_131 = arith.constant 32 : i32
    %scan3A_132 = arith.addi %scan3A_130, %scan3A_131 : i32
    %scan3A_133 = arith.constant 1 : i32
    %scan3A_134 = scf.for %scan3A_157 = %scan3A_130 to %scan3A_132 step %scan3A_133 iter_args(%scan3A_158 = %scan3A) -> (i32)  : i32 {
      %mul3A_159 = arith.constant 2 : i32
      %mul3A_160 = arith.muli %mul3A_159, %scan3A_157 : i32
      %add3A_161 = arith.constant 0 : i32
      %add3A_162 = arith.addi %mul3A_160, %add3A_161 : i32
      %mul3A_163 = arith.constant 512 : i32
      %mul3A_164 = arith.muli %add3A_162, %mul3A_163 : i32
      %add3A_165 = arith.addi %mul3A_2, %mul3A_164 : i32
      %add3A_166 = arith.constant 1 : i32
      %add3A_167 = arith.addi %add3A_162, %add3A_166 : i32
      %lt3A = arith.constant 64 : i32
      %lt3A_168 = arith.cmpi slt, %add3A_167, %lt3A : i32
      %convert_element_type3A = arith.extui %lt3A_168 : i1 to i32
      %cond3A = arith.constant 0 : i32
      %cond3A_169 = arith.cmpi ne, %convert_element_type3A, %cond3A : i32
      scf.if %cond3A_169 {
        %add3A_259 = arith.constant 512 : i32
        %add3A_260 = arith.addi %add3A_165, %add3A_259 : i32
        %dma_start3A_261 = arith.constant 1 : i32
        %dma_start3A_262 = arith.constant 0 : i32
        %dma_start3A_263 = arith.constant 0 : i32
        %dma_start3A_264 = tpu.memref_slice %arg7[%dma_start3A_261, %dma_start3A_262, %dma_start3A_263] : memref<2x512x16xf32, #tpu.memory_space<vmem>> -> memref<1x512x16xf32, #tpu.memory_space<vmem>>
        %dma_start3A_265 = tpu.memref_squeeze %dma_start3A_264 : memref<1x512x16xf32, #tpu.memory_space<vmem>> -> memref<512x16xf32, #tpu.memory_space<vmem>>
        %dma_start3A_266 = arith.constant 0 : i32
        %dma_start3A_267 = tpu.memref_slice %arg2[%add3A_260, %dma_start3A_266] : memref<1048576x16xf32, #tpu.memory_space<hbm>> -> memref<512x16xf32, #tpu.memory_space<hbm>>
        %dma_start3A_268 = arith.constant 0 : i32
        %dma_start3A_269 = arith.constant 0 : i32
        %dma_start3A_270 = tpu.memref_slice %arg7[%dma_start3A_261, %dma_start3A_268, %dma_start3A_269] : memref<2x512x16xf32, #tpu.memory_space<vmem>> -> memref<1x512x16xf32, #tpu.memory_space<vmem>>
        %dma_start3A_271 = tpu.memref_squeeze %dma_start3A_270 : memref<1x512x16xf32, #tpu.memory_space<vmem>> -> memref<512x16xf32, #tpu.memory_space<vmem>>
        %dma_start3A_272 = arith.constant 0 : i32
        %dma_start3A_273 = tpu.memref_slice %arg2[%add3A_260, %dma_start3A_272] : memref<1048576x16xf32, #tpu.memory_space<hbm>> -> memref<512x16xf32, #tpu.memory_space<hbm>>
        tpu.enqueue_dma source(%dma_start3A_273 : memref<512x16xf32, #tpu.memory_space<hbm>>) target(%dma_start3A_271 : memref<512x16xf32, #tpu.memory_space<vmem>>) target_semaphore(%arg12 : memref<!tpu.dma_semaphore, #tpu.memory_space<semaphore_mem>>)
      } else {
      }
      %dma_wait3A_170 = arith.constant 0 : i32
      %dma_wait3A_171 = arith.constant 0 : i32
      %dma_wait3A_172 = arith.constant 0 : i32
      %dma_wait3A_173 = tpu.memref_slice %arg7[%dma_wait3A_170, %dma_wait3A_171, %dma_wait3A_172] : memref<2x512x16xf32, #tpu.memory_space<vmem>> -> memref<1x512x16xf32, #tpu.memory_space<vmem>>
      %dma_wait3A_174 = tpu.memref_squeeze %dma_wait3A_173 : memref<1x512x16xf32, #tpu.memory_space<vmem>> -> memref<512x16xf32, #tpu.memory_space<vmem>>
      %dma_wait3A_175 = arith.constant 0 : i32
      %dma_wait3A_176 = tpu.memref_slice %arg2[%add3A_165, %dma_wait3A_175] : memref<1048576x16xf32, #tpu.memory_space<hbm>> -> memref<512x16xf32, #tpu.memory_space<hbm>>
      %dma_wait3A_177 = arith.constant 0 : i32
      %dma_wait3A_178 = arith.constant 0 : i32
      %dma_wait3A_179 = tpu.memref_slice %arg7[%dma_wait3A_170, %dma_wait3A_177, %dma_wait3A_178] : memref<2x512x16xf32, #tpu.memory_space<vmem>> -> memref<1x512x16xf32, #tpu.memory_space<vmem>>
      %dma_wait3A_180 = tpu.memref_squeeze %dma_wait3A_179 : memref<1x512x16xf32, #tpu.memory_space<vmem>> -> memref<512x16xf32, #tpu.memory_space<vmem>>
      %dma_wait3A_181 = arith.constant 0 : i32
      %dma_wait3A_182 = tpu.memref_slice %arg2[%add3A_165, %dma_wait3A_181] : memref<1048576x16xf32, #tpu.memory_space<hbm>> -> memref<512x16xf32, #tpu.memory_space<hbm>>
      tpu.wait_dma2 semaphore(%arg11 : memref<!tpu.dma_semaphore, #tpu.memory_space<semaphore_mem>>) src(%dma_wait3A_182 : memref<512x16xf32, #tpu.memory_space<hbm>>) dst(%dma_wait3A_180 : memref<512x16xf32, #tpu.memory_space<vmem>>)
      %ge3A = arith.constant 2 : i32
      %ge3A_183 = arith.cmpi sge, %add3A_162, %ge3A : i32
      %convert_element_type3A_184 = arith.extui %ge3A_183 : i1 to i32
      %cond3A_185 = arith.constant 0 : i32
      %cond3A_186 = arith.cmpi ne, %convert_element_type3A_184, %cond3A_185 : i32
      scf.if %cond3A_186 {
        %dma_wait3A_259 = arith.constant 0 : i32
        %dma_wait3A_260 = arith.constant 0 : i32
        %dma_wait3A_261 = tpu.memref_slice %arg8[%dma_wait3A_259, %dma_wait3A_260] : memref<2x512xf32, #tpu.memory_space<vmem>> -> memref<1x512xf32, #tpu.memory_space<vmem>>
        %dma_wait3A_262 = tpu.memref_squeeze %dma_wait3A_261 : memref<1x512xf32, #tpu.memory_space<vmem>> -> memref<512xf32, #tpu.memory_space<vmem>>
        %dma_wait3A_263 = tpu.memref_slice %arg6[%add3A_165] : memref<1048576xf32, #tpu.memory_space<hbm>> -> memref<512xf32, #tpu.memory_space<hbm>>
        %dma_wait3A_264 = tpu.memref_slice %arg6[%add3A_165] : memref<1048576xf32, #tpu.memory_space<hbm>> -> memref<512xf32, #tpu.memory_space<hbm>>
        %dma_wait3A_265 = arith.constant 0 : i32
        %dma_wait3A_266 = tpu.memref_slice %arg8[%dma_wait3A_259, %dma_wait3A_265] : memref<2x512xf32, #tpu.memory_space<vmem>> -> memref<1x512xf32, #tpu.memory_space<vmem>>
        %dma_wait3A_267 = tpu.memref_squeeze %dma_wait3A_266 : memref<1x512xf32, #tpu.memory_space<vmem>> -> memref<512xf32, #tpu.memory_space<vmem>>
        tpu.wait_dma2 semaphore(%arg13 : memref<!tpu.dma_semaphore, #tpu.memory_space<semaphore_mem>>) src(%dma_wait3A_267 : memref<512xf32, #tpu.memory_space<vmem>>) dst(%dma_wait3A_264 : memref<512xf32, #tpu.memory_space<hbm>>)
      } else {
      }
      %mul3A_187 = arith.constant 0 : i32
      %mul3A_188 = vector.broadcast %mul3A_187 : i32 to vector<16xi32>
      %mul3A_189 = arith.muli %iota3A, %mul3A_188 : vector<16xi32>
      %add3A_190 = arith.constant 0 : i32
      %add3A_191 = vector.broadcast %add3A_190 : i32 to vector<16xi32>
      %add3A_192 = arith.addi %mul3A_189, %add3A_191 : vector<16xi32>
      %parallel_loop3A = arith.constant 0 : i32
      %parallel_loop3A_193 = arith.constant 32 : i32
      %parallel_loop3A_194 = arith.constant 1 : i32
      %parallel_loop3A_195 = arith.constant 0 : i32
      %parallel_loop3A_196 = scf.for %parallel_loop3A_259 = %parallel_loop3A to %parallel_loop3A_193 step %parallel_loop3A_194 iter_args(%parallel_loop3A_260 = %parallel_loop3A_195) -> (i32)  : i32 {
        %parallel_loop3A_261 = arith.constant 16 : i32
        %parallel_loop3A_262 = arith.muli %parallel_loop3A_259, %parallel_loop3A_261 : i32
        %parallel_loop3A_263 = arith.constant 0 : i32
        %parallel_loop3A_264 = arith.addi %parallel_loop3A_262, %parallel_loop3A_263 : i32
        %parallel_loop3A_265 = arith.constant 0 : i32
        %parallel_loop3A_266 = arith.index_cast %parallel_loop3A_265 : i32 to index
        %parallel_loop3A_267 = arith.index_cast %parallel_loop3A_264 : i32 to index
        %parallel_loop3A_268 = arith.constant 0 : index
        %parallel_loop3A_269 = tpu.vector_load %arg7[%parallel_loop3A_266, %parallel_loop3A_267, %parallel_loop3A_268] {strides = array<i32>} : memref<2x512x16xf32, #tpu.memory_space<vmem>>, vector<16xf32>,
        %parallel_loop3A_270 = arith.constant 1 : i32
        %parallel_loop3A_271 = arith.addi %parallel_loop3A_262, %parallel_loop3A_270 : i32
        %parallel_loop3A_272 = arith.constant 0 : i32
        %parallel_loop3A_273 = arith.index_cast %parallel_loop3A_272 : i32 to index
        %parallel_loop3A_274 = arith.index_cast %parallel_loop3A_271 : i32 to index
        %parallel_loop3A_275 = arith.constant 0 : index
        %parallel_loop3A_276 = tpu.vector_load %arg7[%parallel_loop3A_273, %parallel_loop3A_274, %parallel_loop3A_275] {strides = array<i32>} : memref<2x512x16xf32, #tpu.memory_space<vmem>>, vector<16xf32>,
        %parallel_loop3A_277 = arith.constant 2 : i32
        %parallel_loop3A_278 = arith.addi %parallel_loop3A_262, %parallel_loop3A_277 : i32
        %parallel_loop3A_279 = arith.constant 0 : i32
        %parallel_loop3A_280 = arith.index_cast %parallel_loop3A_279 : i32 to index
        %parallel_loop3A_281 = arith.index_cast %parallel_loop3A_278 : i32 to index
        %parallel_loop3A_282 = arith.constant 0 : index
        %parallel_loop3A_283 = tpu.vector_load %arg7[%parallel_loop3A_280, %parallel_loop3A_281, %parallel_loop3A_282] {strides = array<i32>} : memref<2x512x16xf32, #tpu.memory_space<vmem>>, vector<16xf32>,
        %parallel_loop3A_284 = arith.constant 3 : i32
        %parallel_loop3A_285 = arith.addi %parallel_loop3A_262, %parallel_loop3A_284 : i32
        %parallel_loop3A_286 = arith.constant 0 : i32
        %parallel_loop3A_287 = arith.index_cast %parallel_loop3A_286 : i32 to index
        %parallel_loop3A_288 = arith.index_cast %parallel_loop3A_285 : i32 to index
        %parallel_loop3A_289 = arith.constant 0 : index
        %parallel_loop3A_290 = tpu.vector_load %arg7[%parallel_loop3A_287, %parallel_loop3A_288, %parallel_loop3A_289] {strides = array<i32>} : memref<2x512x16xf32, #tpu.memory_space<vmem>>, vector<16xf32>,
        %parallel_loop3A_291 = arith.constant 4 : i32
        %parallel_loop3A_292 = arith.addi %parallel_loop3A_262, %parallel_loop3A_291 : i32
        %parallel_loop3A_293 = arith.constant 0 : i32
        %parallel_loop3A_294 = arith.index_cast %parallel_loop3A_293 : i32 to index
        %parallel_loop3A_295 = arith.index_cast %parallel_loop3A_292 : i32 to index
        %parallel_loop3A_296 = arith.constant 0 : index
        %parallel_loop3A_297 = tpu.vector_load %arg7[%parallel_loop3A_294, %parallel_loop3A_295, %parallel_loop3A_296] {strides = array<i32>} : memref<2x512x16xf32, #tpu.memory_space<vmem>>, vector<16xf32>,
        %parallel_loop3A_298 = arith.constant 5 : i32
        %parallel_loop3A_299 = arith.addi %parallel_loop3A_262, %parallel_loop3A_298 : i32
        %parallel_loop3A_300 = arith.constant 0 : i32
        %parallel_loop3A_301 = arith.index_cast %parallel_loop3A_300 : i32 to index
        %parallel_loop3A_302 = arith.index_cast %parallel_loop3A_299 : i32 to index
        %parallel_loop3A_303 = arith.constant 0 : index
        %parallel_loop3A_304 = tpu.vector_load %arg7[%parallel_loop3A_301, %parallel_loop3A_302, %parallel_loop3A_303] {strides = array<i32>} : memref<2x512x16xf32, #tpu.memory_space<vmem>>, vector<16xf32>,
        %parallel_loop3A_305 = arith.constant 6 : i32
        %parallel_loop3A_306 = arith.addi %parallel_loop3A_262, %parallel_loop3A_305 : i32
        %parallel_loop3A_307 = arith.constant 0 : i32
        %parallel_loop3A_308 = arith.index_cast %parallel_loop3A_307 : i32 to index
        %parallel_loop3A_309 = arith.index_cast %parallel_loop3A_306 : i32 to index
        %parallel_loop3A_310 = arith.constant 0 : index
        %parallel_loop3A_311 = tpu.vector_load %arg7[%parallel_loop3A_308, %parallel_loop3A_309, %parallel_loop3A_310] {strides = array<i32>} : memref<2x512x16xf32, #tpu.memory_space<vmem>>, vector<16xf32>,
        %parallel_loop3A_312 = arith.constant 7 : i32
        %parallel_loop3A_313 = arith.addi %parallel_loop3A_262, %parallel_loop3A_312 : i32
        %parallel_loop3A_314 = arith.constant 0 : i32
        %parallel_loop3A_315 = arith.index_cast %parallel_loop3A_314 : i32 to index
        %parallel_loop3A_316 = arith.index_cast %parallel_loop3A_313 : i32 to index
        %parallel_loop3A_317 = arith.constant 0 : index
        %parallel_loop3A_318 = tpu.vector_load %arg7[%parallel_loop3A_315, %parallel_loop3A_316, %parallel_loop3A_317] {strides = array<i32>} : memref<2x512x16xf32, #tpu.memory_space<vmem>>, vector<16xf32>,
        %parallel_loop3A_319 = arith.constant 8 : i32
        %parallel_loop3A_320 = arith.addi %parallel_loop3A_262, %parallel_loop3A_319 : i32
        %parallel_loop3A_321 = arith.constant 0 : i32
        %parallel_loop3A_322 = arith.index_cast %parallel_loop3A_321 : i32 to index
        %parallel_loop3A_323 = arith.index_cast %parallel_loop3A_320 : i32 to index
        %parallel_loop3A_324 = arith.constant 0 : index
        %parallel_loop3A_325 = tpu.vector_load %arg7[%parallel_loop3A_322, %parallel_loop3A_323, %parallel_loop3A_324] {strides = array<i32>} : memref<2x512x16xf32, #tpu.memory_space<vmem>>, vector<16xf32>,
        %parallel_loop3A_326 = arith.constant 9 : i32
        %parallel_loop3A_327 = arith.addi %parallel_loop3A_262, %parallel_loop3A_326 : i32
        %parallel_loop3A_328 = arith.constant 0 : i32
        %parallel_loop3A_329 = arith.index_cast %parallel_loop3A_328 : i32 to index
        %parallel_loop3A_330 = arith.index_cast %parallel_loop3A_327 : i32 to index
        %parallel_loop3A_331 = arith.constant 0 : index
        %parallel_loop3A_332 = tpu.vector_load %arg7[%parallel_loop3A_329, %parallel_loop3A_330, %parallel_loop3A_331] {strides = array<i32>} : memref<2x512x16xf32, #tpu.memory_space<vmem>>, vector<16xf32>,
        %parallel_loop3A_333 = arith.constant 10 : i32
        %parallel_loop3A_334 = arith.addi %parallel_loop3A_262, %parallel_loop3A_333 : i32
        %parallel_loop3A_335 = arith.constant 0 : i32
        %parallel_loop3A_336 = arith.index_cast %parallel_loop3A_335 : i32 to index
        %parallel_loop3A_337 = arith.index_cast %parallel_loop3A_334 : i32 to index
        %parallel_loop3A_338 = arith.constant 0 : index
        %parallel_loop3A_339 = tpu.vector_load %arg7[%parallel_loop3A_336, %parallel_loop3A_337, %parallel_loop3A_338] {strides = array<i32>} : memref<2x512x16xf32, #tpu.memory_space<vmem>>, vector<16xf32>,
        %parallel_loop3A_340 = arith.constant 11 : i32
        %parallel_loop3A_341 = arith.addi %parallel_loop3A_262, %parallel_loop3A_340 : i32
        %parallel_loop3A_342 = arith.constant 0 : i32
        %parallel_loop3A_343 = arith.index_cast %parallel_loop3A_342 : i32 to index
        %parallel_loop3A_344 = arith.index_cast %parallel_loop3A_341 : i32 to index
        %parallel_loop3A_345 = arith.constant 0 : index
        %parallel_loop3A_346 = tpu.vector_load %arg7[%parallel_loop3A_343, %parallel_loop3A_344, %parallel_loop3A_345] {strides = array<i32>} : memref<2x512x16xf32, #tpu.memory_space<vmem>>, vector<16xf32>,
        %parallel_loop3A_347 = arith.constant 12 : i32
        %parallel_loop3A_348 = arith.addi %parallel_loop3A_262, %parallel_loop3A_347 : i32
        %parallel_loop3A_349 = arith.constant 0 : i32
        %parallel_loop3A_350 = arith.index_cast %parallel_loop3A_349 : i32 to index
        %parallel_loop3A_351 = arith.index_cast %parallel_loop3A_348 : i32 to index
        %parallel_loop3A_352 = arith.constant 0 : index
        %parallel_loop3A_353 = tpu.vector_load %arg7[%parallel_loop3A_350, %parallel_loop3A_351, %parallel_loop3A_352] {strides = array<i32>} : memref<2x512x16xf32, #tpu.memory_space<vmem>>, vector<16xf32>,
        %parallel_loop3A_354 = arith.constant 13 : i32
        %parallel_loop3A_355 = arith.addi %parallel_loop3A_262, %parallel_loop3A_354 : i32
        %parallel_loop3A_356 = arith.constant 0 : i32
        %parallel_loop3A_357 = arith.index_cast %parallel_loop3A_356 : i32 to index
        %parallel_loop3A_358 = arith.index_cast %parallel_loop3A_355 : i32 to index
        %parallel_loop3A_359 = arith.constant 0 : index
        %parallel_loop3A_360 = tpu.vector_load %arg7[%parallel_loop3A_357, %parallel_loop3A_358, %parallel_loop3A_359] {strides = array<i32>} : memref<2x512x16xf32, #tpu.memory_space<vmem>>, vector<16xf32>,
        %parallel_loop3A_361 = arith.constant 14 : i32
        %parallel_loop3A_362 = arith.addi %parallel_loop3A_262, %parallel_loop3A_361 : i32
        %parallel_loop3A_363 = arith.constant 0 : i32
        %parallel_loop3A_364 = arith.index_cast %parallel_loop3A_363 : i32 to index
        %parallel_loop3A_365 = arith.index_cast %parallel_loop3A_362 : i32 to index
        %parallel_loop3A_366 = arith.constant 0 : index
        %parallel_loop3A_367 = tpu.vector_load %arg7[%parallel_loop3A_364, %parallel_loop3A_365, %parallel_loop3A_366] {strides = array<i32>} : memref<2x512x16xf32, #tpu.memory_space<vmem>>, vector<16xf32>,
        %parallel_loop3A_368 = arith.constant 15 : i32
        %parallel_loop3A_369 = arith.addi %parallel_loop3A_262, %parallel_loop3A_368 : i32
        %parallel_loop3A_370 = arith.constant 0 : i32
        %parallel_loop3A_371 = arith.index_cast %parallel_loop3A_370 : i32 to index
        %parallel_loop3A_372 = arith.index_cast %parallel_loop3A_369 : i32 to index
        %parallel_loop3A_373 = arith.constant 0 : index
        %parallel_loop3A_374 = tpu.vector_load %arg7[%parallel_loop3A_371, %parallel_loop3A_372, %parallel_loop3A_373] {strides = array<i32>} : memref<2x512x16xf32, #tpu.memory_space<vmem>>, vector<16xf32>,
        %parallel_loop3A_375 = arith.subf %parallel_loop3A_269, %get3A_7 : vector<16xf32>
        %parallel_loop3A_376 = arith.mulf %parallel_loop3A_375, %div3A_17 : vector<16xf32>
        %parallel_loop3A_377 = arith.subf %parallel_loop3A_276, %get3A_7 : vector<16xf32>
        %parallel_loop3A_378 = arith.mulf %parallel_loop3A_377, %div3A_17 : vector<16xf32>
        %parallel_loop3A_379 = arith.subf %parallel_loop3A_283, %get3A_7 : vector<16xf32>
        %parallel_loop3A_380 = arith.mulf %parallel_loop3A_379, %div3A_17 : vector<16xf32>
        %parallel_loop3A_381 = arith.subf %parallel_loop3A_290, %get3A_7 : vector<16xf32>
        %parallel_loop3A_382 = arith.mulf %parallel_loop3A_381, %div3A_17 : vector<16xf32>
        %parallel_loop3A_383 = arith.subf %parallel_loop3A_297, %get3A_7 : vector<16xf32>
        %parallel_loop3A_384 = arith.mulf %parallel_loop3A_383, %div3A_17 : vector<16xf32>
        %parallel_loop3A_385 = arith.subf %parallel_loop3A_304, %get3A_7 : vector<16xf32>
        %parallel_loop3A_386 = arith.mulf %parallel_loop3A_385, %div3A_17 : vector<16xf32>
        %parallel_loop3A_387 = arith.subf %parallel_loop3A_311, %get3A_7 : vector<16xf32>
        %parallel_loop3A_388 = arith.mulf %parallel_loop3A_387, %div3A_17 : vector<16xf32>
        %parallel_loop3A_389 = arith.subf %parallel_loop3A_318, %get3A_7 : vector<16xf32>
        %parallel_loop3A_390 = arith.mulf %parallel_loop3A_389, %div3A_17 : vector<16xf32>
        %parallel_loop3A_391 = arith.subf %parallel_loop3A_325, %get3A_7 : vector<16xf32>
        %parallel_loop3A_392 = arith.mulf %parallel_loop3A_391, %div3A_17 : vector<16xf32>
        %parallel_loop3A_393 = arith.subf %parallel_loop3A_332, %get3A_7 : vector<16xf32>
        %parallel_loop3A_394 = arith.mulf %parallel_loop3A_393, %div3A_17 : vector<16xf32>
        %parallel_loop3A_395 = arith.subf %parallel_loop3A_339, %get3A_7 : vector<16xf32>
        %parallel_loop3A_396 = arith.mulf %parallel_loop3A_395, %div3A_17 : vector<16xf32>
        %parallel_loop3A_397 = arith.subf %parallel_loop3A_346, %get3A_7 : vector<16xf32>
        %parallel_loop3A_398 = arith.mulf %parallel_loop3A_397, %div3A_17 : vector<16xf32>
        %parallel_loop3A_399 = arith.subf %parallel_loop3A_353, %get3A_7 : vector<16xf32>
        %parallel_loop3A_400 = arith.mulf %parallel_loop3A_399, %div3A_17 : vector<16xf32>
        %parallel_loop3A_401 = arith.subf %parallel_loop3A_360, %get3A_7 : vector<16xf32>
        %parallel_loop3A_402 = arith.mulf %parallel_loop3A_401, %div3A_17 : vector<16xf32>
        %parallel_loop3A_403 = arith.subf %parallel_loop3A_367, %get3A_7 : vector<16xf32>
        %parallel_loop3A_404 = arith.mulf %parallel_loop3A_403, %div3A_17 : vector<16xf32>
        %parallel_loop3A_405 = arith.subf %parallel_loop3A_374, %get3A_7 : vector<16xf32>
        %parallel_loop3A_406 = arith.mulf %parallel_loop3A_405, %div3A_17 : vector<16xf32>
        %parallel_loop3A_407 = arith.mulf %parallel_loop3A_376, %parallel_loop3A_376 : vector<16xf32>
        %parallel_loop3A_408 = arith.mulf %parallel_loop3A_378, %parallel_loop3A_378 : vector<16xf32>
        %parallel_loop3A_409 = arith.mulf %parallel_loop3A_380, %parallel_loop3A_380 : vector<16xf32>
        %parallel_loop3A_410 = arith.mulf %parallel_loop3A_382, %parallel_loop3A_382 : vector<16xf32>
        %parallel_loop3A_411 = arith.mulf %parallel_loop3A_384, %parallel_loop3A_384 : vector<16xf32>
        %parallel_loop3A_412 = arith.mulf %parallel_loop3A_386, %parallel_loop3A_386 : vector<16xf32>
        %parallel_loop3A_413 = arith.mulf %parallel_loop3A_388, %parallel_loop3A_388 : vector<16xf32>
        %parallel_loop3A_414 = arith.mulf %parallel_loop3A_390, %parallel_loop3A_390 : vector<16xf32>
        %parallel_loop3A_415 = arith.mulf %parallel_loop3A_392, %parallel_loop3A_392 : vector<16xf32>
        %parallel_loop3A_416 = arith.mulf %parallel_loop3A_394, %parallel_loop3A_394 : vector<16xf32>
        %parallel_loop3A_417 = arith.mulf %parallel_loop3A_396, %parallel_loop3A_396 : vector<16xf32>
        %parallel_loop3A_418 = arith.mulf %parallel_loop3A_398, %parallel_loop3A_398 : vector<16xf32>
        %parallel_loop3A_419 = arith.mulf %parallel_loop3A_400, %parallel_loop3A_400 : vector<16xf32>
        %parallel_loop3A_420 = arith.mulf %parallel_loop3A_402, %parallel_loop3A_402 : vector<16xf32>
        %parallel_loop3A_421 = arith.mulf %parallel_loop3A_404, %parallel_loop3A_404 : vector<16xf32>
        %parallel_loop3A_422 = arith.mulf %parallel_loop3A_406, %parallel_loop3A_406 : vector<16xf32>
        %parallel_loop3A_423 = arith.cmpf olt, %parallel_loop3A_407, %select_n3A : vector<16xf32>
        %parallel_loop3A_424 = arith.constant 2.000000e+02 : f32
        %parallel_loop3A_425 = vector.broadcast %parallel_loop3A_424 : f32 to vector<16xf32>
        %parallel_loop3A_426 = arith.select %parallel_loop3A_423, %parallel_loop3A_407, %parallel_loop3A_425 : vector<16xi1>, vector<16xf32>
        %parallel_loop3A_427 = arith.cmpf olt, %parallel_loop3A_408, %select_n3A : vector<16xf32>
        %parallel_loop3A_428 = arith.constant 2.000000e+02 : f32
        %parallel_loop3A_429 = vector.broadcast %parallel_loop3A_428 : f32 to vector<16xf32>
        %parallel_loop3A_430 = arith.select %parallel_loop3A_427, %parallel_loop3A_408, %parallel_loop3A_429 : vector<16xi1>, vector<16xf32>
        %parallel_loop3A_431 = arith.cmpf olt, %parallel_loop3A_409, %select_n3A : vector<16xf32>
        %parallel_loop3A_432 = arith.constant 2.000000e+02 : f32
        %parallel_loop3A_433 = vector.broadcast %parallel_loop3A_432 : f32 to vector<16xf32>
        %parallel_loop3A_434 = arith.select %parallel_loop3A_431, %parallel_loop3A_409, %parallel_loop3A_433 : vector<16xi1>, vector<16xf32>
        %parallel_loop3A_435 = arith.cmpf olt, %parallel_loop3A_410, %select_n3A : vector<16xf32>
        %parallel_loop3A_436 = arith.constant 2.000000e+02 : f32
        %parallel_loop3A_437 = vector.broadcast %parallel_loop3A_436 : f32 to vector<16xf32>
        %parallel_loop3A_438 = arith.select %parallel_loop3A_435, %parallel_loop3A_410, %parallel_loop3A_437 : vector<16xi1>, vector<16xf32>
        %parallel_loop3A_439 = arith.cmpf olt, %parallel_loop3A_411, %select_n3A : vector<16xf32>
        %parallel_loop3A_440 = arith.constant 2.000000e+02 : f32
        %parallel_loop3A_441 = vector.broadcast %parallel_loop3A_440 : f32 to vector<16xf32>
        %parallel_loop3A_442 = arith.select %parallel_loop3A_439, %parallel_loop3A_411, %parallel_loop3A_441 : vector<16xi1>, vector<16xf32>
        %parallel_loop3A_443 = arith.cmpf olt, %parallel_loop3A_412, %select_n3A : vector<16xf32>
        %parallel_loop3A_444 = arith.constant 2.000000e+02 : f32
        %parallel_loop3A_445 = vector.broadcast %parallel_loop3A_444 : f32 to vector<16xf32>
        %parallel_loop3A_446 = arith.select %parallel_loop3A_443, %parallel_loop3A_412, %parallel_loop3A_445 : vector<16xi1>, vector<16xf32>
        %parallel_loop3A_447 = arith.cmpf olt, %parallel_loop3A_413, %select_n3A : vector<16xf32>
        %parallel_loop3A_448 = arith.constant 2.000000e+02 : f32
        %parallel_loop3A_449 = vector.broadcast %parallel_loop3A_448 : f32 to vector<16xf32>
        %parallel_loop3A_450 = arith.select %parallel_loop3A_447, %parallel_loop3A_413, %parallel_loop3A_449 : vector<16xi1>, vector<16xf32>
        %parallel_loop3A_451 = arith.cmpf olt, %parallel_loop3A_414, %select_n3A : vector<16xf32>
        %parallel_loop3A_452 = arith.constant 2.000000e+02 : f32
        %parallel_loop3A_453 = vector.broadcast %parallel_loop3A_452 : f32 to vector<16xf32>
        %parallel_loop3A_454 = arith.select %parallel_loop3A_451, %parallel_loop3A_414, %parallel_loop3A_453 : vector<16xi1>, vector<16xf32>
        %parallel_loop3A_455 = arith.cmpf olt, %parallel_loop3A_415, %select_n3A : vector<16xf32>
        %parallel_loop3A_456 = arith.constant 2.000000e+02 : f32
        %parallel_loop3A_457 = vector.broadcast %parallel_loop3A_456 : f32 to vector<16xf32>
        %parallel_loop3A_458 = arith.select %parallel_loop3A_455, %parallel_loop3A_415, %parallel_loop3A_457 : vector<16xi1>, vector<16xf32>
        %parallel_loop3A_459 = arith.cmpf olt, %parallel_loop3A_416, %select_n3A : vector<16xf32>
        %parallel_loop3A_460 = arith.constant 2.000000e+02 : f32
        %parallel_loop3A_461 = vector.broadcast %parallel_loop3A_460 : f32 to vector<16xf32>
        %parallel_loop3A_462 = arith.select %parallel_loop3A_459, %parallel_loop3A_416, %parallel_loop3A_461 : vector<16xi1>, vector<16xf32>
        %parallel_loop3A_463 = arith.cmpf olt, %parallel_loop3A_417, %select_n3A : vector<16xf32>
        %parallel_loop3A_464 = arith.constant 2.000000e+02 : f32
        %parallel_loop3A_465 = vector.broadcast %parallel_loop3A_464 : f32 to vector<16xf32>
        %parallel_loop3A_466 = arith.select %parallel_loop3A_463, %parallel_loop3A_417, %parallel_loop3A_465 : vector<16xi1>, vector<16xf32>
        %parallel_loop3A_467 = arith.cmpf olt, %parallel_loop3A_418, %select_n3A : vector<16xf32>
        %parallel_loop3A_468 = arith.constant 2.000000e+02 : f32
        %parallel_loop3A_469 = vector.broadcast %parallel_loop3A_468 : f32 to vector<16xf32>
        %parallel_loop3A_470 = arith.select %parallel_loop3A_467, %parallel_loop3A_418, %parallel_loop3A_469 : vector<16xi1>, vector<16xf32>
        %parallel_loop3A_471 = arith.cmpf olt, %parallel_loop3A_419, %select_n3A : vector<16xf32>
        %parallel_loop3A_472 = arith.constant 2.000000e+02 : f32
        %parallel_loop3A_473 = vector.broadcast %parallel_loop3A_472 : f32 to vector<16xf32>
        %parallel_loop3A_474 = arith.select %parallel_loop3A_471, %parallel_loop3A_419, %parallel_loop3A_473 : vector<16xi1>, vector<16xf32>
        %parallel_loop3A_475 = arith.cmpf olt, %parallel_loop3A_420, %select_n3A : vector<16xf32>
        %parallel_loop3A_476 = arith.constant 2.000000e+02 : f32
        %parallel_loop3A_477 = vector.broadcast %parallel_loop3A_476 : f32 to vector<16xf32>
        %parallel_loop3A_478 = arith.select %parallel_loop3A_475, %parallel_loop3A_420, %parallel_loop3A_477 : vector<16xi1>, vector<16xf32>
        %parallel_loop3A_479 = arith.cmpf olt, %parallel_loop3A_421, %select_n3A : vector<16xf32>
        %parallel_loop3A_480 = arith.constant 2.000000e+02 : f32
        %parallel_loop3A_481 = vector.broadcast %parallel_loop3A_480 : f32 to vector<16xf32>
        %parallel_loop3A_482 = arith.select %parallel_loop3A_479, %parallel_loop3A_421, %parallel_loop3A_481 : vector<16xi1>, vector<16xf32>
        %parallel_loop3A_483 = arith.cmpf olt, %parallel_loop3A_422, %select_n3A : vector<16xf32>
        %parallel_loop3A_484 = arith.constant 2.000000e+02 : f32
        %parallel_loop3A_485 = vector.broadcast %parallel_loop3A_484 : f32 to vector<16xf32>
        %parallel_loop3A_486 = arith.select %parallel_loop3A_483, %parallel_loop3A_422, %parallel_loop3A_485 : vector<16xi1>, vector<16xf32>
        %parallel_loop3A_487 = arith.constant 0 : i32
        %parallel_loop3A_488 = arith.constant 0 : i32
        %parallel_loop3A_489 = arith.index_cast %parallel_loop3A_487 : i32 to index
        %parallel_loop3A_490 = arith.index_cast %parallel_loop3A_259 : i32 to index
        %parallel_loop3A_491 = arith.index_cast %parallel_loop3A_488 : i32 to index
        %parallel_loop3A_492 = arith.constant 0 : index
        %parallel_loop3A_493 = tpu.vector_load %arg10[%parallel_loop3A_489, %parallel_loop3A_490, %parallel_loop3A_491, %parallel_loop3A_492] {strides = array<i32>} : memref<2x32x16x17xf32, #tpu.memory_space<vmem>>, vector<16xf32>,
        tpu.vector_store %arg10[%parallel_loop3A_489, %parallel_loop3A_490, %parallel_loop3A_491, %parallel_loop3A_492], %parallel_loop3A_426 {strides = array<i32>} : memref<2x32x16x17xf32, #tpu.memory_space<vmem>>, vector<16xf32>,
        %parallel_loop3A_494 = arith.constant 0 : i32
        %parallel_loop3A_495 = arith.constant 1 : i32
        %parallel_loop3A_496 = arith.index_cast %parallel_loop3A_494 : i32 to index
        %parallel_loop3A_497 = arith.index_cast %parallel_loop3A_259 : i32 to index
        %parallel_loop3A_498 = arith.index_cast %parallel_loop3A_495 : i32 to index
        %parallel_loop3A_499 = arith.constant 0 : index
        %parallel_loop3A_500 = tpu.vector_load %arg10[%parallel_loop3A_496, %parallel_loop3A_497, %parallel_loop3A_498, %parallel_loop3A_499] {strides = array<i32>} : memref<2x32x16x17xf32, #tpu.memory_space<vmem>>, vector<16xf32>,
        tpu.vector_store %arg10[%parallel_loop3A_496, %parallel_loop3A_497, %parallel_loop3A_498, %parallel_loop3A_499], %parallel_loop3A_430 {strides = array<i32>} : memref<2x32x16x17xf32, #tpu.memory_space<vmem>>, vector<16xf32>,
        %parallel_loop3A_501 = arith.constant 0 : i32
        %parallel_loop3A_502 = arith.constant 2 : i32
        %parallel_loop3A_503 = arith.index_cast %parallel_loop3A_501 : i32 to index
        %parallel_loop3A_504 = arith.index_cast %parallel_loop3A_259 : i32 to index
        %parallel_loop3A_505 = arith.index_cast %parallel_loop3A_502 : i32 to index
        %parallel_loop3A_506 = arith.constant 0 : index
        %parallel_loop3A_507 = tpu.vector_load %arg10[%parallel_loop3A_503, %parallel_loop3A_504, %parallel_loop3A_505, %parallel_loop3A_506] {strides = array<i32>} : memref<2x32x16x17xf32, #tpu.memory_space<vmem>>, vector<16xf32>,
        tpu.vector_store %arg10[%parallel_loop3A_503, %parallel_loop3A_504, %parallel_loop3A_505, %parallel_loop3A_506], %parallel_loop3A_434 {strides = array<i32>} : memref<2x32x16x17xf32, #tpu.memory_space<vmem>>, vector<16xf32>,
        %parallel_loop3A_508 = arith.constant 0 : i32
        %parallel_loop3A_509 = arith.constant 3 : i32
        %parallel_loop3A_510 = arith.index_cast %parallel_loop3A_508 : i32 to index
        %parallel_loop3A_511 = arith.index_cast %parallel_loop3A_259 : i32 to index
        %parallel_loop3A_512 = arith.index_cast %parallel_loop3A_509 : i32 to index
        %parallel_loop3A_513 = arith.constant 0 : index
        %parallel_loop3A_514 = tpu.vector_load %arg10[%parallel_loop3A_510, %parallel_loop3A_511, %parallel_loop3A_512, %parallel_loop3A_513] {strides = array<i32>} : memref<2x32x16x17xf32, #tpu.memory_space<vmem>>, vector<16xf32>,
        tpu.vector_store %arg10[%parallel_loop3A_510, %parallel_loop3A_511, %parallel_loop3A_512, %parallel_loop3A_513], %parallel_loop3A_438 {strides = array<i32>} : memref<2x32x16x17xf32, #tpu.memory_space<vmem>>, vector<16xf32>,
        %parallel_loop3A_515 = arith.constant 0 : i32
        %parallel_loop3A_516 = arith.constant 4 : i32
        %parallel_loop3A_517 = arith.index_cast %parallel_loop3A_515 : i32 to index
        %parallel_loop3A_518 = arith.index_cast %parallel_loop3A_259 : i32 to index
        %parallel_loop3A_519 = arith.index_cast %parallel_loop3A_516 : i32 to index
        %parallel_loop3A_520 = arith.constant 0 : index
        %parallel_loop3A_521 = tpu.vector_load %arg10[%parallel_loop3A_517, %parallel_loop3A_518, %parallel_loop3A_519, %parallel_loop3A_520] {strides = array<i32>} : memref<2x32x16x17xf32, #tpu.memory_space<vmem>>, vector<16xf32>,
        tpu.vector_store %arg10[%parallel_loop3A_517, %parallel_loop3A_518, %parallel_loop3A_519, %parallel_loop3A_520], %parallel_loop3A_442 {strides = array<i32>} : memref<2x32x16x17xf32, #tpu.memory_space<vmem>>, vector<16xf32>,
        %parallel_loop3A_522 = arith.constant 0 : i32
        %parallel_loop3A_523 = arith.constant 5 : i32
        %parallel_loop3A_524 = arith.index_cast %parallel_loop3A_522 : i32 to index
        %parallel_loop3A_525 = arith.index_cast %parallel_loop3A_259 : i32 to index
        %parallel_loop3A_526 = arith.index_cast %parallel_loop3A_523 : i32 to index
        %parallel_loop3A_527 = arith.constant 0 : index
        %parallel_loop3A_528 = tpu.vector_load %arg10[%parallel_loop3A_524, %parallel_loop3A_525, %parallel_loop3A_526, %parallel_loop3A_527] {strides = array<i32>} : memref<2x32x16x17xf32, #tpu.memory_space<vmem>>, vector<16xf32>,
        tpu.vector_store %arg10[%parallel_loop3A_524, %parallel_loop3A_525, %parallel_loop3A_526, %parallel_loop3A_527], %parallel_loop3A_446 {strides = array<i32>} : memref<2x32x16x17xf32, #tpu.memory_space<vmem>>, vector<16xf32>,
        %parallel_loop3A_529 = arith.constant 0 : i32
        %parallel_loop3A_530 = arith.constant 6 : i32
        %parallel_loop3A_531 = arith.index_cast %parallel_loop3A_529 : i32 to index
        %parallel_loop3A_532 = arith.index_cast %parallel_loop3A_259 : i32 to index
        %parallel_loop3A_533 = arith.index_cast %parallel_loop3A_530 : i32 to index
        %parallel_loop3A_534 = arith.constant 0 : index
        %parallel_loop3A_535 = tpu.vector_load %arg10[%parallel_loop3A_531, %parallel_loop3A_532, %parallel_loop3A_533, %parallel_loop3A_534] {strides = array<i32>} : memref<2x32x16x17xf32, #tpu.memory_space<vmem>>, vector<16xf32>,
        tpu.vector_store %arg10[%parallel_loop3A_531, %parallel_loop3A_532, %parallel_loop3A_533, %parallel_loop3A_534], %parallel_loop3A_450 {strides = array<i32>} : memref<2x32x16x17xf32, #tpu.memory_space<vmem>>, vector<16xf32>,
        %parallel_loop3A_536 = arith.constant 0 : i32
        %parallel_loop3A_537 = arith.constant 7 : i32
        %parallel_loop3A_538 = arith.index_cast %parallel_loop3A_536 : i32 to index
        %parallel_loop3A_539 = arith.index_cast %parallel_loop3A_259 : i32 to index
        %parallel_loop3A_540 = arith.index_cast %parallel_loop3A_537 : i32 to index
        %parallel_loop3A_541 = arith.constant 0 : index
        %parallel_loop3A_542 = tpu.vector_load %arg10[%parallel_loop3A_538, %parallel_loop3A_539, %parallel_loop3A_540, %parallel_loop3A_541] {strides = array<i32>} : memref<2x32x16x17xf32, #tpu.memory_space<vmem>>, vector<16xf32>,
        tpu.vector_store %arg10[%parallel_loop3A_538, %parallel_loop3A_539, %parallel_loop3A_540, %parallel_loop3A_541], %parallel_loop3A_454 {strides = array<i32>} : memref<2x32x16x17xf32, #tpu.memory_space<vmem>>, vector<16xf32>,
        %parallel_loop3A_543 = arith.constant 0 : i32
        %parallel_loop3A_544 = arith.constant 8 : i32
        %parallel_loop3A_545 = arith.index_cast %parallel_loop3A_543 : i32 to index
        %parallel_loop3A_546 = arith.index_cast %parallel_loop3A_259 : i32 to index
        %parallel_loop3A_547 = arith.index_cast %parallel_loop3A_544 : i32 to index
        %parallel_loop3A_548 = arith.constant 0 : index
        %parallel_loop3A_549 = tpu.vector_load %arg10[%parallel_loop3A_545, %parallel_loop3A_546, %parallel_loop3A_547, %parallel_loop3A_548] {strides = array<i32>} : memref<2x32x16x17xf32, #tpu.memory_space<vmem>>, vector<16xf32>,
        tpu.vector_store %arg10[%parallel_loop3A_545, %parallel_loop3A_546, %parallel_loop3A_547, %parallel_loop3A_548], %parallel_loop3A_458 {strides = array<i32>} : memref<2x32x16x17xf32, #tpu.memory_space<vmem>>, vector<16xf32>,
        %parallel_loop3A_550 = arith.constant 0 : i32
        %parallel_loop3A_551 = arith.constant 9 : i32
        %parallel_loop3A_552 = arith.index_cast %parallel_loop3A_550 : i32 to index
        %parallel_loop3A_553 = arith.index_cast %parallel_loop3A_259 : i32 to index
        %parallel_loop3A_554 = arith.index_cast %parallel_loop3A_551 : i32 to index
        %parallel_loop3A_555 = arith.constant 0 : index
        %parallel_loop3A_556 = tpu.vector_load %arg10[%parallel_loop3A_552, %parallel_loop3A_553, %parallel_loop3A_554, %parallel_loop3A_555] {strides = array<i32>} : memref<2x32x16x17xf32, #tpu.memory_space<vmem>>, vector<16xf32>,
        tpu.vector_store %arg10[%parallel_loop3A_552, %parallel_loop3A_553, %parallel_loop3A_554, %parallel_loop3A_555], %parallel_loop3A_462 {strides = array<i32>} : memref<2x32x16x17xf32, #tpu.memory_space<vmem>>, vector<16xf32>,
        %parallel_loop3A_557 = arith.constant 0 : i32
        %parallel_loop3A_558 = arith.constant 10 : i32
        %parallel_loop3A_559 = arith.index_cast %parallel_loop3A_557 : i32 to index
        %parallel_loop3A_560 = arith.index_cast %parallel_loop3A_259 : i32 to index
        %parallel_loop3A_561 = arith.index_cast %parallel_loop3A_558 : i32 to index
        %parallel_loop3A_562 = arith.constant 0 : index
        %parallel_loop3A_563 = tpu.vector_load %arg10[%parallel_loop3A_559, %parallel_loop3A_560, %parallel_loop3A_561, %parallel_loop3A_562] {strides = array<i32>} : memref<2x32x16x17xf32, #tpu.memory_space<vmem>>, vector<16xf32>,
        tpu.vector_store %arg10[%parallel_loop3A_559, %parallel_loop3A_560, %parallel_loop3A_561, %parallel_loop3A_562], %parallel_loop3A_466 {strides = array<i32>} : memref<2x32x16x17xf32, #tpu.memory_space<vmem>>, vector<16xf32>,
        %parallel_loop3A_564 = arith.constant 0 : i32
        %parallel_loop3A_565 = arith.constant 11 : i32
        %parallel_loop3A_566 = arith.index_cast %parallel_loop3A_564 : i32 to index
        %parallel_loop3A_567 = arith.index_cast %parallel_loop3A_259 : i32 to index
        %parallel_loop3A_568 = arith.index_cast %parallel_loop3A_565 : i32 to index
        %parallel_loop3A_569 = arith.constant 0 : index
        %parallel_loop3A_570 = tpu.vector_load %arg10[%parallel_loop3A_566, %parallel_loop3A_567, %parallel_loop3A_568, %parallel_loop3A_569] {strides = array<i32>} : memref<2x32x16x17xf32, #tpu.memory_space<vmem>>, vector<16xf32>,
        tpu.vector_store %arg10[%parallel_loop3A_566, %parallel_loop3A_567, %parallel_loop3A_568, %parallel_loop3A_569], %parallel_loop3A_470 {strides = array<i32>} : memref<2x32x16x17xf32, #tpu.memory_space<vmem>>, vector<16xf32>,
        %parallel_loop3A_571 = arith.constant 0 : i32
        %parallel_loop3A_572 = arith.constant 12 : i32
        %parallel_loop3A_573 = arith.index_cast %parallel_loop3A_571 : i32 to index
        %parallel_loop3A_574 = arith.index_cast %parallel_loop3A_259 : i32 to index
        %parallel_loop3A_575 = arith.index_cast %parallel_loop3A_572 : i32 to index
        %parallel_loop3A_576 = arith.constant 0 : index
        %parallel_loop3A_577 = tpu.vector_load %arg10[%parallel_loop3A_573, %parallel_loop3A_574, %parallel_loop3A_575, %parallel_loop3A_576] {strides = array<i32>} : memref<2x32x16x17xf32, #tpu.memory_space<vmem>>, vector<16xf32>,
        tpu.vector_store %arg10[%parallel_loop3A_573, %parallel_loop3A_574, %parallel_loop3A_575, %parallel_loop3A_576], %parallel_loop3A_474 {strides = array<i32>} : memref<2x32x16x17xf32, #tpu.memory_space<vmem>>, vector<16xf32>,
        %parallel_loop3A_578 = arith.constant 0 : i32
        %parallel_loop3A_579 = arith.constant 13 : i32
        %parallel_loop3A_580 = arith.index_cast %parallel_loop3A_578 : i32 to index
        %parallel_loop3A_581 = arith.index_cast %parallel_loop3A_259 : i32 to index
        %parallel_loop3A_582 = arith.index_cast %parallel_loop3A_579 : i32 to index
        %parallel_loop3A_583 = arith.constant 0 : index
        %parallel_loop3A_584 = tpu.vector_load %arg10[%parallel_loop3A_580, %parallel_loop3A_581, %parallel_loop3A_582, %parallel_loop3A_583] {strides = array<i32>} : memref<2x32x16x17xf32, #tpu.memory_space<vmem>>, vector<16xf32>,
        tpu.vector_store %arg10[%parallel_loop3A_580, %parallel_loop3A_581, %parallel_loop3A_582, %parallel_loop3A_583], %parallel_loop3A_478 {strides = array<i32>} : memref<2x32x16x17xf32, #tpu.memory_space<vmem>>, vector<16xf32>,
        %parallel_loop3A_585 = arith.constant 0 : i32
        %parallel_loop3A_586 = arith.constant 14 : i32
        %parallel_loop3A_587 = arith.index_cast %parallel_loop3A_585 : i32 to index
        %parallel_loop3A_588 = arith.index_cast %parallel_loop3A_259 : i32 to index
        %parallel_loop3A_589 = arith.index_cast %parallel_loop3A_586 : i32 to index
        %parallel_loop3A_590 = arith.constant 0 : index
        %parallel_loop3A_591 = tpu.vector_load %arg10[%parallel_loop3A_587, %parallel_loop3A_588, %parallel_loop3A_589, %parallel_loop3A_590] {strides = array<i32>} : memref<2x32x16x17xf32, #tpu.memory_space<vmem>>, vector<16xf32>,
        tpu.vector_store %arg10[%parallel_loop3A_587, %parallel_loop3A_588, %parallel_loop3A_589, %parallel_loop3A_590], %parallel_loop3A_482 {strides = array<i32>} : memref<2x32x16x17xf32, #tpu.memory_space<vmem>>, vector<16xf32>,
        %parallel_loop3A_592 = arith.constant 0 : i32
        %parallel_loop3A_593 = arith.constant 15 : i32
        %parallel_loop3A_594 = arith.index_cast %parallel_loop3A_592 : i32 to index
        %parallel_loop3A_595 = arith.index_cast %parallel_loop3A_259 : i32 to index
        %parallel_loop3A_596 = arith.index_cast %parallel_loop3A_593 : i32 to index
        %parallel_loop3A_597 = arith.constant 0 : index
        %parallel_loop3A_598 = tpu.vector_load %arg10[%parallel_loop3A_594, %parallel_loop3A_595, %parallel_loop3A_596, %parallel_loop3A_597] {strides = array<i32>} : memref<2x32x16x17xf32, #tpu.memory_space<vmem>>, vector<16xf32>,
        tpu.vector_store %arg10[%parallel_loop3A_594, %parallel_loop3A_595, %parallel_loop3A_596, %parallel_loop3A_597], %parallel_loop3A_486 {strides = array<i32>} : memref<2x32x16x17xf32, #tpu.memory_space<vmem>>, vector<16xf32>,
        %parallel_loop3A_599 = arith.constant 0 : i32
        %parallel_loop3A_600 = vector.broadcast %parallel_loop3A_599 : i32 to vector<16xi32>
        %parallel_loop3A_601 = arith.muli %iota3A, %parallel_loop3A_600 : vector<16xi32>
        %parallel_loop3A_602 = vector.broadcast %parallel_loop3A_259 : i32 to vector<16xi32>
        %parallel_loop3A_603 = arith.addi %parallel_loop3A_601, %parallel_loop3A_602 : vector<16xi32>
        %parallel_loop3A_604 = tpu.vector_load_idx %arg10[%add3A_192, %parallel_loop3A_603, %iota3A, %add3A_27] : memref<2x32x16x17xf32, #tpu.memory_space<vmem>>[vector<16xi32>, vector<16xi32>, vector<16xi32>, vector<16xi32>], vector<16xf32>,
        %parallel_loop3A_605 = tpu.vector_load_idx %arg10[%add3A_192, %parallel_loop3A_603, %iota3A, %add3A_33] : memref<2x32x16x17xf32, #tpu.memory_space<vmem>>[vector<16xi32>, vector<16xi32>, vector<16xi32>, vector<16xi32>], vector<16xf32>,
        %parallel_loop3A_606 = tpu.vector_load_idx %arg10[%add3A_192, %parallel_loop3A_603, %iota3A, %add3A_39] : memref<2x32x16x17xf32, #tpu.memory_space<vmem>>[vector<16xi32>, vector<16xi32>, vector<16xi32>, vector<16xi32>], vector<16xf32>,
        %parallel_loop3A_607 = tpu.vector_load_idx %arg10[%add3A_192, %parallel_loop3A_603, %iota3A, %add3A_45] : memref<2x32x16x17xf32, #tpu.memory_space<vmem>>[vector<16xi32>, vector<16xi32>, vector<16xi32>, vector<16xi32>], vector<16xf32>,
        %parallel_loop3A_608 = tpu.vector_load_idx %arg10[%add3A_192, %parallel_loop3A_603, %iota3A, %add3A_51] : memref<2x32x16x17xf32, #tpu.memory_space<vmem>>[vector<16xi32>, vector<16xi32>, vector<16xi32>, vector<16xi32>], vector<16xf32>,
        %parallel_loop3A_609 = tpu.vector_load_idx %arg10[%add3A_192, %parallel_loop3A_603, %iota3A, %add3A_57] : memref<2x32x16x17xf32, #tpu.memory_space<vmem>>[vector<16xi32>, vector<16xi32>, vector<16xi32>, vector<16xi32>], vector<16xf32>,
        %parallel_loop3A_610 = tpu.vector_load_idx %arg10[%add3A_192, %parallel_loop3A_603, %iota3A, %add3A_63] : memref<2x32x16x17xf32, #tpu.memory_space<vmem>>[vector<16xi32>, vector<16xi32>, vector<16xi32>, vector<16xi32>], vector<16xf32>,
        %parallel_loop3A_611 = tpu.vector_load_idx %arg10[%add3A_192, %parallel_loop3A_603, %iota3A, %add3A_69] : memref<2x32x16x17xf32, #tpu.memory_space<vmem>>[vector<16xi32>, vector<16xi32>, vector<16xi32>, vector<16xi32>], vector<16xf32>,
        %parallel_loop3A_612 = tpu.vector_load_idx %arg10[%add3A_192, %parallel_loop3A_603, %iota3A, %add3A_75] : memref<2x32x16x17xf32, #tpu.memory_space<vmem>>[vector<16xi32>, vector<16xi32>, vector<16xi32>, vector<16xi32>], vector<16xf32>,
        %parallel_loop3A_613 = tpu.vector_load_idx %arg10[%add3A_192, %parallel_loop3A_603, %iota3A, %add3A_81] : memref<2x32x16x17xf32, #tpu.memory_space<vmem>>[vector<16xi32>, vector<16xi32>, vector<16xi32>, vector<16xi32>], vector<16xf32>,
        %parallel_loop3A_614 = tpu.vector_load_idx %arg10[%add3A_192, %parallel_loop3A_603, %iota3A, %add3A_87] : memref<2x32x16x17xf32, #tpu.memory_space<vmem>>[vector<16xi32>, vector<16xi32>, vector<16xi32>, vector<16xi32>], vector<16xf32>,
        %parallel_loop3A_615 = tpu.vector_load_idx %arg10[%add3A_192, %parallel_loop3A_603, %iota3A, %add3A_93] : memref<2x32x16x17xf32, #tpu.memory_space<vmem>>[vector<16xi32>, vector<16xi32>, vector<16xi32>, vector<16xi32>], vector<16xf32>,
        %parallel_loop3A_616 = tpu.vector_load_idx %arg10[%add3A_192, %parallel_loop3A_603, %iota3A, %add3A_99] : memref<2x32x16x17xf32, #tpu.memory_space<vmem>>[vector<16xi32>, vector<16xi32>, vector<16xi32>, vector<16xi32>], vector<16xf32>,
        %parallel_loop3A_617 = tpu.vector_load_idx %arg10[%add3A_192, %parallel_loop3A_603, %iota3A, %add3A_105] : memref<2x32x16x17xf32, #tpu.memory_space<vmem>>[vector<16xi32>, vector<16xi32>, vector<16xi32>, vector<16xi32>], vector<16xf32>,
        %parallel_loop3A_618 = tpu.vector_load_idx %arg10[%add3A_192, %parallel_loop3A_603, %iota3A, %add3A_111] : memref<2x32x16x17xf32, #tpu.memory_space<vmem>>[vector<16xi32>, vector<16xi32>, vector<16xi32>, vector<16xi32>], vector<16xf32>,
        %parallel_loop3A_619 = tpu.vector_load_idx %arg10[%add3A_192, %parallel_loop3A_603, %iota3A, %add3A_117] : memref<2x32x16x17xf32, #tpu.memory_space<vmem>>[vector<16xi32>, vector<16xi32>, vector<16xi32>, vector<16xi32>], vector<16xf32>,
        %parallel_loop3A_620 = arith.addf %parallel_loop3A_604, %parallel_loop3A_605 : vector<16xf32>
        %parallel_loop3A_621 = arith.addf %parallel_loop3A_606, %parallel_loop3A_607 : vector<16xf32>
        %parallel_loop3A_622 = arith.addf %parallel_loop3A_608, %parallel_loop3A_609 : vector<16xf32>
        %parallel_loop3A_623 = arith.addf %parallel_loop3A_610, %parallel_loop3A_611 : vector<16xf32>
        %parallel_loop3A_624 = arith.addf %parallel_loop3A_612, %parallel_loop3A_613 : vector<16xf32>
        %parallel_loop3A_625 = arith.addf %parallel_loop3A_614, %parallel_loop3A_615 : vector<16xf32>
        %parallel_loop3A_626 = arith.addf %parallel_loop3A_616, %parallel_loop3A_617 : vector<16xf32>
        %parallel_loop3A_627 = arith.addf %parallel_loop3A_618, %parallel_loop3A_619 : vector<16xf32>
        %parallel_loop3A_628 = arith.addf %parallel_loop3A_620, %parallel_loop3A_621 : vector<16xf32>
        %parallel_loop3A_629 = arith.addf %parallel_loop3A_622, %parallel_loop3A_623 : vector<16xf32>
        %parallel_loop3A_630 = arith.addf %parallel_loop3A_624, %parallel_loop3A_625 : vector<16xf32>
        %parallel_loop3A_631 = arith.addf %parallel_loop3A_626, %parallel_loop3A_627 : vector<16xf32>
        %parallel_loop3A_632 = arith.addf %parallel_loop3A_628, %parallel_loop3A_629 : vector<16xf32>
        %parallel_loop3A_633 = arith.addf %parallel_loop3A_630, %parallel_loop3A_631 : vector<16xf32>
        %parallel_loop3A_634 = arith.addf %parallel_loop3A_632, %parallel_loop3A_633 : vector<16xf32>
        %parallel_loop3A_635 = arith.constant 0.000000e+00 : f32
        %parallel_loop3A_636 = vector.broadcast %parallel_loop3A_635 : f32 to vector<16xf32>
        %parallel_loop3A_637 = arith.subf %parallel_loop3A_636, %parallel_loop3A_634 : vector<16xf32>
        %parallel_loop3A_638 = math.exp %parallel_loop3A_637 : vector<16xf32>
        %parallel_loop3A_639 = arith.mulf %get3A_15, %parallel_loop3A_638 : vector<16xf32>
        %parallel_loop3A_640 = arith.constant 0 : i32
        %parallel_loop3A_641 = arith.index_cast %parallel_loop3A_640 : i32 to index
        %parallel_loop3A_642 = arith.index_cast %parallel_loop3A_262 : i32 to index
        %parallel_loop3A_643 = tpu.vector_load %arg8[%parallel_loop3A_641, %parallel_loop3A_642] {strides = array<i32>} : memref<2x512xf32, #tpu.memory_space<vmem>>, vector<16xf32>,
        tpu.vector_store %arg8[%parallel_loop3A_641, %parallel_loop3A_642], %parallel_loop3A_639 {strides = array<i32>} : memref<2x512xf32, #tpu.memory_space<vmem>>, vector<16xf32>,
        %parallel_loop3A_644 = arith.constant 0 : i32
        scf.yield %parallel_loop3A_644 : i32
      } {sc.loop_unroll_factor = 2 : i64, sc.parallel_access}
      %dma_start3A_197 = arith.constant 0 : i32
      %dma_start3A_198 = arith.constant 0 : i32
      %dma_start3A_199 = tpu.memref_slice %arg8[%dma_start3A_197, %dma_start3A_198] : memref<2x512xf32, #tpu.memory_space<vmem>> -> memref<1x512xf32, #tpu.memory_space<vmem>>
      %dma_start3A_200 = tpu.memref_squeeze %dma_start3A_199 : memref<1x512xf32, #tpu.memory_space<vmem>> -> memref<512xf32, #tpu.memory_space<vmem>>
      %dma_start3A_201 = tpu.memref_slice %arg6[%add3A_165] : memref<1048576xf32, #tpu.memory_space<hbm>> -> memref<512xf32, #tpu.memory_space<hbm>>
      %dma_start3A_202 = tpu.memref_slice %arg6[%add3A_165] : memref<1048576xf32, #tpu.memory_space<hbm>> -> memref<512xf32, #tpu.memory_space<hbm>>
      %dma_start3A_203 = arith.constant 0 : i32
      %dma_start3A_204 = tpu.memref_slice %arg8[%dma_start3A_197, %dma_start3A_203] : memref<2x512xf32, #tpu.memory_space<vmem>> -> memref<1x512xf32, #tpu.memory_space<vmem>>
      %dma_start3A_205 = tpu.memref_squeeze %dma_start3A_204 : memref<1x512xf32, #tpu.memory_space<vmem>> -> memref<512xf32, #tpu.memory_space<vmem>>
      tpu.enqueue_dma source(%dma_start3A_205 : memref<512xf32, #tpu.memory_space<vmem>>) target(%dma_start3A_202 : memref<512xf32, #tpu.memory_space<hbm>>) target_semaphore(%arg13 : memref<!tpu.dma_semaphore, #tpu.memory_space<semaphore_mem>>)
      %mul3A_206 = arith.constant 2 : i32
      %mul3A_207 = arith.muli %mul3A_206, %scan3A_157 : i32
      %add3A_208 = arith.constant 1 : i32
      %add3A_209 = arith.addi %mul3A_207, %add3A_208 : i32
      %mul3A_210 = arith.constant 512 : i32
      %mul3A_211 = arith.muli %add3A_209, %mul3A_210 : i32
      %add3A_212 = arith.addi %mul3A_2, %mul3A_211 : i32
      %add3A_213 = arith.constant 1 : i32
      %add3A_214 = arith.addi %add3A_209, %add3A_213 : i32
      %lt3A_215 = arith.constant 64 : i32
      %lt3A_216 = arith.cmpi slt, %add3A_214, %lt3A_215 : i32
      %convert_element_type3A_217 = arith.extui %lt3A_216 : i1 to i32
      %cond3A_218 = arith.constant 0 : i32
      %cond3A_219 = arith.cmpi ne, %convert_element_type3A_217, %cond3A_218 : i32
      scf.if %cond3A_219 {
        %add3A_259 = arith.constant 512 : i32
        %add3A_260 = arith.addi %add3A_212, %add3A_259 : i32
        %dma_start3A_261 = arith.constant 0 : i32
        %dma_start3A_262 = arith.constant 0 : i32
        %dma_start3A_263 = arith.constant 0 : i32
        %dma_start3A_264 = tpu.memref_slice %arg7[%dma_start3A_261, %dma_start3A_262, %dma_start3A_263] : memref<2x512x16xf32, #tpu.memory_space<vmem>> -> memref<1x512x16xf32, #tpu.memory_space<vmem>>
        %dma_start3A_265 = tpu.memref_squeeze %dma_start3A_264 : memref<1x512x16xf32, #tpu.memory_space<vmem>> -> memref<512x16xf32, #tpu.memory_space<vmem>>
        %dma_start3A_266 = arith.constant 0 : i32
        %dma_start3A_267 = tpu.memref_slice %arg2[%add3A_260, %dma_start3A_266] : memref<1048576x16xf32, #tpu.memory_space<hbm>> -> memref<512x16xf32, #tpu.memory_space<hbm>>
        %dma_start3A_268 = arith.constant 0 : i32
        %dma_start3A_269 = arith.constant 0 : i32
        %dma_start3A_270 = tpu.memref_slice %arg7[%dma_start3A_261, %dma_start3A_268, %dma_start3A_269] : memref<2x512x16xf32, #tpu.memory_space<vmem>> -> memref<1x512x16xf32, #tpu.memory_space<vmem>>
        %dma_start3A_271 = tpu.memref_squeeze %dma_start3A_270 : memref<1x512x16xf32, #tpu.memory_space<vmem>> -> memref<512x16xf32, #tpu.memory_space<vmem>>
        %dma_start3A_272 = arith.constant 0 : i32
        %dma_start3A_273 = tpu.memref_slice %arg2[%add3A_260, %dma_start3A_272] : memref<1048576x16xf32, #tpu.memory_space<hbm>> -> memref<512x16xf32, #tpu.memory_space<hbm>>
        tpu.enqueue_dma source(%dma_start3A_273 : memref<512x16xf32, #tpu.memory_space<hbm>>) target(%dma_start3A_271 : memref<512x16xf32, #tpu.memory_space<vmem>>) target_semaphore(%arg11 : memref<!tpu.dma_semaphore, #tpu.memory_space<semaphore_mem>>)
      } else {
      }
      %dma_wait3A_220 = arith.constant 1 : i32
      %dma_wait3A_221 = arith.constant 0 : i32
      %dma_wait3A_222 = arith.constant 0 : i32
      %dma_wait3A_223 = tpu.memref_slice %arg7[%dma_wait3A_220, %dma_wait3A_221, %dma_wait3A_222] : memref<2x512x16xf32, #tpu.memory_space<vmem>> -> memref<1x512x16xf32, #tpu.memory_space<vmem>>
      %dma_wait3A_224 = tpu.memref_squeeze %dma_wait3A_223 : memref<1x512x16xf32, #tpu.memory_space<vmem>> -> memref<512x16xf32, #tpu.memory_space<vmem>>
      %dma_wait3A_225 = arith.constant 0 : i32
      %dma_wait3A_226 = tpu.memref_slice %arg2[%add3A_212, %dma_wait3A_225] : memref<1048576x16xf32, #tpu.memory_space<hbm>> -> memref<512x16xf32, #tpu.memory_space<hbm>>
      %dma_wait3A_227 = arith.constant 0 : i32
      %dma_wait3A_228 = arith.constant 0 : i32
      %dma_wait3A_229 = tpu.memref_slice %arg7[%dma_wait3A_220, %dma_wait3A_227, %dma_wait3A_228] : memref<2x512x16xf32, #tpu.memory_space<vmem>> -> memref<1x512x16xf32, #tpu.memory_space<vmem>>
      %dma_wait3A_230 = tpu.memref_squeeze %dma_wait3A_229 : memref<1x512x16xf32, #tpu.memory_space<vmem>> -> memref<512x16xf32, #tpu.memory_space<vmem>>
      %dma_wait3A_231 = arith.constant 0 : i32
      %dma_wait3A_232 = tpu.memref_slice %arg2[%add3A_212, %dma_wait3A_231] : memref<1048576x16xf32, #tpu.memory_space<hbm>> -> memref<512x16xf32, #tpu.memory_space<hbm>>
      tpu.wait_dma2 semaphore(%arg12 : memref<!tpu.dma_semaphore, #tpu.memory_space<semaphore_mem>>) src(%dma_wait3A_232 : memref<512x16xf32, #tpu.memory_space<hbm>>) dst(%dma_wait3A_230 : memref<512x16xf32, #tpu.memory_space<vmem>>)
      %ge3A_233 = arith.constant 2 : i32
      %ge3A_234 = arith.cmpi sge, %add3A_209, %ge3A_233 : i32
      %convert_element_type3A_235 = arith.extui %ge3A_234 : i1 to i32
      %cond3A_236 = arith.constant 0 : i32
      %cond3A_237 = arith.cmpi ne, %convert_element_type3A_235, %cond3A_236 : i32
      scf.if %cond3A_237 {
        %dma_wait3A_259 = arith.constant 1 : i32
        %dma_wait3A_260 = arith.constant 0 : i32
        %dma_wait3A_261 = tpu.memref_slice %arg8[%dma_wait3A_259, %dma_wait3A_260] : memref<2x512xf32, #tpu.memory_space<vmem>> -> memref<1x512xf32, #tpu.memory_space<vmem>>
        %dma_wait3A_262 = tpu.memref_squeeze %dma_wait3A_261 : memref<1x512xf32, #tpu.memory_space<vmem>> -> memref<512xf32, #tpu.memory_space<vmem>>
        %dma_wait3A_263 = tpu.memref_slice %arg6[%add3A_212] : memref<1048576xf32, #tpu.memory_space<hbm>> -> memref<512xf32, #tpu.memory_space<hbm>>
        %dma_wait3A_264 = tpu.memref_slice %arg6[%add3A_212] : memref<1048576xf32, #tpu.memory_space<hbm>> -> memref<512xf32, #tpu.memory_space<hbm>>
        %dma_wait3A_265 = arith.constant 0 : i32
        %dma_wait3A_266 = tpu.memref_slice %arg8[%dma_wait3A_259, %dma_wait3A_265] : memref<2x512xf32, #tpu.memory_space<vmem>> -> memref<1x512xf32, #tpu.memory_space<vmem>>
        %dma_wait3A_267 = tpu.memref_squeeze %dma_wait3A_266 : memref<1x512xf32, #tpu.memory_space<vmem>> -> memref<512xf32, #tpu.memory_space<vmem>>
        tpu.wait_dma2 semaphore(%arg14 : memref<!tpu.dma_semaphore, #tpu.memory_space<semaphore_mem>>) src(%dma_wait3A_267 : memref<512xf32, #tpu.memory_space<vmem>>) dst(%dma_wait3A_264 : memref<512xf32, #tpu.memory_space<hbm>>)
      } else {
      }
      %mul3A_238 = arith.constant 0 : i32
      %mul3A_239 = vector.broadcast %mul3A_238 : i32 to vector<16xi32>
      %mul3A_240 = arith.muli %iota3A, %mul3A_239 : vector<16xi32>
      %add3A_241 = arith.constant 1 : i32
      %add3A_242 = vector.broadcast %add3A_241 : i32 to vector<16xi32>
      %add3A_243 = arith.addi %mul3A_240, %add3A_242 : vector<16xi32>
      %parallel_loop3A_244 = arith.constant 0 : i32
      %parallel_loop3A_245 = arith.constant 32 : i32
      %parallel_loop3A_246 = arith.constant 1 : i32
      %parallel_loop3A_247 = arith.constant 0 : i32
      %parallel_loop3A_248 = scf.for %parallel_loop3A_259 = %parallel_loop3A_244 to %parallel_loop3A_245 step %parallel_loop3A_246 iter_args(%parallel_loop3A_260 = %parallel_loop3A_247) -> (i32)  : i32 {
        %parallel_loop3A_261 = arith.constant 16 : i32
        %parallel_loop3A_262 = arith.muli %parallel_loop3A_259, %parallel_loop3A_261 : i32
        %parallel_loop3A_263 = arith.constant 0 : i32
        %parallel_loop3A_264 = arith.addi %parallel_loop3A_262, %parallel_loop3A_263 : i32
        %parallel_loop3A_265 = arith.constant 1 : i32
        %parallel_loop3A_266 = arith.index_cast %parallel_loop3A_265 : i32 to index
        %parallel_loop3A_267 = arith.index_cast %parallel_loop3A_264 : i32 to index
        %parallel_loop3A_268 = arith.constant 0 : index
        %parallel_loop3A_269 = tpu.vector_load %arg7[%parallel_loop3A_266, %parallel_loop3A_267, %parallel_loop3A_268] {strides = array<i32>} : memref<2x512x16xf32, #tpu.memory_space<vmem>>, vector<16xf32>,
        %parallel_loop3A_270 = arith.constant 1 : i32
        %parallel_loop3A_271 = arith.addi %parallel_loop3A_262, %parallel_loop3A_270 : i32
        %parallel_loop3A_272 = arith.constant 1 : i32
        %parallel_loop3A_273 = arith.index_cast %parallel_loop3A_272 : i32 to index
        %parallel_loop3A_274 = arith.index_cast %parallel_loop3A_271 : i32 to index
        %parallel_loop3A_275 = arith.constant 0 : index
        %parallel_loop3A_276 = tpu.vector_load %arg7[%parallel_loop3A_273, %parallel_loop3A_274, %parallel_loop3A_275] {strides = array<i32>} : memref<2x512x16xf32, #tpu.memory_space<vmem>>, vector<16xf32>,
        %parallel_loop3A_277 = arith.constant 2 : i32
        %parallel_loop3A_278 = arith.addi %parallel_loop3A_262, %parallel_loop3A_277 : i32
        %parallel_loop3A_279 = arith.constant 1 : i32
        %parallel_loop3A_280 = arith.index_cast %parallel_loop3A_279 : i32 to index
        %parallel_loop3A_281 = arith.index_cast %parallel_loop3A_278 : i32 to index
        %parallel_loop3A_282 = arith.constant 0 : index
        %parallel_loop3A_283 = tpu.vector_load %arg7[%parallel_loop3A_280, %parallel_loop3A_281, %parallel_loop3A_282] {strides = array<i32>} : memref<2x512x16xf32, #tpu.memory_space<vmem>>, vector<16xf32>,
        %parallel_loop3A_284 = arith.constant 3 : i32
        %parallel_loop3A_285 = arith.addi %parallel_loop3A_262, %parallel_loop3A_284 : i32
        %parallel_loop3A_286 = arith.constant 1 : i32
        %parallel_loop3A_287 = arith.index_cast %parallel_loop3A_286 : i32 to index
        %parallel_loop3A_288 = arith.index_cast %parallel_loop3A_285 : i32 to index
        %parallel_loop3A_289 = arith.constant 0 : index
        %parallel_loop3A_290 = tpu.vector_load %arg7[%parallel_loop3A_287, %parallel_loop3A_288, %parallel_loop3A_289] {strides = array<i32>} : memref<2x512x16xf32, #tpu.memory_space<vmem>>, vector<16xf32>,
        %parallel_loop3A_291 = arith.constant 4 : i32
        %parallel_loop3A_292 = arith.addi %parallel_loop3A_262, %parallel_loop3A_291 : i32
        %parallel_loop3A_293 = arith.constant 1 : i32
        %parallel_loop3A_294 = arith.index_cast %parallel_loop3A_293 : i32 to index
        %parallel_loop3A_295 = arith.index_cast %parallel_loop3A_292 : i32 to index
        %parallel_loop3A_296 = arith.constant 0 : index
        %parallel_loop3A_297 = tpu.vector_load %arg7[%parallel_loop3A_294, %parallel_loop3A_295, %parallel_loop3A_296] {strides = array<i32>} : memref<2x512x16xf32, #tpu.memory_space<vmem>>, vector<16xf32>,
        %parallel_loop3A_298 = arith.constant 5 : i32
        %parallel_loop3A_299 = arith.addi %parallel_loop3A_262, %parallel_loop3A_298 : i32
        %parallel_loop3A_300 = arith.constant 1 : i32
        %parallel_loop3A_301 = arith.index_cast %parallel_loop3A_300 : i32 to index
        %parallel_loop3A_302 = arith.index_cast %parallel_loop3A_299 : i32 to index
        %parallel_loop3A_303 = arith.constant 0 : index
        %parallel_loop3A_304 = tpu.vector_load %arg7[%parallel_loop3A_301, %parallel_loop3A_302, %parallel_loop3A_303] {strides = array<i32>} : memref<2x512x16xf32, #tpu.memory_space<vmem>>, vector<16xf32>,
        %parallel_loop3A_305 = arith.constant 6 : i32
        %parallel_loop3A_306 = arith.addi %parallel_loop3A_262, %parallel_loop3A_305 : i32
        %parallel_loop3A_307 = arith.constant 1 : i32
        %parallel_loop3A_308 = arith.index_cast %parallel_loop3A_307 : i32 to index
        %parallel_loop3A_309 = arith.index_cast %parallel_loop3A_306 : i32 to index
        %parallel_loop3A_310 = arith.constant 0 : index
        %parallel_loop3A_311 = tpu.vector_load %arg7[%parallel_loop3A_308, %parallel_loop3A_309, %parallel_loop3A_310] {strides = array<i32>} : memref<2x512x16xf32, #tpu.memory_space<vmem>>, vector<16xf32>,
        %parallel_loop3A_312 = arith.constant 7 : i32
        %parallel_loop3A_313 = arith.addi %parallel_loop3A_262, %parallel_loop3A_312 : i32
        %parallel_loop3A_314 = arith.constant 1 : i32
        %parallel_loop3A_315 = arith.index_cast %parallel_loop3A_314 : i32 to index
        %parallel_loop3A_316 = arith.index_cast %parallel_loop3A_313 : i32 to index
        %parallel_loop3A_317 = arith.constant 0 : index
        %parallel_loop3A_318 = tpu.vector_load %arg7[%parallel_loop3A_315, %parallel_loop3A_316, %parallel_loop3A_317] {strides = array<i32>} : memref<2x512x16xf32, #tpu.memory_space<vmem>>, vector<16xf32>,
        %parallel_loop3A_319 = arith.constant 8 : i32
        %parallel_loop3A_320 = arith.addi %parallel_loop3A_262, %parallel_loop3A_319 : i32
        %parallel_loop3A_321 = arith.constant 1 : i32
        %parallel_loop3A_322 = arith.index_cast %parallel_loop3A_321 : i32 to index
        %parallel_loop3A_323 = arith.index_cast %parallel_loop3A_320 : i32 to index
        %parallel_loop3A_324 = arith.constant 0 : index
        %parallel_loop3A_325 = tpu.vector_load %arg7[%parallel_loop3A_322, %parallel_loop3A_323, %parallel_loop3A_324] {strides = array<i32>} : memref<2x512x16xf32, #tpu.memory_space<vmem>>, vector<16xf32>,
        %parallel_loop3A_326 = arith.constant 9 : i32
        %parallel_loop3A_327 = arith.addi %parallel_loop3A_262, %parallel_loop3A_326 : i32
        %parallel_loop3A_328 = arith.constant 1 : i32
        %parallel_loop3A_329 = arith.index_cast %parallel_loop3A_328 : i32 to index
        %parallel_loop3A_330 = arith.index_cast %parallel_loop3A_327 : i32 to index
        %parallel_loop3A_331 = arith.constant 0 : index
        %parallel_loop3A_332 = tpu.vector_load %arg7[%parallel_loop3A_329, %parallel_loop3A_330, %parallel_loop3A_331] {strides = array<i32>} : memref<2x512x16xf32, #tpu.memory_space<vmem>>, vector<16xf32>,
        %parallel_loop3A_333 = arith.constant 10 : i32
        %parallel_loop3A_334 = arith.addi %parallel_loop3A_262, %parallel_loop3A_333 : i32
        %parallel_loop3A_335 = arith.constant 1 : i32
        %parallel_loop3A_336 = arith.index_cast %parallel_loop3A_335 : i32 to index
        %parallel_loop3A_337 = arith.index_cast %parallel_loop3A_334 : i32 to index
        %parallel_loop3A_338 = arith.constant 0 : index
        %parallel_loop3A_339 = tpu.vector_load %arg7[%parallel_loop3A_336, %parallel_loop3A_337, %parallel_loop3A_338] {strides = array<i32>} : memref<2x512x16xf32, #tpu.memory_space<vmem>>, vector<16xf32>,
        %parallel_loop3A_340 = arith.constant 11 : i32
        %parallel_loop3A_341 = arith.addi %parallel_loop3A_262, %parallel_loop3A_340 : i32
        %parallel_loop3A_342 = arith.constant 1 : i32
        %parallel_loop3A_343 = arith.index_cast %parallel_loop3A_342 : i32 to index
        %parallel_loop3A_344 = arith.index_cast %parallel_loop3A_341 : i32 to index
        %parallel_loop3A_345 = arith.constant 0 : index
        %parallel_loop3A_346 = tpu.vector_load %arg7[%parallel_loop3A_343, %parallel_loop3A_344, %parallel_loop3A_345] {strides = array<i32>} : memref<2x512x16xf32, #tpu.memory_space<vmem>>, vector<16xf32>,
        %parallel_loop3A_347 = arith.constant 12 : i32
        %parallel_loop3A_348 = arith.addi %parallel_loop3A_262, %parallel_loop3A_347 : i32
        %parallel_loop3A_349 = arith.constant 1 : i32
        %parallel_loop3A_350 = arith.index_cast %parallel_loop3A_349 : i32 to index
        %parallel_loop3A_351 = arith.index_cast %parallel_loop3A_348 : i32 to index
        %parallel_loop3A_352 = arith.constant 0 : index
        %parallel_loop3A_353 = tpu.vector_load %arg7[%parallel_loop3A_350, %parallel_loop3A_351, %parallel_loop3A_352] {strides = array<i32>} : memref<2x512x16xf32, #tpu.memory_space<vmem>>, vector<16xf32>,
        %parallel_loop3A_354 = arith.constant 13 : i32
        %parallel_loop3A_355 = arith.addi %parallel_loop3A_262, %parallel_loop3A_354 : i32
        %parallel_loop3A_356 = arith.constant 1 : i32
        %parallel_loop3A_357 = arith.index_cast %parallel_loop3A_356 : i32 to index
        %parallel_loop3A_358 = arith.index_cast %parallel_loop3A_355 : i32 to index
        %parallel_loop3A_359 = arith.constant 0 : index
        %parallel_loop3A_360 = tpu.vector_load %arg7[%parallel_loop3A_357, %parallel_loop3A_358, %parallel_loop3A_359] {strides = array<i32>} : memref<2x512x16xf32, #tpu.memory_space<vmem>>, vector<16xf32>,
        %parallel_loop3A_361 = arith.constant 14 : i32
        %parallel_loop3A_362 = arith.addi %parallel_loop3A_262, %parallel_loop3A_361 : i32
        %parallel_loop3A_363 = arith.constant 1 : i32
        %parallel_loop3A_364 = arith.index_cast %parallel_loop3A_363 : i32 to index
        %parallel_loop3A_365 = arith.index_cast %parallel_loop3A_362 : i32 to index
        %parallel_loop3A_366 = arith.constant 0 : index
        %parallel_loop3A_367 = tpu.vector_load %arg7[%parallel_loop3A_364, %parallel_loop3A_365, %parallel_loop3A_366] {strides = array<i32>} : memref<2x512x16xf32, #tpu.memory_space<vmem>>, vector<16xf32>,
        %parallel_loop3A_368 = arith.constant 15 : i32
        %parallel_loop3A_369 = arith.addi %parallel_loop3A_262, %parallel_loop3A_368 : i32
        %parallel_loop3A_370 = arith.constant 1 : i32
        %parallel_loop3A_371 = arith.index_cast %parallel_loop3A_370 : i32 to index
        %parallel_loop3A_372 = arith.index_cast %parallel_loop3A_369 : i32 to index
        %parallel_loop3A_373 = arith.constant 0 : index
        %parallel_loop3A_374 = tpu.vector_load %arg7[%parallel_loop3A_371, %parallel_loop3A_372, %parallel_loop3A_373] {strides = array<i32>} : memref<2x512x16xf32, #tpu.memory_space<vmem>>, vector<16xf32>,
        %parallel_loop3A_375 = arith.subf %parallel_loop3A_269, %get3A_7 : vector<16xf32>
        %parallel_loop3A_376 = arith.mulf %parallel_loop3A_375, %div3A_17 : vector<16xf32>
        %parallel_loop3A_377 = arith.subf %parallel_loop3A_276, %get3A_7 : vector<16xf32>
        %parallel_loop3A_378 = arith.mulf %parallel_loop3A_377, %div3A_17 : vector<16xf32>
        %parallel_loop3A_379 = arith.subf %parallel_loop3A_283, %get3A_7 : vector<16xf32>
        %parallel_loop3A_380 = arith.mulf %parallel_loop3A_379, %div3A_17 : vector<16xf32>
        %parallel_loop3A_381 = arith.subf %parallel_loop3A_290, %get3A_7 : vector<16xf32>
        %parallel_loop3A_382 = arith.mulf %parallel_loop3A_381, %div3A_17 : vector<16xf32>
        %parallel_loop3A_383 = arith.subf %parallel_loop3A_297, %get3A_7 : vector<16xf32>
        %parallel_loop3A_384 = arith.mulf %parallel_loop3A_383, %div3A_17 : vector<16xf32>
        %parallel_loop3A_385 = arith.subf %parallel_loop3A_304, %get3A_7 : vector<16xf32>
        %parallel_loop3A_386 = arith.mulf %parallel_loop3A_385, %div3A_17 : vector<16xf32>
        %parallel_loop3A_387 = arith.subf %parallel_loop3A_311, %get3A_7 : vector<16xf32>
        %parallel_loop3A_388 = arith.mulf %parallel_loop3A_387, %div3A_17 : vector<16xf32>
        %parallel_loop3A_389 = arith.subf %parallel_loop3A_318, %get3A_7 : vector<16xf32>
        %parallel_loop3A_390 = arith.mulf %parallel_loop3A_389, %div3A_17 : vector<16xf32>
        %parallel_loop3A_391 = arith.subf %parallel_loop3A_325, %get3A_7 : vector<16xf32>
        %parallel_loop3A_392 = arith.mulf %parallel_loop3A_391, %div3A_17 : vector<16xf32>
        %parallel_loop3A_393 = arith.subf %parallel_loop3A_332, %get3A_7 : vector<16xf32>
        %parallel_loop3A_394 = arith.mulf %parallel_loop3A_393, %div3A_17 : vector<16xf32>
        %parallel_loop3A_395 = arith.subf %parallel_loop3A_339, %get3A_7 : vector<16xf32>
        %parallel_loop3A_396 = arith.mulf %parallel_loop3A_395, %div3A_17 : vector<16xf32>
        %parallel_loop3A_397 = arith.subf %parallel_loop3A_346, %get3A_7 : vector<16xf32>
        %parallel_loop3A_398 = arith.mulf %parallel_loop3A_397, %div3A_17 : vector<16xf32>
        %parallel_loop3A_399 = arith.subf %parallel_loop3A_353, %get3A_7 : vector<16xf32>
        %parallel_loop3A_400 = arith.mulf %parallel_loop3A_399, %div3A_17 : vector<16xf32>
        %parallel_loop3A_401 = arith.subf %parallel_loop3A_360, %get3A_7 : vector<16xf32>
        %parallel_loop3A_402 = arith.mulf %parallel_loop3A_401, %div3A_17 : vector<16xf32>
        %parallel_loop3A_403 = arith.subf %parallel_loop3A_367, %get3A_7 : vector<16xf32>
        %parallel_loop3A_404 = arith.mulf %parallel_loop3A_403, %div3A_17 : vector<16xf32>
        %parallel_loop3A_405 = arith.subf %parallel_loop3A_374, %get3A_7 : vector<16xf32>
        %parallel_loop3A_406 = arith.mulf %parallel_loop3A_405, %div3A_17 : vector<16xf32>
        %parallel_loop3A_407 = arith.mulf %parallel_loop3A_376, %parallel_loop3A_376 : vector<16xf32>
        %parallel_loop3A_408 = arith.mulf %parallel_loop3A_378, %parallel_loop3A_378 : vector<16xf32>
        %parallel_loop3A_409 = arith.mulf %parallel_loop3A_380, %parallel_loop3A_380 : vector<16xf32>
        %parallel_loop3A_410 = arith.mulf %parallel_loop3A_382, %parallel_loop3A_382 : vector<16xf32>
        %parallel_loop3A_411 = arith.mulf %parallel_loop3A_384, %parallel_loop3A_384 : vector<16xf32>
        %parallel_loop3A_412 = arith.mulf %parallel_loop3A_386, %parallel_loop3A_386 : vector<16xf32>
        %parallel_loop3A_413 = arith.mulf %parallel_loop3A_388, %parallel_loop3A_388 : vector<16xf32>
        %parallel_loop3A_414 = arith.mulf %parallel_loop3A_390, %parallel_loop3A_390 : vector<16xf32>
        %parallel_loop3A_415 = arith.mulf %parallel_loop3A_392, %parallel_loop3A_392 : vector<16xf32>
        %parallel_loop3A_416 = arith.mulf %parallel_loop3A_394, %parallel_loop3A_394 : vector<16xf32>
        %parallel_loop3A_417 = arith.mulf %parallel_loop3A_396, %parallel_loop3A_396 : vector<16xf32>
        %parallel_loop3A_418 = arith.mulf %parallel_loop3A_398, %parallel_loop3A_398 : vector<16xf32>
        %parallel_loop3A_419 = arith.mulf %parallel_loop3A_400, %parallel_loop3A_400 : vector<16xf32>
        %parallel_loop3A_420 = arith.mulf %parallel_loop3A_402, %parallel_loop3A_402 : vector<16xf32>
        %parallel_loop3A_421 = arith.mulf %parallel_loop3A_404, %parallel_loop3A_404 : vector<16xf32>
        %parallel_loop3A_422 = arith.mulf %parallel_loop3A_406, %parallel_loop3A_406 : vector<16xf32>
        %parallel_loop3A_423 = arith.cmpf olt, %parallel_loop3A_407, %select_n3A : vector<16xf32>
        %parallel_loop3A_424 = arith.constant 2.000000e+02 : f32
        %parallel_loop3A_425 = vector.broadcast %parallel_loop3A_424 : f32 to vector<16xf32>
        %parallel_loop3A_426 = arith.select %parallel_loop3A_423, %parallel_loop3A_407, %parallel_loop3A_425 : vector<16xi1>, vector<16xf32>
        %parallel_loop3A_427 = arith.cmpf olt, %parallel_loop3A_408, %select_n3A : vector<16xf32>
        %parallel_loop3A_428 = arith.constant 2.000000e+02 : f32
        %parallel_loop3A_429 = vector.broadcast %parallel_loop3A_428 : f32 to vector<16xf32>
        %parallel_loop3A_430 = arith.select %parallel_loop3A_427, %parallel_loop3A_408, %parallel_loop3A_429 : vector<16xi1>, vector<16xf32>
        %parallel_loop3A_431 = arith.cmpf olt, %parallel_loop3A_409, %select_n3A : vector<16xf32>
        %parallel_loop3A_432 = arith.constant 2.000000e+02 : f32
        %parallel_loop3A_433 = vector.broadcast %parallel_loop3A_432 : f32 to vector<16xf32>
        %parallel_loop3A_434 = arith.select %parallel_loop3A_431, %parallel_loop3A_409, %parallel_loop3A_433 : vector<16xi1>, vector<16xf32>
        %parallel_loop3A_435 = arith.cmpf olt, %parallel_loop3A_410, %select_n3A : vector<16xf32>
        %parallel_loop3A_436 = arith.constant 2.000000e+02 : f32
        %parallel_loop3A_437 = vector.broadcast %parallel_loop3A_436 : f32 to vector<16xf32>
        %parallel_loop3A_438 = arith.select %parallel_loop3A_435, %parallel_loop3A_410, %parallel_loop3A_437 : vector<16xi1>, vector<16xf32>
        %parallel_loop3A_439 = arith.cmpf olt, %parallel_loop3A_411, %select_n3A : vector<16xf32>
        %parallel_loop3A_440 = arith.constant 2.000000e+02 : f32
        %parallel_loop3A_441 = vector.broadcast %parallel_loop3A_440 : f32 to vector<16xf32>
        %parallel_loop3A_442 = arith.select %parallel_loop3A_439, %parallel_loop3A_411, %parallel_loop3A_441 : vector<16xi1>, vector<16xf32>
        %parallel_loop3A_443 = arith.cmpf olt, %parallel_loop3A_412, %select_n3A : vector<16xf32>
        %parallel_loop3A_444 = arith.constant 2.000000e+02 : f32
        %parallel_loop3A_445 = vector.broadcast %parallel_loop3A_444 : f32 to vector<16xf32>
        %parallel_loop3A_446 = arith.select %parallel_loop3A_443, %parallel_loop3A_412, %parallel_loop3A_445 : vector<16xi1>, vector<16xf32>
        %parallel_loop3A_447 = arith.cmpf olt, %parallel_loop3A_413, %select_n3A : vector<16xf32>
        %parallel_loop3A_448 = arith.constant 2.000000e+02 : f32
        %parallel_loop3A_449 = vector.broadcast %parallel_loop3A_448 : f32 to vector<16xf32>
        %parallel_loop3A_450 = arith.select %parallel_loop3A_447, %parallel_loop3A_413, %parallel_loop3A_449 : vector<16xi1>, vector<16xf32>
        %parallel_loop3A_451 = arith.cmpf olt, %parallel_loop3A_414, %select_n3A : vector<16xf32>
        %parallel_loop3A_452 = arith.constant 2.000000e+02 : f32
        %parallel_loop3A_453 = vector.broadcast %parallel_loop3A_452 : f32 to vector<16xf32>
        %parallel_loop3A_454 = arith.select %parallel_loop3A_451, %parallel_loop3A_414, %parallel_loop3A_453 : vector<16xi1>, vector<16xf32>
        %parallel_loop3A_455 = arith.cmpf olt, %parallel_loop3A_415, %select_n3A : vector<16xf32>
        %parallel_loop3A_456 = arith.constant 2.000000e+02 : f32
        %parallel_loop3A_457 = vector.broadcast %parallel_loop3A_456 : f32 to vector<16xf32>
        %parallel_loop3A_458 = arith.select %parallel_loop3A_455, %parallel_loop3A_415, %parallel_loop3A_457 : vector<16xi1>, vector<16xf32>
        %parallel_loop3A_459 = arith.cmpf olt, %parallel_loop3A_416, %select_n3A : vector<16xf32>
        %parallel_loop3A_460 = arith.constant 2.000000e+02 : f32
        %parallel_loop3A_461 = vector.broadcast %parallel_loop3A_460 : f32 to vector<16xf32>
        %parallel_loop3A_462 = arith.select %parallel_loop3A_459, %parallel_loop3A_416, %parallel_loop3A_461 : vector<16xi1>, vector<16xf32>
        %parallel_loop3A_463 = arith.cmpf olt, %parallel_loop3A_417, %select_n3A : vector<16xf32>
        %parallel_loop3A_464 = arith.constant 2.000000e+02 : f32
        %parallel_loop3A_465 = vector.broadcast %parallel_loop3A_464 : f32 to vector<16xf32>
        %parallel_loop3A_466 = arith.select %parallel_loop3A_463, %parallel_loop3A_417, %parallel_loop3A_465 : vector<16xi1>, vector<16xf32>
        %parallel_loop3A_467 = arith.cmpf olt, %parallel_loop3A_418, %select_n3A : vector<16xf32>
        %parallel_loop3A_468 = arith.constant 2.000000e+02 : f32
        %parallel_loop3A_469 = vector.broadcast %parallel_loop3A_468 : f32 to vector<16xf32>
        %parallel_loop3A_470 = arith.select %parallel_loop3A_467, %parallel_loop3A_418, %parallel_loop3A_469 : vector<16xi1>, vector<16xf32>
        %parallel_loop3A_471 = arith.cmpf olt, %parallel_loop3A_419, %select_n3A : vector<16xf32>
        %parallel_loop3A_472 = arith.constant 2.000000e+02 : f32
        %parallel_loop3A_473 = vector.broadcast %parallel_loop3A_472 : f32 to vector<16xf32>
        %parallel_loop3A_474 = arith.select %parallel_loop3A_471, %parallel_loop3A_419, %parallel_loop3A_473 : vector<16xi1>, vector<16xf32>
        %parallel_loop3A_475 = arith.cmpf olt, %parallel_loop3A_420, %select_n3A : vector<16xf32>
        %parallel_loop3A_476 = arith.constant 2.000000e+02 : f32
        %parallel_loop3A_477 = vector.broadcast %parallel_loop3A_476 : f32 to vector<16xf32>
        %parallel_loop3A_478 = arith.select %parallel_loop3A_475, %parallel_loop3A_420, %parallel_loop3A_477 : vector<16xi1>, vector<16xf32>
        %parallel_loop3A_479 = arith.cmpf olt, %parallel_loop3A_421, %select_n3A : vector<16xf32>
        %parallel_loop3A_480 = arith.constant 2.000000e+02 : f32
        %parallel_loop3A_481 = vector.broadcast %parallel_loop3A_480 : f32 to vector<16xf32>
        %parallel_loop3A_482 = arith.select %parallel_loop3A_479, %parallel_loop3A_421, %parallel_loop3A_481 : vector<16xi1>, vector<16xf32>
        %parallel_loop3A_483 = arith.cmpf olt, %parallel_loop3A_422, %select_n3A : vector<16xf32>
        %parallel_loop3A_484 = arith.constant 2.000000e+02 : f32
        %parallel_loop3A_485 = vector.broadcast %parallel_loop3A_484 : f32 to vector<16xf32>
        %parallel_loop3A_486 = arith.select %parallel_loop3A_483, %parallel_loop3A_422, %parallel_loop3A_485 : vector<16xi1>, vector<16xf32>
        %parallel_loop3A_487 = arith.constant 1 : i32
        %parallel_loop3A_488 = arith.constant 0 : i32
        %parallel_loop3A_489 = arith.index_cast %parallel_loop3A_487 : i32 to index
        %parallel_loop3A_490 = arith.index_cast %parallel_loop3A_259 : i32 to index
        %parallel_loop3A_491 = arith.index_cast %parallel_loop3A_488 : i32 to index
        %parallel_loop3A_492 = arith.constant 0 : index
        %parallel_loop3A_493 = tpu.vector_load %arg10[%parallel_loop3A_489, %parallel_loop3A_490, %parallel_loop3A_491, %parallel_loop3A_492] {strides = array<i32>} : memref<2x32x16x17xf32, #tpu.memory_space<vmem>>, vector<16xf32>,
        tpu.vector_store %arg10[%parallel_loop3A_489, %parallel_loop3A_490, %parallel_loop3A_491, %parallel_loop3A_492], %parallel_loop3A_426 {strides = array<i32>} : memref<2x32x16x17xf32, #tpu.memory_space<vmem>>, vector<16xf32>,
        %parallel_loop3A_494 = arith.constant 1 : i32
        %parallel_loop3A_495 = arith.constant 1 : i32
        %parallel_loop3A_496 = arith.index_cast %parallel_loop3A_494 : i32 to index
        %parallel_loop3A_497 = arith.index_cast %parallel_loop3A_259 : i32 to index
        %parallel_loop3A_498 = arith.index_cast %parallel_loop3A_495 : i32 to index
        %parallel_loop3A_499 = arith.constant 0 : index
        %parallel_loop3A_500 = tpu.vector_load %arg10[%parallel_loop3A_496, %parallel_loop3A_497, %parallel_loop3A_498, %parallel_loop3A_499] {strides = array<i32>} : memref<2x32x16x17xf32, #tpu.memory_space<vmem>>, vector<16xf32>,
        tpu.vector_store %arg10[%parallel_loop3A_496, %parallel_loop3A_497, %parallel_loop3A_498, %parallel_loop3A_499], %parallel_loop3A_430 {strides = array<i32>} : memref<2x32x16x17xf32, #tpu.memory_space<vmem>>, vector<16xf32>,
        %parallel_loop3A_501 = arith.constant 1 : i32
        %parallel_loop3A_502 = arith.constant 2 : i32
        %parallel_loop3A_503 = arith.index_cast %parallel_loop3A_501 : i32 to index
        %parallel_loop3A_504 = arith.index_cast %parallel_loop3A_259 : i32 to index
        %parallel_loop3A_505 = arith.index_cast %parallel_loop3A_502 : i32 to index
        %parallel_loop3A_506 = arith.constant 0 : index
        %parallel_loop3A_507 = tpu.vector_load %arg10[%parallel_loop3A_503, %parallel_loop3A_504, %parallel_loop3A_505, %parallel_loop3A_506] {strides = array<i32>} : memref<2x32x16x17xf32, #tpu.memory_space<vmem>>, vector<16xf32>,
        tpu.vector_store %arg10[%parallel_loop3A_503, %parallel_loop3A_504, %parallel_loop3A_505, %parallel_loop3A_506], %parallel_loop3A_434 {strides = array<i32>} : memref<2x32x16x17xf32, #tpu.memory_space<vmem>>, vector<16xf32>,
        %parallel_loop3A_508 = arith.constant 1 : i32
        %parallel_loop3A_509 = arith.constant 3 : i32
        %parallel_loop3A_510 = arith.index_cast %parallel_loop3A_508 : i32 to index
        %parallel_loop3A_511 = arith.index_cast %parallel_loop3A_259 : i32 to index
        %parallel_loop3A_512 = arith.index_cast %parallel_loop3A_509 : i32 to index
        %parallel_loop3A_513 = arith.constant 0 : index
        %parallel_loop3A_514 = tpu.vector_load %arg10[%parallel_loop3A_510, %parallel_loop3A_511, %parallel_loop3A_512, %parallel_loop3A_513] {strides = array<i32>} : memref<2x32x16x17xf32, #tpu.memory_space<vmem>>, vector<16xf32>,
        tpu.vector_store %arg10[%parallel_loop3A_510, %parallel_loop3A_511, %parallel_loop3A_512, %parallel_loop3A_513], %parallel_loop3A_438 {strides = array<i32>} : memref<2x32x16x17xf32, #tpu.memory_space<vmem>>, vector<16xf32>,
        %parallel_loop3A_515 = arith.constant 1 : i32
        %parallel_loop3A_516 = arith.constant 4 : i32
        %parallel_loop3A_517 = arith.index_cast %parallel_loop3A_515 : i32 to index
        %parallel_loop3A_518 = arith.index_cast %parallel_loop3A_259 : i32 to index
        %parallel_loop3A_519 = arith.index_cast %parallel_loop3A_516 : i32 to index
        %parallel_loop3A_520 = arith.constant 0 : index
        %parallel_loop3A_521 = tpu.vector_load %arg10[%parallel_loop3A_517, %parallel_loop3A_518, %parallel_loop3A_519, %parallel_loop3A_520] {strides = array<i32>} : memref<2x32x16x17xf32, #tpu.memory_space<vmem>>, vector<16xf32>,
        tpu.vector_store %arg10[%parallel_loop3A_517, %parallel_loop3A_518, %parallel_loop3A_519, %parallel_loop3A_520], %parallel_loop3A_442 {strides = array<i32>} : memref<2x32x16x17xf32, #tpu.memory_space<vmem>>, vector<16xf32>,
        %parallel_loop3A_522 = arith.constant 1 : i32
        %parallel_loop3A_523 = arith.constant 5 : i32
        %parallel_loop3A_524 = arith.index_cast %parallel_loop3A_522 : i32 to index
        %parallel_loop3A_525 = arith.index_cast %parallel_loop3A_259 : i32 to index
        %parallel_loop3A_526 = arith.index_cast %parallel_loop3A_523 : i32 to index
        %parallel_loop3A_527 = arith.constant 0 : index
        %parallel_loop3A_528 = tpu.vector_load %arg10[%parallel_loop3A_524, %parallel_loop3A_525, %parallel_loop3A_526, %parallel_loop3A_527] {strides = array<i32>} : memref<2x32x16x17xf32, #tpu.memory_space<vmem>>, vector<16xf32>,
        tpu.vector_store %arg10[%parallel_loop3A_524, %parallel_loop3A_525, %parallel_loop3A_526, %parallel_loop3A_527], %parallel_loop3A_446 {strides = array<i32>} : memref<2x32x16x17xf32, #tpu.memory_space<vmem>>, vector<16xf32>,
        %parallel_loop3A_529 = arith.constant 1 : i32
        %parallel_loop3A_530 = arith.constant 6 : i32
        %parallel_loop3A_531 = arith.index_cast %parallel_loop3A_529 : i32 to index
        %parallel_loop3A_532 = arith.index_cast %parallel_loop3A_259 : i32 to index
        %parallel_loop3A_533 = arith.index_cast %parallel_loop3A_530 : i32 to index
        %parallel_loop3A_534 = arith.constant 0 : index
        %parallel_loop3A_535 = tpu.vector_load %arg10[%parallel_loop3A_531, %parallel_loop3A_532, %parallel_loop3A_533, %parallel_loop3A_534] {strides = array<i32>} : memref<2x32x16x17xf32, #tpu.memory_space<vmem>>, vector<16xf32>,
        tpu.vector_store %arg10[%parallel_loop3A_531, %parallel_loop3A_532, %parallel_loop3A_533, %parallel_loop3A_534], %parallel_loop3A_450 {strides = array<i32>} : memref<2x32x16x17xf32, #tpu.memory_space<vmem>>, vector<16xf32>,
        %parallel_loop3A_536 = arith.constant 1 : i32
        %parallel_loop3A_537 = arith.constant 7 : i32
        %parallel_loop3A_538 = arith.index_cast %parallel_loop3A_536 : i32 to index
        %parallel_loop3A_539 = arith.index_cast %parallel_loop3A_259 : i32 to index
        %parallel_loop3A_540 = arith.index_cast %parallel_loop3A_537 : i32 to index
        %parallel_loop3A_541 = arith.constant 0 : index
        %parallel_loop3A_542 = tpu.vector_load %arg10[%parallel_loop3A_538, %parallel_loop3A_539, %parallel_loop3A_540, %parallel_loop3A_541] {strides = array<i32>} : memref<2x32x16x17xf32, #tpu.memory_space<vmem>>, vector<16xf32>,
        tpu.vector_store %arg10[%parallel_loop3A_538, %parallel_loop3A_539, %parallel_loop3A_540, %parallel_loop3A_541], %parallel_loop3A_454 {strides = array<i32>} : memref<2x32x16x17xf32, #tpu.memory_space<vmem>>, vector<16xf32>,
        %parallel_loop3A_543 = arith.constant 1 : i32
        %parallel_loop3A_544 = arith.constant 8 : i32
        %parallel_loop3A_545 = arith.index_cast %parallel_loop3A_543 : i32 to index
        %parallel_loop3A_546 = arith.index_cast %parallel_loop3A_259 : i32 to index
        %parallel_loop3A_547 = arith.index_cast %parallel_loop3A_544 : i32 to index
        %parallel_loop3A_548 = arith.constant 0 : index
        %parallel_loop3A_549 = tpu.vector_load %arg10[%parallel_loop3A_545, %parallel_loop3A_546, %parallel_loop3A_547, %parallel_loop3A_548] {strides = array<i32>} : memref<2x32x16x17xf32, #tpu.memory_space<vmem>>, vector<16xf32>,
        tpu.vector_store %arg10[%parallel_loop3A_545, %parallel_loop3A_546, %parallel_loop3A_547, %parallel_loop3A_548], %parallel_loop3A_458 {strides = array<i32>} : memref<2x32x16x17xf32, #tpu.memory_space<vmem>>, vector<16xf32>,
        %parallel_loop3A_550 = arith.constant 1 : i32
        %parallel_loop3A_551 = arith.constant 9 : i32
        %parallel_loop3A_552 = arith.index_cast %parallel_loop3A_550 : i32 to index
        %parallel_loop3A_553 = arith.index_cast %parallel_loop3A_259 : i32 to index
        %parallel_loop3A_554 = arith.index_cast %parallel_loop3A_551 : i32 to index
        %parallel_loop3A_555 = arith.constant 0 : index
        %parallel_loop3A_556 = tpu.vector_load %arg10[%parallel_loop3A_552, %parallel_loop3A_553, %parallel_loop3A_554, %parallel_loop3A_555] {strides = array<i32>} : memref<2x32x16x17xf32, #tpu.memory_space<vmem>>, vector<16xf32>,
        tpu.vector_store %arg10[%parallel_loop3A_552, %parallel_loop3A_553, %parallel_loop3A_554, %parallel_loop3A_555], %parallel_loop3A_462 {strides = array<i32>} : memref<2x32x16x17xf32, #tpu.memory_space<vmem>>, vector<16xf32>,
        %parallel_loop3A_557 = arith.constant 1 : i32
        %parallel_loop3A_558 = arith.constant 10 : i32
        %parallel_loop3A_559 = arith.index_cast %parallel_loop3A_557 : i32 to index
        %parallel_loop3A_560 = arith.index_cast %parallel_loop3A_259 : i32 to index
        %parallel_loop3A_561 = arith.index_cast %parallel_loop3A_558 : i32 to index
        %parallel_loop3A_562 = arith.constant 0 : index
        %parallel_loop3A_563 = tpu.vector_load %arg10[%parallel_loop3A_559, %parallel_loop3A_560, %parallel_loop3A_561, %parallel_loop3A_562] {strides = array<i32>} : memref<2x32x16x17xf32, #tpu.memory_space<vmem>>, vector<16xf32>,
        tpu.vector_store %arg10[%parallel_loop3A_559, %parallel_loop3A_560, %parallel_loop3A_561, %parallel_loop3A_562], %parallel_loop3A_466 {strides = array<i32>} : memref<2x32x16x17xf32, #tpu.memory_space<vmem>>, vector<16xf32>,
        %parallel_loop3A_564 = arith.constant 1 : i32
        %parallel_loop3A_565 = arith.constant 11 : i32
        %parallel_loop3A_566 = arith.index_cast %parallel_loop3A_564 : i32 to index
        %parallel_loop3A_567 = arith.index_cast %parallel_loop3A_259 : i32 to index
        %parallel_loop3A_568 = arith.index_cast %parallel_loop3A_565 : i32 to index
        %parallel_loop3A_569 = arith.constant 0 : index
        %parallel_loop3A_570 = tpu.vector_load %arg10[%parallel_loop3A_566, %parallel_loop3A_567, %parallel_loop3A_568, %parallel_loop3A_569] {strides = array<i32>} : memref<2x32x16x17xf32, #tpu.memory_space<vmem>>, vector<16xf32>,
        tpu.vector_store %arg10[%parallel_loop3A_566, %parallel_loop3A_567, %parallel_loop3A_568, %parallel_loop3A_569], %parallel_loop3A_470 {strides = array<i32>} : memref<2x32x16x17xf32, #tpu.memory_space<vmem>>, vector<16xf32>,
        %parallel_loop3A_571 = arith.constant 1 : i32
        %parallel_loop3A_572 = arith.constant 12 : i32
        %parallel_loop3A_573 = arith.index_cast %parallel_loop3A_571 : i32 to index
        %parallel_loop3A_574 = arith.index_cast %parallel_loop3A_259 : i32 to index
        %parallel_loop3A_575 = arith.index_cast %parallel_loop3A_572 : i32 to index
        %parallel_loop3A_576 = arith.constant 0 : index
        %parallel_loop3A_577 = tpu.vector_load %arg10[%parallel_loop3A_573, %parallel_loop3A_574, %parallel_loop3A_575, %parallel_loop3A_576] {strides = array<i32>} : memref<2x32x16x17xf32, #tpu.memory_space<vmem>>, vector<16xf32>,
        tpu.vector_store %arg10[%parallel_loop3A_573, %parallel_loop3A_574, %parallel_loop3A_575, %parallel_loop3A_576], %parallel_loop3A_474 {strides = array<i32>} : memref<2x32x16x17xf32, #tpu.memory_space<vmem>>, vector<16xf32>,
        %parallel_loop3A_578 = arith.constant 1 : i32
        %parallel_loop3A_579 = arith.constant 13 : i32
        %parallel_loop3A_580 = arith.index_cast %parallel_loop3A_578 : i32 to index
        %parallel_loop3A_581 = arith.index_cast %parallel_loop3A_259 : i32 to index
        %parallel_loop3A_582 = arith.index_cast %parallel_loop3A_579 : i32 to index
        %parallel_loop3A_583 = arith.constant 0 : index
        %parallel_loop3A_584 = tpu.vector_load %arg10[%parallel_loop3A_580, %parallel_loop3A_581, %parallel_loop3A_582, %parallel_loop3A_583] {strides = array<i32>} : memref<2x32x16x17xf32, #tpu.memory_space<vmem>>, vector<16xf32>,
        tpu.vector_store %arg10[%parallel_loop3A_580, %parallel_loop3A_581, %parallel_loop3A_582, %parallel_loop3A_583], %parallel_loop3A_478 {strides = array<i32>} : memref<2x32x16x17xf32, #tpu.memory_space<vmem>>, vector<16xf32>,
        %parallel_loop3A_585 = arith.constant 1 : i32
        %parallel_loop3A_586 = arith.constant 14 : i32
        %parallel_loop3A_587 = arith.index_cast %parallel_loop3A_585 : i32 to index
        %parallel_loop3A_588 = arith.index_cast %parallel_loop3A_259 : i32 to index
        %parallel_loop3A_589 = arith.index_cast %parallel_loop3A_586 : i32 to index
        %parallel_loop3A_590 = arith.constant 0 : index
        %parallel_loop3A_591 = tpu.vector_load %arg10[%parallel_loop3A_587, %parallel_loop3A_588, %parallel_loop3A_589, %parallel_loop3A_590] {strides = array<i32>} : memref<2x32x16x17xf32, #tpu.memory_space<vmem>>, vector<16xf32>,
        tpu.vector_store %arg10[%parallel_loop3A_587, %parallel_loop3A_588, %parallel_loop3A_589, %parallel_loop3A_590], %parallel_loop3A_482 {strides = array<i32>} : memref<2x32x16x17xf32, #tpu.memory_space<vmem>>, vector<16xf32>,
        %parallel_loop3A_592 = arith.constant 1 : i32
        %parallel_loop3A_593 = arith.constant 15 : i32
        %parallel_loop3A_594 = arith.index_cast %parallel_loop3A_592 : i32 to index
        %parallel_loop3A_595 = arith.index_cast %parallel_loop3A_259 : i32 to index
        %parallel_loop3A_596 = arith.index_cast %parallel_loop3A_593 : i32 to index
        %parallel_loop3A_597 = arith.constant 0 : index
        %parallel_loop3A_598 = tpu.vector_load %arg10[%parallel_loop3A_594, %parallel_loop3A_595, %parallel_loop3A_596, %parallel_loop3A_597] {strides = array<i32>} : memref<2x32x16x17xf32, #tpu.memory_space<vmem>>, vector<16xf32>,
        tpu.vector_store %arg10[%parallel_loop3A_594, %parallel_loop3A_595, %parallel_loop3A_596, %parallel_loop3A_597], %parallel_loop3A_486 {strides = array<i32>} : memref<2x32x16x17xf32, #tpu.memory_space<vmem>>, vector<16xf32>,
        %parallel_loop3A_599 = arith.constant 0 : i32
        %parallel_loop3A_600 = vector.broadcast %parallel_loop3A_599 : i32 to vector<16xi32>
        %parallel_loop3A_601 = arith.muli %iota3A, %parallel_loop3A_600 : vector<16xi32>
        %parallel_loop3A_602 = vector.broadcast %parallel_loop3A_259 : i32 to vector<16xi32>
        %parallel_loop3A_603 = arith.addi %parallel_loop3A_601, %parallel_loop3A_602 : vector<16xi32>
        %parallel_loop3A_604 = tpu.vector_load_idx %arg10[%add3A_243, %parallel_loop3A_603, %iota3A, %add3A_27] : memref<2x32x16x17xf32, #tpu.memory_space<vmem>>[vector<16xi32>, vector<16xi32>, vector<16xi32>, vector<16xi32>], vector<16xf32>,
        %parallel_loop3A_605 = tpu.vector_load_idx %arg10[%add3A_243, %parallel_loop3A_603, %iota3A, %add3A_33] : memref<2x32x16x17xf32, #tpu.memory_space<vmem>>[vector<16xi32>, vector<16xi32>, vector<16xi32>, vector<16xi32>], vector<16xf32>,
        %parallel_loop3A_606 = tpu.vector_load_idx %arg10[%add3A_243, %parallel_loop3A_603, %iota3A, %add3A_39] : memref<2x32x16x17xf32, #tpu.memory_space<vmem>>[vector<16xi32>, vector<16xi32>, vector<16xi32>, vector<16xi32>], vector<16xf32>,
        %parallel_loop3A_607 = tpu.vector_load_idx %arg10[%add3A_243, %parallel_loop3A_603, %iota3A, %add3A_45] : memref<2x32x16x17xf32, #tpu.memory_space<vmem>>[vector<16xi32>, vector<16xi32>, vector<16xi32>, vector<16xi32>], vector<16xf32>,
        %parallel_loop3A_608 = tpu.vector_load_idx %arg10[%add3A_243, %parallel_loop3A_603, %iota3A, %add3A_51] : memref<2x32x16x17xf32, #tpu.memory_space<vmem>>[vector<16xi32>, vector<16xi32>, vector<16xi32>, vector<16xi32>], vector<16xf32>,
        %parallel_loop3A_609 = tpu.vector_load_idx %arg10[%add3A_243, %parallel_loop3A_603, %iota3A, %add3A_57] : memref<2x32x16x17xf32, #tpu.memory_space<vmem>>[vector<16xi32>, vector<16xi32>, vector<16xi32>, vector<16xi32>], vector<16xf32>,
        %parallel_loop3A_610 = tpu.vector_load_idx %arg10[%add3A_243, %parallel_loop3A_603, %iota3A, %add3A_63] : memref<2x32x16x17xf32, #tpu.memory_space<vmem>>[vector<16xi32>, vector<16xi32>, vector<16xi32>, vector<16xi32>], vector<16xf32>,
        %parallel_loop3A_611 = tpu.vector_load_idx %arg10[%add3A_243, %parallel_loop3A_603, %iota3A, %add3A_69] : memref<2x32x16x17xf32, #tpu.memory_space<vmem>>[vector<16xi32>, vector<16xi32>, vector<16xi32>, vector<16xi32>], vector<16xf32>,
        %parallel_loop3A_612 = tpu.vector_load_idx %arg10[%add3A_243, %parallel_loop3A_603, %iota3A, %add3A_75] : memref<2x32x16x17xf32, #tpu.memory_space<vmem>>[vector<16xi32>, vector<16xi32>, vector<16xi32>, vector<16xi32>], vector<16xf32>,
        %parallel_loop3A_613 = tpu.vector_load_idx %arg10[%add3A_243, %parallel_loop3A_603, %iota3A, %add3A_81] : memref<2x32x16x17xf32, #tpu.memory_space<vmem>>[vector<16xi32>, vector<16xi32>, vector<16xi32>, vector<16xi32>], vector<16xf32>,
        %parallel_loop3A_614 = tpu.vector_load_idx %arg10[%add3A_243, %parallel_loop3A_603, %iota3A, %add3A_87] : memref<2x32x16x17xf32, #tpu.memory_space<vmem>>[vector<16xi32>, vector<16xi32>, vector<16xi32>, vector<16xi32>], vector<16xf32>,
        %parallel_loop3A_615 = tpu.vector_load_idx %arg10[%add3A_243, %parallel_loop3A_603, %iota3A, %add3A_93] : memref<2x32x16x17xf32, #tpu.memory_space<vmem>>[vector<16xi32>, vector<16xi32>, vector<16xi32>, vector<16xi32>], vector<16xf32>,
        %parallel_loop3A_616 = tpu.vector_load_idx %arg10[%add3A_243, %parallel_loop3A_603, %iota3A, %add3A_99] : memref<2x32x16x17xf32, #tpu.memory_space<vmem>>[vector<16xi32>, vector<16xi32>, vector<16xi32>, vector<16xi32>], vector<16xf32>,
        %parallel_loop3A_617 = tpu.vector_load_idx %arg10[%add3A_243, %parallel_loop3A_603, %iota3A, %add3A_105] : memref<2x32x16x17xf32, #tpu.memory_space<vmem>>[vector<16xi32>, vector<16xi32>, vector<16xi32>, vector<16xi32>], vector<16xf32>,
        %parallel_loop3A_618 = tpu.vector_load_idx %arg10[%add3A_243, %parallel_loop3A_603, %iota3A, %add3A_111] : memref<2x32x16x17xf32, #tpu.memory_space<vmem>>[vector<16xi32>, vector<16xi32>, vector<16xi32>, vector<16xi32>], vector<16xf32>,
        %parallel_loop3A_619 = tpu.vector_load_idx %arg10[%add3A_243, %parallel_loop3A_603, %iota3A, %add3A_117] : memref<2x32x16x17xf32, #tpu.memory_space<vmem>>[vector<16xi32>, vector<16xi32>, vector<16xi32>, vector<16xi32>], vector<16xf32>,
        %parallel_loop3A_620 = arith.addf %parallel_loop3A_604, %parallel_loop3A_605 : vector<16xf32>
        %parallel_loop3A_621 = arith.addf %parallel_loop3A_606, %parallel_loop3A_607 : vector<16xf32>
        %parallel_loop3A_622 = arith.addf %parallel_loop3A_608, %parallel_loop3A_609 : vector<16xf32>
        %parallel_loop3A_623 = arith.addf %parallel_loop3A_610, %parallel_loop3A_611 : vector<16xf32>
        %parallel_loop3A_624 = arith.addf %parallel_loop3A_612, %parallel_loop3A_613 : vector<16xf32>
        %parallel_loop3A_625 = arith.addf %parallel_loop3A_614, %parallel_loop3A_615 : vector<16xf32>
        %parallel_loop3A_626 = arith.addf %parallel_loop3A_616, %parallel_loop3A_617 : vector<16xf32>
        %parallel_loop3A_627 = arith.addf %parallel_loop3A_618, %parallel_loop3A_619 : vector<16xf32>
        %parallel_loop3A_628 = arith.addf %parallel_loop3A_620, %parallel_loop3A_621 : vector<16xf32>
        %parallel_loop3A_629 = arith.addf %parallel_loop3A_622, %parallel_loop3A_623 : vector<16xf32>
        %parallel_loop3A_630 = arith.addf %parallel_loop3A_624, %parallel_loop3A_625 : vector<16xf32>
        %parallel_loop3A_631 = arith.addf %parallel_loop3A_626, %parallel_loop3A_627 : vector<16xf32>
        %parallel_loop3A_632 = arith.addf %parallel_loop3A_628, %parallel_loop3A_629 : vector<16xf32>
        %parallel_loop3A_633 = arith.addf %parallel_loop3A_630, %parallel_loop3A_631 : vector<16xf32>
        %parallel_loop3A_634 = arith.addf %parallel_loop3A_632, %parallel_loop3A_633 : vector<16xf32>
        %parallel_loop3A_635 = arith.constant 0.000000e+00 : f32
        %parallel_loop3A_636 = vector.broadcast %parallel_loop3A_635 : f32 to vector<16xf32>
        %parallel_loop3A_637 = arith.subf %parallel_loop3A_636, %parallel_loop3A_634 : vector<16xf32>
        %parallel_loop3A_638 = math.exp %parallel_loop3A_637 : vector<16xf32>
        %parallel_loop3A_639 = arith.mulf %get3A_15, %parallel_loop3A_638 : vector<16xf32>
        %parallel_loop3A_640 = arith.constant 1 : i32
        %parallel_loop3A_641 = arith.index_cast %parallel_loop3A_640 : i32 to index
        %parallel_loop3A_642 = arith.index_cast %parallel_loop3A_262 : i32 to index
        %parallel_loop3A_643 = tpu.vector_load %arg8[%parallel_loop3A_641, %parallel_loop3A_642] {strides = array<i32>} : memref<2x512xf32, #tpu.memory_space<vmem>>, vector<16xf32>,
        tpu.vector_store %arg8[%parallel_loop3A_641, %parallel_loop3A_642], %parallel_loop3A_639 {strides = array<i32>} : memref<2x512xf32, #tpu.memory_space<vmem>>, vector<16xf32>,
        %parallel_loop3A_644 = arith.constant 0 : i32
        scf.yield %parallel_loop3A_644 : i32
      } {sc.loop_unroll_factor = 2 : i64, sc.parallel_access}
      %dma_start3A_249 = arith.constant 1 : i32
      %dma_start3A_250 = arith.constant 0 : i32
      %dma_start3A_251 = tpu.memref_slice %arg8[%dma_start3A_249, %dma_start3A_250] : memref<2x512xf32, #tpu.memory_space<vmem>> -> memref<1x512xf32, #tpu.memory_space<vmem>>
      %dma_start3A_252 = tpu.memref_squeeze %dma_start3A_251 : memref<1x512xf32, #tpu.memory_space<vmem>> -> memref<512xf32, #tpu.memory_space<vmem>>
      %dma_start3A_253 = tpu.memref_slice %arg6[%add3A_212] : memref<1048576xf32, #tpu.memory_space<hbm>> -> memref<512xf32, #tpu.memory_space<hbm>>
      %dma_start3A_254 = tpu.memref_slice %arg6[%add3A_212] : memref<1048576xf32, #tpu.memory_space<hbm>> -> memref<512xf32, #tpu.memory_space<hbm>>
      %dma_start3A_255 = arith.constant 0 : i32
      %dma_start3A_256 = tpu.memref_slice %arg8[%dma_start3A_249, %dma_start3A_255] : memref<2x512xf32, #tpu.memory_space<vmem>> -> memref<1x512xf32, #tpu.memory_space<vmem>>
      %dma_start3A_257 = tpu.memref_squeeze %dma_start3A_256 : memref<1x512xf32, #tpu.memory_space<vmem>> -> memref<512xf32, #tpu.memory_space<vmem>>
      tpu.enqueue_dma source(%dma_start3A_257 : memref<512xf32, #tpu.memory_space<vmem>>) target(%dma_start3A_254 : memref<512xf32, #tpu.memory_space<hbm>>) target_semaphore(%arg14 : memref<!tpu.dma_semaphore, #tpu.memory_space<semaphore_mem>>)
      %scan3A_258 = arith.constant 0 : i32
      scf.yield %scan3A_258 : i32
    }
    %scan3A_135 = arith.constant 32 : i32
    %add3A_136 = arith.constant 31744 : i32
    %add3A_137 = arith.addi %mul3A_2, %add3A_136 : i32
    %dma_wait3A = arith.constant 0 : i32
    %dma_wait3A_138 = arith.constant 0 : i32
    %dma_wait3A_139 = tpu.memref_slice %arg8[%dma_wait3A, %dma_wait3A_138] : memref<2x512xf32, #tpu.memory_space<vmem>> -> memref<1x512xf32, #tpu.memory_space<vmem>>
    %dma_wait3A_140 = tpu.memref_squeeze %dma_wait3A_139 : memref<1x512xf32, #tpu.memory_space<vmem>> -> memref<512xf32, #tpu.memory_space<vmem>>
    %dma_wait3A_141 = tpu.memref_slice %arg6[%add3A_137] : memref<1048576xf32, #tpu.memory_space<hbm>> -> memref<512xf32, #tpu.memory_space<hbm>>
    %dma_wait3A_142 = tpu.memref_slice %arg6[%add3A_137] : memref<1048576xf32, #tpu.memory_space<hbm>> -> memref<512xf32, #tpu.memory_space<hbm>>
    %dma_wait3A_143 = arith.constant 0 : i32
    %dma_wait3A_144 = tpu.memref_slice %arg8[%dma_wait3A, %dma_wait3A_143] : memref<2x512xf32, #tpu.memory_space<vmem>> -> memref<1x512xf32, #tpu.memory_space<vmem>>
    %dma_wait3A_145 = tpu.memref_squeeze %dma_wait3A_144 : memref<1x512xf32, #tpu.memory_space<vmem>> -> memref<512xf32, #tpu.memory_space<vmem>>
    tpu.wait_dma2 semaphore(%arg13 : memref<!tpu.dma_semaphore, #tpu.memory_space<semaphore_mem>>) src(%dma_wait3A_145 : memref<512xf32, #tpu.memory_space<vmem>>) dst(%dma_wait3A_142 : memref<512xf32, #tpu.memory_space<hbm>>)
    %add3A_146 = arith.constant 32256 : i32
    %add3A_147 = arith.addi %mul3A_2, %add3A_146 : i32
    %dma_wait3A_148 = arith.constant 1 : i32
    %dma_wait3A_149 = arith.constant 0 : i32
    %dma_wait3A_150 = tpu.memref_slice %arg8[%dma_wait3A_148, %dma_wait3A_149] : memref<2x512xf32, #tpu.memory_space<vmem>> -> memref<1x512xf32, #tpu.memory_space<vmem>>
    %dma_wait3A_151 = tpu.memref_squeeze %dma_wait3A_150 : memref<1x512xf32, #tpu.memory_space<vmem>> -> memref<512xf32, #tpu.memory_space<vmem>>
    %dma_wait3A_152 = tpu.memref_slice %arg6[%add3A_147] : memref<1048576xf32, #tpu.memory_space<hbm>> -> memref<512xf32, #tpu.memory_space<hbm>>
    %dma_wait3A_153 = tpu.memref_slice %arg6[%add3A_147] : memref<1048576xf32, #tpu.memory_space<hbm>> -> memref<512xf32, #tpu.memory_space<hbm>>
    %dma_wait3A_154 = arith.constant 0 : i32
    %dma_wait3A_155 = tpu.memref_slice %arg8[%dma_wait3A_148, %dma_wait3A_154] : memref<2x512xf32, #tpu.memory_space<vmem>> -> memref<1x512xf32, #tpu.memory_space<vmem>>
    %dma_wait3A_156 = tpu.memref_squeeze %dma_wait3A_155 : memref<1x512xf32, #tpu.memory_space<vmem>> -> memref<512xf32, #tpu.memory_space<vmem>>
    tpu.wait_dma2 semaphore(%arg14 : memref<!tpu.dma_semaphore, #tpu.memory_space<semaphore_mem>>) src(%dma_wait3A_156 : memref<512xf32, #tpu.memory_space<vmem>>) dst(%dma_wait3A_153 : memref<512xf32, #tpu.memory_space<hbm>>)
    return
  }
}

</mosaic_0001>

<sc_bundles>
// kernel: kernel.3.cloned.1.call-start
scs
__scs_entry_jumppad:
0x0: {  	(pc) =	sbr.rel $0x88, $3  }
0x1: {  	(tag) =	ssettag $0x0;
	lr =	simm.s32 $0x1  }
0x2: {  	[smem:$0x3F9D] =	sst lr;
	_ =	strace $0xD0000000  }
0x3: {  	_ = 	snop  }
0x4: {  	_ = 	snop  }
0x5: {  	_ = 	snop  }
0x6: {  	_ = 	snop  }
0x7: {  	_ = 	snop  }
__scs_overlays_trampoline_lowered:
0x8: {  	[smem:$0x3FAC] =	sst s0  }
0x9: {  	[smem:$0x3FAD] =	sst s1  }
0xa: {  	[smem:$0x3FAE] =	sst s2  }
0xb: {  	[smem:$0x3FAF] =	sst s3  }
0xc: {  	[smem:$0x3FB0] =	sst s4  }
0xd: {  	[smem:$0x3FB1] =	sst s5  }
0xe: {  	[smem:$0x3FB2] =	sst s6  }
0xf: {  	[smem:$0x3FB3] =	sst s7  }
0x10: {  	[smem:$0x3FB4] =	sst s8  }
0x11: {  	[smem:$0x3FB5] =	sst s9;
	s0 =	simm.s32 @!p0 $0x0  }
0x12: {  	s1 =	sld [smem:$0x3F9B];
	s0 =	simm.s32 @p0 $0x1  }
0x13: {  	[smem:$0x3FB6] =	sst s0;
	s0 =	simm.s32 @!p1 $0x0  }
0x14: {  	s2 =	sld [smem:$0x3F9A];
	s0 =	simm.s32 @p1 $0x1  }
0x15: {  	[smem:$0x3FB7] =	sst s0;
	s0 =	simm.s32 @!p2 $0x0  }
0x16: {  	s3 =	sld [smem:$0x3FDB];
	s0 =	simm.s32 @p2 $0x1  }
0x17: {  	s4 =	simm.s32 $0x1BF5;
	[smem:$0x3FB9] =	sst s0  }
0x18: {  	s0 =	sld [smem:$0x3F9C];
	_ =	swait.ge [sflag:s4], $0x0  }
0x19: {  	s7 =	sld [smem:$0x3F9D]  }
0x1a: {  	s8 =	sadd.s32 $0xFFFFE003, lr  }
0x1b: {  	s9 =	sadd.s32 $0xFFFFFEF7, lr;
	s5 =	simm.s32 $0xFFFFFFFF;
	p2 =	slt.u32 s8, $0xFFFFF086  }
0x1c: {  	p1 =	slt.u32 s9, $0xF7A;
	s5 =	simm.s32 @!p2 $0x0  }
0x1d: {  	s5 =	simm.s32 @p1 $0x1;
	p0 =	seq.s32 s7, s2  }
0x1e: {  	s7 =	smul.u32 @!p0 $0xF7A, s2;
	p2 =	seq.s32 @!p0 s5, $0x0  }
0x1f: {  	s9 =	smul.u32 $0xF7A, s1;
	s8 =	simm.s32 @!p0 $0x1BF5;
	p2 =	por !p2, p0  }
0x20: {  	[sflag:s8] =	ssyncset.s32 @!p0 $0xFFFFF086;
	s6 =	sadd.s32 @!p0 s3, s7;
	s7 =	simm.s32 @!p0 $0x108  }
0x21: {  	s3 =	sadd.s32 s3, s9;
	s6 =	sadd.s32 @!p0 $0x88, s6;
	s7 =	simm.s32 @p2 $0x1082  }
0x22: {  	[simem:s7], [sflag:s8] =	dma.local @!p0 [hbm:s6], $0xF7A  }
0x23: {  	s9 =	sor.u32 $0xD0000000, s2;
	s6 =	simm.s32 $0x108;
	_ =	swait.ge @!p0 [sflag:s8], $0x0  }
0x24: {  	s3 =	sadd.s32 $0x88, s3;
	s6 =	simm.s32 @!p1 $0x1082;
	[sflag:s4] =	ssyncset.s32 $0xFFFFF086  }
0x25: {  	[simem:s6], [sflag:s4] =	dma.local [hbm:s3], $0xF7A  }
0x26: {  	[smem:$0x3F9D] =	sst s1;
	(tag) =	ssettag s2;
	_ =	strace s9  }
0x27: {  	s1 =	sld [smem:$0x3FAD]  }
0x28: {  	s2 =	sld [smem:$0x3FAE]  }
0x29: {  	s4 =	sld [smem:$0x3FB0]  }
0x2a: {  	p0 =	seq.s32 s5, $0x0;
	s5 =	sld [smem:$0x3FB1]  }
0x2b: {  	s6 =	sld [smem:$0x3FB2]  }
0x2c: {  	s7 =	sld [smem:$0x3FB3]  }
0x2d: {  	s3 =	simm.s32 $0x108;
	s8 =	sld [smem:$0x3FB4]  }
0x2e: {  	s3 =	simm.s32 @!p0 $0x1082;
	s9 =	sld [smem:$0x3FB5]  }
0x2f: {  	lr =	sadd.s32 s0, s3;
	s0 =	sld [smem:$0x3FAC]  }
0x30: {  	s3 =	sld [smem:$0x3FAF]  }
0x31: {  	[smem:$0x3FB8] =	sst s10  }
0x32: {  	s10 =	sld [smem:$0x3FB6];
	_ =	sdelay $0x3  }
0x33: {  	p0 =	seq.s32 s10, $0x1;
	s10 =	sld [smem:$0x3FB8];
	_ =	sdelay $0x3  }
0x34: {  	[smem:$0x3FB8] =	sst s10  }
0x35: {  	s10 =	sld [smem:$0x3FB7];
	_ =	sdelay $0x3  }
0x36: {  	p1 =	seq.s32 s10, $0x1;
	s10 =	sld [smem:$0x3FB8];
	_ =	sdelay $0x3  }
0x37: {  	[smem:$0x3FB8] =	sst s10  }
0x38: {  	s10 =	sld [smem:$0x3FB9]  }
0x39: {  	_ = 	snop;
	(pc) =	sbr.ind lr, $3  }
0x3a: {  	_ = 	snop  }
0x3b: {  	_ = 	snop  }
0x3c: {  	p2 =	seq.s32 s10, $0x1;
	s10 =	sld [smem:$0x3FB8]  }
0x3d: {  	_ =	shalt  }
0x3e: {  	_ =	shalt  }
0x3f: {  	_ =	shalt  }
0x40: {  	_ =	shalt  }
0x41: {  	_ =	shalt  }
0x42: {  	_ =	shalt  }
0x43: {  	_ =	shalt  }
0x44: {  	_ =	shalt  }
0x45: {  	_ =	shalt  }
0x46: {  	_ =	shalt  }
0x47: {  	_ =	shalt  }
0x48: {  	_ =	shalt  }
0x49: {  	_ =	shalt  }
0x4a: {  	_ =	shalt  }
0x4b: {  	_ =	shalt  }
0x4c: {  	_ =	shalt  }
0x4d: {  	_ =	shalt  }
0x4e: {  	_ =	shalt  }
0x4f: {  	_ =	shalt  }
0x50: {  	_ =	shalt  }
0x51: {  	_ =	shalt  }
0x52: {  	_ =	shalt  }
0x53: {  	_ =	shalt  }
0x54: {  	_ =	shalt  }
0x55: {  	_ =	shalt  }
0x56: {  	_ =	shalt  }
0x57: {  	_ =	shalt  }
0x58: {  	_ =	shalt  }
0x59: {  	_ =	shalt  }
0x5a: {  	_ =	shalt  }
0x5b: {  	_ =	shalt  }
0x5c: {  	_ =	shalt  }
0x5d: {  	_ =	shalt  }
0x5e: {  	_ =	shalt  }
0x5f: {  	_ =	shalt  }
0x60: {  	_ =	shalt  }
0x61: {  	_ =	shalt  }
0x62: {  	_ =	shalt  }
0x63: {  	_ =	shalt  }
0x64: {  	_ =	shalt  }
0x65: {  	_ =	shalt  }
0x66: {  	_ =	shalt  }
0x67: {  	_ =	shalt  }
0x68: {  	_ =	shalt  }
0x69: {  	_ =	shalt  }
0x6a: {  	_ =	shalt  }
0x6b: {  	_ =	shalt  }
0x6c: {  	_ =	shalt  }
0x6d: {  	_ =	shalt  }
0x6e: {  	_ =	shalt  }
0x6f: {  	_ =	shalt  }
0x70: {  	_ =	shalt  }
0x71: {  	_ =	shalt  }
0x72: {  	_ =	shalt  }
0x73: {  	_ =	shalt  }
0x74: {  	_ =	shalt  }
0x75: {  	_ =	shalt  }
0x76: {  	_ =	shalt  }
0x77: {  	_ =	shalt  }
0x78: {  	_ =	shalt  }
0x79: {  	_ =	shalt  }
0x7a: {  	_ =	shalt  }
0x7b: {  	_ =	shalt  }
0x7c: {  	_ =	shalt  }
0x7d: {  	_ =	shalt  }
0x7e: {  	_ =	shalt  }
0x7f: {  	_ =	shalt  }
0x80: {  	_ =	shalt  }
0x81: {  	_ =	shalt  }
0x82: {  	_ =	shalt  }
0x83: {  	_ =	shalt  }
0x84: {  	_ =	shalt  }
0x85: {  	_ =	shalt  }
0x86: {  	_ =	shalt  }
0x87: {  	_ =	shalt  }
.Lfunc_end0:
.L_simem_size_0:
called_computation_lowered:
.L_overlay_start_0:
0x88: {  	s2 =	sld [smem:$0x3FD9]  }
0x89: {  	s3 =	sld [smem:$0x3FFE];
	_ =	sdelay $0x1  }
0x8a: {  	s1 =	srdreg.scid  }
0x8b: {  	s0 =	sand.u32 $0x1, s1  }
0x8c: {  	s17 =	sshll.u32 s0, $0xA;
	s2 =	sadd.s32 s3, s2  }
0x8d: {  	s2 =	sadd.s32 s2, s17  }
0x8e: {  	[smem:$0x3FC4] =	sst s2  }
0x8f: {  	_ = 	snop  }
0x90: {  	s2 =	sld [smem:$0x3FC8]  }
0x91: {  	s18 =	sld [smem:$0x3FC7]  }
0x92: {  	s4 =	sld [smem:$0x3FD0];
	(tm) =	ssettm $0x1  }
0x93: {  	s5 =	sld [smem:$0x3FFB];
	_ =	sdelay $0x3  }
0x94: {  	_ =	strace s5  }
0x95: {  	s5 =	sld [smem:$0x3FFC];
	_ =	sdelay $0x3  }
0x96: {  	_ =	strace s5  }
0x97: {  	s5 =	sld [smem:$0x3FFD];
	_ =	sdelay $0x3  }
0x98: {  	_ =	strace s5  }
0x99: {  	_ =	strace $0x8FFFFFFF  }
0x9a: {  	s19 =	sld [smem:$0x3FDB];
	_ =	sdelay $0x1  }
0x9b: {  	s6 =	simm.s32 $_scs_section_size  }
0x9c: {  	s7 =	simm.s32 $_size__tile_overlayer_lowered;
	s8 =	simm.s32 $_tile_overlayer_lowered  }
0x9d: {  	s22 =	simm.s32 $0x1BFF;
	s21 =	sshll.u32 s8, $0x1;
	s5 =	sadd.s32 s6, s19  }
0x9e: {  	s9 =	simm.s32 $0x0;
	s20 =	sshll.u32 s7, $0x1;
	s7 =	sadd.s32 s21, s5  }
0x9f: {  	[timem:s9], [sflag:s22] =	dma.local [hbm:s7], s20  }
0xa0: {  	_ =	swait.ge [sflag:s22], s20  }
0xa1: {  	s6 =	ssub.s32 $0x0, s20;
	[sflag:s22] =	ssyncset.done $0x0  }
0xa2: {  	[sflag:s22] =	ssyncadd.s32 s6;
	_ =	sdelay $0x1  }
0xa3: {  	s23 =	simm.s32 $0x1B8B  }
0xa4: {  	_ =	swait.ge [sflag:s23], $0x1  }
0xa5: {  	[sflag:s23] =	ssyncset.done $0x0  }
0xa6: {  	s25 =	simm.s32 $0x1B8E;
	s24 =	sld [smem:$0x3FFE];
	[sflag:s23] =	ssyncadd.s32 $0xFFFFFFFF  }
0xa7: {  	s26 =	simm.s32 $execute0_lowered;
	[smem:$0x3FD2] =	sst s25  }
0xa8: {  	s7 =	sshll.u32 s26, $0x1;
	_ =	strace $0x80000046;
	[dreg:$0x1] =	wrdreg $0xFFFFFFFF  }
0xa9: {  	s28 =	simm.s32 $_size_execute0_lowered;
	s5 =	sadd.s32 s5, s7;
	[dreg:$0x0] =	wrdreg $0x0  }
0xaa: {  	s7 =	sshll.u32 s28, $0x1;
	[dreg:$0x2] =	wrdreg s5  }
0xab: {  	[dreg:$0x3] =	wrdreg s7  }
0xac: {  	[dreg:$0x4] =	wrdreg $0xC0  }
0xad: {  	_ =	task [dreg:s9], $0x5FFFF  }
0xae: {  	[dreg:$0x1] =	wrdreg $0xFFFFFFFF  }
0xaf: {  	[dreg:$0x0] =	wrdreg $0x60  }
0xb0: {  	[dreg:$0x2] =	wrdreg s24  }
0xb1: {  	[dreg:$0x3] =	wrdreg s2  }
0xb2: {  	[dreg:$0x4] =	wrdreg s18  }
0xb3: {  	[dreg:$0x5] =	wrdreg s4  }
0xb4: {  	[dreg:$0x6] =	wrdreg $0x9  }
0xb5: {  	_ =	task.clear_ibuf [dreg:s9], $0x7FFFF;
	_ =	strace $0x90000046  }
0xb6: {  	s29 =	simm.s32 $0x9;
	_ =	strace $0x80000048  }
0xb7: {  	_ =	swait.ge [sflag:s29], $0x1  }
0xb8: {  	[sflag:s29] =	ssyncadd.s32 $0xFFFFFFFF  }
0xb9: {  	_ =	strace $0x90000048  }
0xba: {  	_ =	sfence  }
0xbb: {  	s30 =	sld [smem:$0x0];
	_ =	sdelay $0x2  }
0xbc: {  	s31 =	sshll.u32 s1, $0xD;
	s1 =	sshrl.u32 s1, $0x2  }
0xbd: {  	s3 =	sand.u32 $0x4000, s31;
	s1 =	sadd.s32 s1, s30  }
0xbe: {  	s0 =	sor.u32 s3, s0;
	s1 =	sshll.u32 s1, $0x11  }
0xbf: {  	s0 =	sor.u32 s1, s0  }
0xc0: {  	s0 =	sadd.s32 $0x8F2B, s0  }
0xc1: {  	[sflag:s0] =	ssyncadd.remote.s32 $0x1  }
0xc2: {  	_ =	sfence.sel $0xFFFF  }
0xc3: {  	[dreg:$0x0] =	wrdreg $0xFFFFFFFF;
	(pc) =	sbr.abs _section_cstart, $3  }
0xc4: {  	[dreg:$0x1] =	wrdreg $0xFFFFFFFF  }
0xc5: {  	_ =	task.clear_ibuf [dreg:s9], $0x2FFFF;
	_ =	strace $0x9FFFFFFF  }
0xc6: {  	(tm) =	ssettm $0x7FFFFFFF  }
0xc7: {  	_ =	shalt  }
tec
execute0_lowered:
.L_overlay_start_1:
0x0: {  	(tag) =	ssettag $0x1  }
0x1: {  	s2 =	rddreg [dreg:$0x0]  }
0x2: {  	s1 =	rddreg [dreg:$0x1];
	v0 =	vlaneseq.u32  }
0x3: {  	s3 =	rddreg [dreg:$0x2];
	s5 =	simm.s32 $0x0;
	v58 =	vmul.u32 $0x18, v0  }
0x4: {  	s4 =	srdreg.scid;
	[smem:$0x7FF] =	sst s5  }
0x5: {  	s7 =	sand.u32 $0x1, s4;
	s4 =	rddreg [dreg:$0x3];
	_ =	strace $0x80000047;
	v2 =	vadd.s32 $0xB, v58;
	[tilespmem:$0x1FF70] =	vst v58  }
0x6: {  	v10 =	vor.u32 $0x7, v58;
	[tilespmem:$0x1FF00] =	vst v2  }
0x7: {  	v14 =	vadd.s32 $0x8, v58;
	[tilespmem:$0x1FF10] =	vst v10  }
0x8: {  	v7 =	vadd.s32 $0x9, v58;
	[tilespmem:$0x1FF20] =	vst v14  }
0x9: {  	v1 =	vadd.s32 $0xA, v58;
	[tilespmem:$0x1FF30] =	vst v7  }
0xa: {  	v15 =	vadd.s32 $0xC, v58;
	[tilespmem:$0x1FF40] =	vst v1  }
0xb: {  	v59 =	vadd.s32 $0xD, v58;
	[tilespmem:$0x1FF50] =	vst v15  }
0xc: {  	s0 =	stileid.u32;
	s11 =	simm.s32 $0x4400;
	v60 =	vadd.s32 $0xE, v58;
	[tilespmem:$0x1FF60] =	vst v59  }
0xd: {  	s12 =	simm.s32 $0x5;
	s13 =	simm.s32 $0x4410;
	s14 =	simm.s32 $0x4420;
	v61 =	vor.u32 $0x2, v58;
	[tilespmem:$0x1FF80] =	vst v60  }
0xe: {  	s15 =	simm.s32 $0x2000;
	s16 =	simm.s32 $0x1;
	s17 =	simm.s32 $0x4430;
	v12 =	vor.u32 $0x4, v58;
	[tilespmem:$0x1FF90] =	vst v61  }
0xf: {  	s18 =	simm.s32 $0x4000;
	s19 =	simm.s32 $0x2;
	s20 =	simm.s32 $0x4;
	v62 =	vor.u32 $0x1, v58;
	[tilespmem:$0x1FFA0] =	vst v12  }
0x10: {  	s21 =	simm.s32 $0x4200;
	s6 =	sshll.u32 s0, $0x10;
	s8 =	sshll.u32 s7, $0xF;
	v9 =	vor.u32 $0x3, v58;
	[tilespmem:$0x1FFB0] =	vst v62  }
0x11: {  	s22 =	simm.s32 $0x3;
	s9 =	ssub.s32 $0x2, s7;
	s6 =	sor.u32 s8, s6;
	v3 =	vor.u32 $0x6, v58;
	[tilespmem:$0x1FFC0] =	vst v9  }
0x12: {  	s23 =	simm.s32 $0x0;
	s10 =	sshrl.u32 s9, $0x1;
	v6 =	vadd.s32 $0xF, v58;
	s8 =	sshll.u32 s6, $0x1;
	[tilespmem:$0x1FFD0] =	vst v3  }
0x13: {  	s7 =	sadd.s32 $0x400, s2;
	v13 =	vor.u32 $0x5, v58;
	s10 =	ssub.s32 s9, s10;
	[tilespmem:$0x1FFE0] =	vst v6;
	s8 =	sadd.s32 s8, s2  }
0x14: {  	s9 =	sadd.s32 $0x1000800, s2;
	[tilespmem:$0x1FFF0] =	vst v13;
	s10 =	smax.u32 s10, $0x1;
	s8 =	sadd.s32 $0x1000400, s8  }
.LBB2_1:
0x15: {  	[tilespmem:s11], [sflag:$0x5] =	stream.linear.gather [hbm4b:s1+s5], $0x10, $0x38;
	[tilespmem:$0xA430] =	vst v63  }
0x16: {  	_ =	swait.ge [sflag:s12], $0x10  }
0x17: {  	[sflag:s12] =	ssyncset.done $0x0  }
0x18: {  	[sflag:s12] =	ssyncadd.s32 $0xFFFFFFF0  }
0x19: {  	[tilespmem:s13], [sflag:$0x5] =	stream.linear.gather [hbm4b:s3+s5], $0x10, $0x38;
	[tilespmem:$0xA430] =	vst v63  }
0x1a: {  	_ =	swait.ge [sflag:s12], $0x10  }
0x1b: {  	[sflag:s12] =	ssyncset.done $0x0  }
0x1c: {  	[sflag:s12] =	ssyncadd.s32 $0xFFFFFFF0  }
0x1d: {  	[tilespmem:s14], [sflag:$0x5] =	stream.linear.gather [hbm4b:s7+s5], $0x10, $0x38;
	[tilespmem:$0xA430] =	vst v63  }
0x1e: {  	_ =	swait.ge [sflag:s12], $0x10  }
0x1f: {  	[sflag:s12] =	ssyncset.done $0x0  }
0x20: {  	[sflag:s12] =	ssyncadd.s32 $0xFFFFFFF0  }
0x21: {  	v19 =	vld [tilespmem:$0x4410];
	_ =	sdelay $0x4  }
0x22: {  	(erf) = vrcp.f32 v19;
	_ =	sdelay $0x3  }
0x23: {  	v18 =	vld [tilespmem:$0x4420];
	_ =	sdelay $0x3  }
0x24: {  	v0 =	vimm.f32 $-1.000000000e+00;
	v17 =	vld [tilespmem:$0x4400];
	[tilespmem:s5], [sflag:$0x1] =	stream.linear.gather [hbm4b:s8+s5], $0x2000, $0x38;
	vm0 =	vgt.f32 v19, $0.0e+00  }
0x25: {  	s24 =	simm.s32 $0x0;
	[tilespmem:$0x1FEF0] =	vst v18;
	v20 =	vsel vm0, $0x40935D8E, v0;
	v19 =	vpop (erf)  }
.LBB2_2:
0x26: {  	s2 =	sshll.u32 s24, $0xA  }
0x27: {  	s25 =	sor.u32 s6, s2  }
0x28: {  	s2 =	sshll.u32 s25, $0x1  }
0x29: {  	s2 =	sadd.s32 s2, s9  }
0x2a: {  	[tilespmem:s15], [sflag:$0x2] =	stream.linear.gather [hbm4b:s2+s5], $0x2000, $0x38;
	[tilespmem:$0xA430] =	vst v63  }
0x2b: {  	_ =	swait.ge [sflag:s16], $0x2000  }
0x2c: {  	p0 =	seq.s32 s24, $0x0;
	[sflag:s16] =	ssyncset.done $0x0  }
0x2d: {  	s2 =	simm.s32 @!p0 $0x3;
	[sflag:s16] =	ssyncadd.s32 $0xFFFFE000  }
0x2e: {  	_ =	swait.ge @!p0 [sflag:s2], $0x200  }
0x2f: {  	[sflag:s2] =	ssyncset.done @!p0 $0x0  }
0x30: {  	s26 =	simm.s32 $0x100;
	[sflag:s2] =	ssyncadd.s32 @!p0 $0xFFFFFE00  }
0x31: {  	v21 =	vld [tilespmem:s26+$0x0]  }
0x32: {  	v22 =	vld [tilespmem:s26+$0x10]  }
0x33: {  	v23 =	vld [tilespmem:s26+$0x20]  }
0x34: {  	v24 =	vld [tilespmem:s26+$0x30]  }
0x35: {  	v25 =	vld [tilespmem:s26+$0x40]  }
0x36: {  	v26 =	vld [tilespmem:s26+$0x50]  }
0x37: {  	v27 =	vld [tilespmem:s26+$0x60]  }
0x38: {  	v28 =	vld [tilespmem:s26+$0x70]  }
0x39: {  	v29 =	vld [tilespmem:s26+$0x80]  }
0x3a: {  	v30 =	vld [tilespmem:s26+$0x90]  }
0x3b: {  	v32 =	vld [tilespmem:s26+$0xA0];
	v31 =	vsub.f32 v21, v17;
	v22 =	vsub.f32 v22, v17  }
0x3c: {  	v33 =	vld [tilespmem:s26+$0xB0];
	v23 =	vsub.f32 v23, v17;
	v24 =	vsub.f32 v24, v17  }
0x3d: {  	s0 =	simm.s32 $0x1;
	v34 =	vld [tilespmem:s26+$0xC0];
	v25 =	vsub.f32 v25, v17;
	v26 =	vsub.f32 v26, v17  }
0x3e: {  	v35 =	vld [tilespmem:s26+$0xD0];
	v21 =	vmov s0;
	v27 =	vsub.f32 v27, v17;
	v28 =	vsub.f32 v28, v17  }
0x3f: {  	v36 =	vld [tilespmem:s26+$0xE0];
	v29 =	vsub.f32 v29, v17;
	v30 =	vsub.f32 v30, v17;
	v31 =	vmul.f32 v31, v19  }
0x40: {  	v37 =	vld [tilespmem:s26+$0xF0];
	v32 =	vsub.f32 v32, v17;
	v22 =	vmul.f32 v22, v19;
	v23 =	vmul.f32 v23, v19  }
0x41: {  	v33 =	vsub.f32 v33, v17;
	v24 =	vmul.f32 v24, v19;
	v25 =	vmul.f32 v25, v19  }
0x42: {  	v34 =	vsub.f32 v34, v17;
	v26 =	vmul.f32 v26, v19;
	v27 =	vmul.f32 v27, v19  }
0x43: {  	v35 =	vsub.f32 v35, v17;
	v28 =	vmul.f32 v28, v19;
	v29 =	vmul.f32 v29, v19  }
0x44: {  	v36 =	vsub.f32 v36, v17;
	v30 =	vmul.f32 v30, v19;
	v32 =	vmul.f32 v32, v19  }
0x45: {  	v37 =	vsub.f32 v37, v17;
	v33 =	vmul.f32 v33, v19;
	v34 =	vmul.f32 v34, v19  }
0x46: {  	v21 =	vmul.u32 $0x180, v21;
	v35 =	vmul.f32 v35, v19;
	v36 =	vmul.f32 v36, v19  }
0x47: {  	v37 =	vmul.f32 v37, v19;
	v31 =	vmul.f32 v31, v31  }
0x48: {  	v21 =	vbroadcast v21, $0x0;
	v22 =	vmul.f32 v22, v22  }
0x49: {  	v23 =	vmul.f32 v23, v23;
	v24 =	vmul.f32 v24, v24;
	vm0 =	vlt.f32 v31, v20  }
0x4a: {  	s2 =	simm.s32 $0x45B0;
	v25 =	vmul.f32 v25, v25;
	vm5 =	vlt.f32 v22, v20;
	v31 =	vnsel vm0, $0x43480000, v31  }
0x4b: {  	v26 =	vmul.f32 v26, v26;
	vm6 =	vlt.f32 v23, v20;
	v22 =	vnsel vm5, $0x43480000, v22;
	[tilespmem:s2+$0x0] =	vst v31  }
0x4c: {  	v27 =	vmul.f32 v27, v27;
	vm7 =	vlt.f32 v24, v20;
	v23 =	vnsel vm6, $0x43480000, v23;
	[tilespmem:s2+$0x18] =	vst v22  }
0x4d: {  	v28 =	vmul.f32 v28, v28;
	vm8 =	vlt.f32 v25, v20;
	v24 =	vnsel vm7, $0x43480000, v24;
	[tilespmem:s2+$0x30] =	vst v23  }
0x4e: {  	v29 =	vmul.f32 v29, v29;
	vm9 =	vlt.f32 v26, v20;
	v25 =	vnsel vm8, $0x43480000, v25;
	[tilespmem:s2+$0x48] =	vst v24  }
0x4f: {  	v30 =	vmul.f32 v30, v30;
	vm10 =	vlt.f32 v27, v20;
	v26 =	vnsel vm9, $0x43480000, v26;
	[tilespmem:s2+$0x60] =	vst v25  }
0x50: {  	v32 =	vmul.f32 v32, v32;
	vm11 =	vlt.f32 v28, v20;
	v27 =	vnsel vm10, $0x43480000, v27;
	[tilespmem:s2+$0x78] =	vst v26  }
0x51: {  	v33 =	vmul.f32 v33, v33;
	vm12 =	vlt.f32 v29, v20;
	v28 =	vnsel vm11, $0x43480000, v28;
	[tilespmem:s2+$0x90] =	vst v27  }
0x52: {  	v34 =	vmul.f32 v34, v34;
	vm13 =	vlt.f32 v30, v20;
	v29 =	vnsel vm12, $0x43480000, v29;
	[tilespmem:s2+$0xA8] =	vst v28  }
0x53: {  	v35 =	vmul.f32 v35, v35;
	vm14 =	vlt.f32 v32, v20;
	v30 =	vnsel vm13, $0x43480000, v30;
	[tilespmem:s2+$0xC0] =	vst v29  }
0x54: {  	v36 =	vmul.f32 v36, v36;
	vm15 =	vlt.f32 v33, v20;
	v32 =	vnsel vm14, $0x43480000, v32;
	[tilespmem:s2+$0xD8] =	vst v30  }
0x55: {  	v37 =	vmul.f32 v37, v37;
	vm4 =	vlt.f32 v34, v20;
	v33 =	vnsel vm15, $0x43480000, v33;
	[tilespmem:s2+$0xF0] =	vst v32  }
0x56: {  	v38 =	vadd.s32 v58, v21;
	v34 =	vnsel vm4, $0x43480000, v34;
	vm5 =	vlt.f32 v35, v20;
	[tilespmem:s2+$0x108] =	vst v33  }
0x57: {  	v51 =	vadd.s32 v62, v21;
	vm6 =	vlt.f32 v36, v20;
	v35 =	vnsel vm5, $0x43480000, v35;
	[tilespmem:s2+$0x120] =	vst v34  }
0x58: {  	v39 =	vld [tilespmem:s26+$0xFFFFFF10];
	v52 =	vadd.s32 v61, v21;
	vm7 =	vlt.f32 v37, v20;
	v36 =	vnsel vm6, $0x43480000, v36;
	[tilespmem:s2+$0x138] =	vst v35  }
0x59: {  	v8 =	vld [tilespmem:s26+$0xFFFFFFC0];
	v53 =	vadd.s32 v9, v21;
	v37 =	vnsel vm7, $0x43480000, v37;
	[tilespmem:s2+$0x150] =	vst v36  }
0x5a: {  	v41 =	vld [tilespmem:s26+$0xFFFFFF00];
	v54 =	vadd.s32 v12, v21;
	[tilespmem:s2+$0x168] =	vst v37  }
0x5b: {  	v43 =	vadd.s32 v13, v21;
	v38 =	vld.idx.msk [tilespmem:v38+s17+$0x0], $0xffff  }
0x5c: {  	v44 =	vadd.s32 v3, v21;
	v34 =	vld.idx.msk [tilespmem:v51+s17+$0x0], $0xffff  }
0x5d: {  	v45 =	vadd.s32 v10, v21;
	v35 =	vld.idx.msk [tilespmem:v52+s17+$0x0], $0xffff  }
0x5e: {  	v46 =	vadd.s32 v14, v21;
	v36 =	vld.idx.msk [tilespmem:v53+s17+$0x0], $0xffff  }
0x5f: {  	v47 =	vadd.s32 v7, v21;
	v37 =	vld.idx.msk [tilespmem:v54+s17+$0x0], $0xffff  }
0x60: {  	v48 =	vadd.s32 v1, v21;
	v43 =	vld.idx.msk [tilespmem:v43+s17+$0x0], $0xffff  }
0x61: {  	v49 =	vadd.s32 v2, v21;
	v44 =	vld.idx.msk [tilespmem:v44+s17+$0x0], $0xffff  }
0x62: {  	v50 =	vadd.s32 v15, v21;
	v45 =	vld.idx.msk [tilespmem:v45+s17+$0x0], $0xffff  }
0x63: {  	v46 =	vld.idx.msk [tilespmem:v46+s17+$0x0], $0xffff;
	v51 =	vadd.s32 v59, v21  }
0x64: {  	v47 =	vld.idx.msk [tilespmem:v47+s17+$0x0], $0xffff;
	v52 =	vadd.s32 v60, v21  }
0x65: {  	v48 =	vld.idx.msk [tilespmem:v48+s17+$0x0], $0xffff;
	v21 =	vadd.s32 v6, v21  }
0x66: {  	v49 =	vld.idx.msk [tilespmem:v49+s17+$0x0], $0xffff  }
0x67: {  	v50 =	vld.idx.msk [tilespmem:v50+s17+$0x0], $0xffff  }
0x68: {  	v51 =	vld.idx.msk [tilespmem:v51+s17+$0x0], $0xffff  }
0x69: {  	v52 =	vld.idx.msk [tilespmem:v52+s17+$0x0], $0xffff  }
0x6a: {  	v41 =	vsub.f32 v41, v17;
	v21 =	vld.idx.msk [tilespmem:v21+s17+$0x0], $0xffff  }
0x6b: {  	v39 =	vsub.f32 v39, v17;
	v32 =	vsub.f32 v8, v17  }
0x6c: {  	v34 =	vadd.f32 v34, v38;
	v35 =	vadd.f32 v36, v35  }
0x6d: {  	v37 =	vadd.f32 v43, v37;
	v56 =	vadd.f32 v45, v44  }
0x6e: {  	v40 =	vld [tilespmem:s26+$0xFFFFFFE0];
	v57 =	vadd.f32 v47, v46;
	v63 =	vadd.f32 v49, v48  }
0x6f: {  	v42 =	vld [tilespmem:s26+$0xFFFFFFF0];
	v4 =	vadd.f32 v51, v50;
	v21 =	vadd.f32 v21, v52  }
0x70: {  	v34 =	vadd.f32 v35, v34;
	v5 =	vadd.f32 v56, v37  }
0x71: {  	v11 =	vld [tilespmem:s26+$0xFFFFFFD0];
	v8 =	vadd.f32 v63, v57;
	v21 =	vadd.f32 v21, v4  }
0x72: {  	v41 =	vmul.f32 v41, v19;
	v31 =	vld [tilespmem:s26+$0xFFFFFF20]  }
0x73: {  	v39 =	vmul.f32 v39, v19;
	v22 =	vld [tilespmem:s26+$0xFFFFFF30];
	v34 =	vadd.f32 v5, v34;
	v21 =	vadd.f32 v21, v8  }
0x74: {  	v40 =	vsub.f32 v40, v17;
	v42 =	vsub.f32 v42, v17;
	v23 =	vld [tilespmem:s26+$0xFFFFFF40]  }
0x75: {  	v41 =	vmul.f32 v41, v41;
	v55 =	vmul.f32 v39, v39;
	v24 =	vld [tilespmem:s26+$0xFFFFFF50];
	v21 =	vadd.f32 v21, v34  }
0x76: {  	v40 =	vmul.f32 v40, v19;
	v42 =	vmul.f32 v42, v19;
	v28 =	vld [tilespmem:s26+$0xFFFFFF90]  }
0x77: {  	s0 =	simm.s32 $0x0;
	vm1 =	vlt.f32 v55, v20;
	vm0 =	vlt.f32 v41, v20;
	v30 =	vld [tilespmem:s26+$0xFFFFFFB0];
	v21 =	vsub.f32 $0.0e+00, v21  }
0x78: {  	v25 =	vld [tilespmem:s26+$0xFFFFFF60];
	v33 =	vsub.f32 v11, v17;
	v32 =	vmul.f32 v32, v19;
	v53 =	vmov s0  }
0x79: {  	v26 =	vld [tilespmem:s26+$0xFFFFFF70];
	v39 =	vnsel vm0, $0x43480000, v41;
	v11 =	vmul.u32 $0x180, v53;
	v21 =	vmul.f32 $1.442695020e+00, v21  }
0x7a: {  	v27 =	vld [tilespmem:s26+$0xFFFFFF80];
	v32 =	vmul.f32 v32, v32;
	v31 =	vsub.f32 v31, v17;
	v22 =	vsub.f32 v22, v17  }
0x7b: {  	v29 =	vld [tilespmem:s26+$0xFFFFFFA0];
	v23 =	vsub.f32 v23, v17;
	v24 =	vsub.f32 v24, v17;
	(erf) = vpow2.f32 v21  }
0x7c: {  	v28 =	vsub.f32 v28, v17;
	v30 =	vsub.f32 v30, v17;
	v31 =	vmul.f32 v31, v19  }
0x7d: {  	v25 =	vsub.f32 v25, v17;
	v22 =	vmul.f32 v22, v19;
	v23 =	vmul.f32 v23, v19  }
0x7e: {  	v26 =	vsub.f32 v26, v17;
	v28 =	vmul.f32 v28, v19;
	v30 =	vmul.f32 v30, v19  }
0x7f: {  	v27 =	vsub.f32 v27, v17;
	v24 =	vmul.f32 v24, v19;
	v22 =	vmul.f32 v22, v22  }
0x80: {  	s0 =	simm.s32 $0x300;
	v29 =	vsub.f32 v29, v17;
	v28 =	vmul.f32 v28, v28;
	v30 =	vmul.f32 v30, v30  }
0x81: {  	vm12 =	vlt.f32 v32, v20;
	v44 =	vld [tilespmem:s0+$0x0];
	v56 =	vmul.f32 v40, v40;
	v57 =	vmul.f32 v42, v42  }
0x82: {  	v48 =	vld [tilespmem:s0+$0x10];
	vm3 =	vlt.f32 v22, v20;
	vm9 =	vlt.f32 v28, v20;
	vm11 =	vlt.f32 v30, v20  }
0x83: {  	v0 =	vmovc v18;
	vm14 =	vlt.f32 v56, v20;
	vm15 =	vlt.f32 v57, v20;
	v49 =	vnsel vm9, $0x43480000, v28;
	v28 =	vld [tilespmem:s0+$0x20]  }
0x84: {  	v41 =	vnsel vm3, $0x43480000, v22;
	v51 =	vnsel vm11, $0x43480000, v30;
	v52 =	vnsel vm12, $0x43480000, v32;
	v32 =	vld [tilespmem:s0+$0x30];
	v22 =	vpop (erf)  }
0x85: {  	v30 =	vbroadcast v11, $0x0;
	v54 =	vnsel vm14, $0x43480000, v56;
	v56 =	vld [tilespmem:s0+$0x40];
	v63 =	vmul.f32 v22, v0  }
0x86: {  	v31 =	vmul.f32 v31, v31;
	v40 =	vnsel vm1, $0x43480000, v55;
	v55 =	vnsel vm15, $0x43480000, v57;
	v57 =	vld [tilespmem:s0+$0x50]  }
0x87: {  	v25 =	vmul.f32 v25, v19;
	v38 =	vadd.s32 v58, v30;
	v8 =	vmov v58;
	v58 =	vld [tilespmem:s0+$0x60];
	[tilespmem:$0x1FEE0] =	vst v63  }
0x88: {  	v26 =	vmul.f32 v26, v19;
	v23 =	vmul.f32 v23, v23;
	vm2 =	vlt.f32 v31, v20;
	[tilespmem:s2+$0xFFFFFE80] =	vst v39  }
0x89: {  	v27 =	vmul.f32 v27, v19;
	v24 =	vmul.f32 v24, v24;
	v31 =	vnsel vm2, $0x43480000, v31;
	[tilespmem:s2+$0xFFFFFE98] =	vst v40  }
0x8a: {  	v29 =	vmul.f32 v29, v19;
	v25 =	vmul.f32 v25, v25;
	vm4 =	vlt.f32 v23, v20;
	[tilespmem:s2+$0xFFFFFEB0] =	vst v31  }
0x8b: {  	v26 =	vmul.f32 v26, v26;
	vm5 =	vlt.f32 v24, v20;
	v42 =	vnsel vm4, $0x43480000, v23;
	[tilespmem:s2+$0xFFFFFEC8] =	vst v41  }
0x8c: {  	v27 =	vmul.f32 v27, v27;
	vm6 =	vlt.f32 v25, v20;
	v43 =	vnsel vm5, $0x43480000, v24;
	[tilespmem:s2+$0xFFFFFEE0] =	vst v42  }
0x8d: {  	v33 =	vmul.f32 v33, v19;
	vm7 =	vlt.f32 v26, v20;
	v45 =	vnsel vm6, $0x43480000, v25;
	[tilespmem:s2+$0xFFFFFEF8] =	vst v43  }
0x8e: {  	v29 =	vmul.f32 v29, v29;
	vm8 =	vlt.f32 v27, v20;
	v46 =	vnsel vm7, $0x43480000, v26;
	[tilespmem:s2+$0xFFFFFF10] =	vst v45  }
0x8f: {  	v33 =	vmul.f32 v33, v33;
	v47 =	vnsel vm8, $0x43480000, v27;
	[tilespmem:s2+$0xFFFFFF28] =	vst v46  }
0x90: {  	vm10 =	vlt.f32 v29, v20;
	[tilespmem:s2+$0xFFFFFF40] =	vst v47  }
0x91: {  	vm13 =	vlt.f32 v33, v20;
	v50 =	vnsel vm10, $0x43480000, v29;
	v5 =	vmovc v14;
	v14 =	vmovc v15;
	v15 =	vmov v59;
	v59 =	vld [tilespmem:s0+$0x70];
	[tilespmem:s2+$0xFFFFFF58] =	vst v49  }
0x92: {  	v16 =	vmov v60;
	v53 =	vnsel vm13, $0x43480000, v33;
	v44 =	vsub.f32 v44, v17;
	v60 =	vld [tilespmem:s0+$0x80];
	[tilespmem:s2+$0xFFFFFF70] =	vst v50  }
0x93: {  	v48 =	vsub.f32 v48, v17;
	v37 =	vadd.s32 v62, v30;
	v36 =	vadd.s32 v61, v30;
	v39 =	vld [tilespmem:s0+$0x90];
	[tilespmem:s2+$0xFFFFFF88] =	vst v51  }
0x94: {  	s28 =	simm.s32 $0x2;
	v35 =	vadd.s32 v9, v30;
	v27 =	vadd.s32 v10, v30;
	v4 =	vmovc v10;
	v10 =	vmov v61;
	v61 =	vld [tilespmem:s0+$0xA0];
	[tilespmem:s2+$0xFFFFFFA0] =	vst v52  }
0x95: {  	v33 =	vadd.s32 v13, v30;
	v29 =	vadd.s32 v3, v30;
	v21 =	vmov s28;
	s28 =	simm.s32 $0x3;
	v40 =	vld [tilespmem:s0+$0xB0];
	[tilespmem:s2+$0xFFFFFFB8] =	vst v53  }
0x96: {  	v18 =	vmovc v1;
	v26 =	vadd.s32 v5, v30;
	v48 =	vmul.f32 v48, v19;
	v1 =	vmov s28;
	v41 =	vld [tilespmem:s0+$0xC0];
	[tilespmem:s2+$0xFFFFFFD0] =	vst v54  }
0x97: {  	v25 =	vadd.s32 v7, v30;
	v56 =	vsub.f32 v56, v17;
	v31 =	vmul.u32 $0x180, v1;
	v1 =	vld [tilespmem:s0+$0xE0];
	[tilespmem:s2+$0xFFFFFFE8] =	vst v55  }
0x98: {  	v24 =	vadd.s32 v18, v30;
	v23 =	vadd.s32 v2, v30;
	v48 =	vmul.f32 v48, v48;
	v38 =	vld.idx.msk [tilespmem:v38+s17+$0x0], $0xffff  }
0x99: {  	v11 =	vsub.f32 v28, v17;
	v57 =	vsub.f32 v57, v17;
	v56 =	vmul.f32 v56, v19;
	v37 =	vld.idx.msk [tilespmem:v37+s17+$0x0], $0xffff  }
0x9a: {  	v28 =	vadd.s32 v14, v30;
	v34 =	vadd.s32 v12, v30;
	v58 =	vsub.f32 v58, v17;
	v36 =	vld.idx.msk [tilespmem:v36+s17+$0x0], $0xffff  }
0x9b: {  	vm9 =	vlt.f32 v48, v20;
	v57 =	vmul.f32 v57, v19;
	v56 =	vmul.f32 v56, v56;
	v35 =	vld.idx.msk [tilespmem:v35+s17+$0x0], $0xffff  }
0x9c: {  	v48 =	vnsel vm9, $0x43480000, v48;
	v58 =	vmul.f32 v58, v19;
	v42 =	vmul.f32 v44, v19;
	v29 =	vld.idx.msk [tilespmem:v29+s17+$0x0], $0xffff  }
0x9d: {  	vm12 =	vlt.f32 v56, v20;
	v63 =	vsub.f32 v32, v17;
	v27 =	vld.idx.msk [tilespmem:v27+s17+$0x0], $0xffff;
	v32 =	vbroadcast v31, $0x0  }
0x9e: {  	v56 =	vnsel vm12, $0x43480000, v56;
	v21 =	vmul.u32 $0x180, v21;
	v22 =	vmovc v0;
	v0 =	vmovc v62;
	v26 =	vld.idx.msk [tilespmem:v26+s17+$0x0], $0xffff;
	v42 =	vmul.f32 v42, v42  }
0x9f: {  	v62 =	vmul.f32 v63, v19;
	v25 =	vld.idx.msk [tilespmem:v25+s17+$0x0], $0xffff;
	v53 =	vadd.s32 v8, v32;
	v44 =	vsub.f32 v59, v17  }
0xa0: {  	v24 =	vld.idx.msk [tilespmem:v24+s17+$0x0], $0xffff;
	vm8 =	vlt.f32 v42, v20;
	v43 =	vsub.f32 v60, v17;
	v39 =	vsub.f32 v39, v17  }
0xa1: {  	v31 =	vld [tilespmem:s0+$0xD0];
	v60 =	vmul.f32 v11, v19;
	v63 =	vsub.f32 v61, v17;
	v40 =	vsub.f32 v40, v17  }
0xa2: {  	v23 =	vld.idx.msk [tilespmem:v23+s17+$0x0], $0xffff;
	v41 =	vsub.f32 v41, v17;
	v1 =	vsub.f32 v1, v17;
	v42 =	vnsel vm8, $0x43480000, v42  }
0xa3: {  	v37 =	vadd.f32 v37, v38;
	v35 =	vadd.f32 v35, v36;
	v36 =	vadd.s32 v18, v32  }
0xa4: {  	v27 =	vadd.f32 v27, v29;
	v29 =	vbroadcast v21, $0x0;
	v44 =	vmul.f32 v44, v19  }
0xa5: {  	v25 =	vadd.f32 v25, v26;
	v43 =	vmul.f32 v43, v19;
	v39 =	vmul.f32 v39, v19  }
0xa6: {  	v31 =	vsub.f32 v31, v17;
	v46 =	vmul.f32 v63, v19;
	v40 =	vmul.f32 v40, v19  }
0xa7: {  	s2 =	simm.s32 $0x48B0;
	v11 =	vld [tilespmem:s0+$0xF0];
	v23 =	vadd.f32 v23, v24;
	v41 =	vmul.f32 v41, v19;
	v47 =	vmul.f32 v1, v19  }
0xa8: {  	[tilespmem:s2+$0x60] =	vst v56;
	v56 =	vld [tilespmem:s0+$0xFFFFFFB0];
	v1 =	vmul.f32 v57, v57;
	v35 =	vadd.f32 v35, v37;
	v50 =	vmul.f32 v31, v19  }
0xa9: {  	v23 =	vadd.f32 v23, v25;
	v44 =	vmul.f32 v44, v44;
	v43 =	vmul.f32 v43, v43  }
0xaa: {  	v31 =	vadd.s32 v15, v30;
	v39 =	vmul.f32 v39, v39;
	v63 =	vmul.f32 v46, v46  }
0xab: {  	vm13 =	vlt.f32 v1, v20;
	v40 =	vmul.f32 v40, v40;
	v41 =	vmul.f32 v41, v41  }
0xac: {  	v45 =	vsub.f32 v11, v17;
	v11 =	vmul.f32 v60, v60;
	v60 =	vmul.f32 v62, v62  }
0xad: {  	[tilespmem:s2+$0x0] =	vst v42;
	v57 =	vld [tilespmem:s0+$0xFFFFFF70];
	v42 =	vnsel vm13, $0x43480000, v1;
	v56 =	vsub.f32 v56, v17;
	vm15 =	vlt.f32 v44, v20  }
0xae: {  	v54 =	vld [tilespmem:s0+$0xFFFFFF40];
	vm4 =	vlt.f32 v43, v20;
	vm5 =	vlt.f32 v39, v20;
	vm6 =	vlt.f32 v63, v20  }
0xaf: {  	v55 =	vld [tilespmem:s0+$0xFFFFFF50];
	vm7 =	vlt.f32 v40, v20;
	vm8 =	vlt.f32 v41, v20;
	v45 =	vmul.f32 v45, v19  }
0xb0: {  	v61 =	vld [tilespmem:s0+$0xFFFFFF60];
	vm10 =	vlt.f32 v11, v20;
	vm11 =	vlt.f32 v60, v20;
	v44 =	vnsel vm15, $0x43480000, v44  }
0xb1: {  	v49 =	vld [tilespmem:s0+$0xFFFFFF10];
	[tilespmem:s2+$0x78] =	vst v42;
	v43 =	vnsel vm4, $0x43480000, v43;
	v39 =	vnsel vm5, $0x43480000, v39;
	v42 =	vnsel vm6, $0x43480000, v63  }
0xb2: {  	v46 =	vld [tilespmem:s0+$0xFFFFFFC0];
	v40 =	vnsel vm7, $0x43480000, v40;
	v41 =	vnsel vm8, $0x43480000, v41;
	v57 =	vsub.f32 v57, v17  }
0xb3: {  	v56 =	vmul.f32 v56, v19;
	v59 =	vnsel vm10, $0x43480000, v11;
	v11 =	vmul.f32 v58, v58;
	[tilespmem:s2+$0x108] =	vst v40  }
0xb4: {  	v60 =	vnsel vm11, $0x43480000, v60;
	[tilespmem:s2+$0x120] =	vst v41;
	v41 =	vadd.s32 v0, v32;
	v40 =	vsub.f32 v54, v17  }
0xb5: {  	v1 =	vld [tilespmem:s0+$0xFFFFFF00];
	[tilespmem:s2+$0xC0] =	vst v43;
	v43 =	vadd.s32 v10, v32;
	v54 =	vsub.f32 v55, v17;
	v55 =	vsub.f32 v61, v17  }
0xb6: {  	v61 =	vadd.s32 v3, v32;
	v62 =	vmul.f32 v45, v45;
	v45 =	vsub.f32 v49, v17  }
0xb7: {  	v49 =	vadd.s32 v12, v32;
	v46 =	vsub.f32 v46, v17;
	v57 =	vmul.f32 v57, v19  }
0xb8: {  	v52 =	vld [tilespmem:s0+$0xFFFFFF30];
	vm14 =	vlt.f32 v11, v20;
	v40 =	vmul.f32 v40, v19;
	v54 =	vmul.f32 v54, v19  }
0xb9: {  	v28 =	vld.idx.msk [tilespmem:v28+s17+$0x0], $0xffff;
	[tilespmem:s2+$0x18] =	vst v48;
	v55 =	vmul.f32 v55, v19;
	v48 =	vnsel vm14, $0x43480000, v11;
	v11 =	vmul.f32 v50, v50  }
0xba: {  	v58 =	vld [tilespmem:s0+$0xFFFFFF80];
	[tilespmem:s2+$0xA8] =	vst v44;
	v44 =	vsub.f32 v1, v17;
	v50 =	vmul.f32 v47, v47;
	v45 =	vmul.f32 v45, v19  }
0xbb: {  	[tilespmem:s2+$0x30] =	vst v59;
	v59 =	vld [tilespmem:s0+$0xFFFFFF90];
	vm11 =	vlt.f32 v62, v20;
	v46 =	vmul.f32 v46, v19;
	v57 =	vmul.f32 v57, v57  }
0xbc: {  	[tilespmem:s2+$0x48] =	vst v60;
	v60 =	vld [tilespmem:s0+$0xFFFFFFA0];
	v1 =	vnsel vm11, $0x43480000, v62;
	v44 =	vmul.f32 v44, v19;
	v40 =	vmul.f32 v40, v40  }
0xbd: {  	v31 =	vld.idx.msk [tilespmem:v31+s17+$0x0], $0xffff;
	v62 =	vadd.s32 v4, v32;
	v54 =	vmul.f32 v54, v54;
	v55 =	vmul.f32 v55, v55  }
0xbe: {  	v51 =	vld [tilespmem:s0+$0xFFFFFF20];
	vm9 =	vlt.f32 v11, v20;
	vm10 =	vlt.f32 v50, v20;
	[tilespmem:s2+$0x168] =	vst v1;
	v1 =	vadd.s32 v13, v32  }
0xbf: {  	v34 =	vld.idx.msk [tilespmem:v34+s17+$0x0], $0xffff;
	v58 =	vsub.f32 v58, v17;
	v45 =	vmul.f32 v45, v45;
	vm7 =	vlt.f32 v57, v20  }
0xc0: {  	v33 =	vld.idx.msk [tilespmem:v33+s17+$0x0], $0xffff;
	[tilespmem:s2+$0xD8] =	vst v39;
	v63 =	vnsel vm9, $0x43480000, v11;
	v39 =	vnsel vm10, $0x43480000, v50;
	v50 =	vsub.f32 v52, v17  }
0xc1: {  	v47 =	vld [tilespmem:s0+$0xFFFFFFE0];
	v11 =	vadd.s32 v9, v32;
	v59 =	vsub.f32 v59, v17;
	v60 =	vsub.f32 v60, v17  }
0xc2: {  	[tilespmem:s2+$0x90] =	vst v48;
	v48 =	vld [tilespmem:s0+$0xFFFFFFD0];
	v44 =	vmul.f32 v44, v44;
	vm4 =	vlt.f32 v40, v20;
	vm5 =	vlt.f32 v54, v20  }
0xc3: {  	vm6 =	vlt.f32 v55, v20;
	v24 =	vadd.f32 v31, v28;
	v31 =	vadd.s32 v4, v29;
	[tilespmem:s2+$0x138] =	vst v63  }
0xc4: {  	[tilespmem:s2+$0x150] =	vst v39;
	v39 =	vsub.f32 v51, v17;
	v63 =	vadd.s32 v5, v32;
	v58 =	vmul.f32 v58, v19  }
0xc5: {  	[tilespmem:s2+$0xF0] =	vst v42;
	v51 =	vld [tilespmem:s0+$0xFFFFFFF0];
	vm1 =	vlt.f32 v45, v20;
	v40 =	vnsel vm4, $0x43480000, v40;
	v50 =	vmul.f32 v50, v19  }
0xc6: {  	s0 =	simm.s32 $0x4;
	v53 =	vld.idx.msk [tilespmem:v53+s17+$0x0], $0xffff;
	v47 =	vsub.f32 v47, v17;
	v59 =	vmul.f32 v59, v19;
	v60 =	vmul.f32 v60, v19  }
0xc7: {  	v41 =	vld.idx.msk [tilespmem:v41+s17+$0x0], $0xffff;
	vm0 =	vlt.f32 v44, v20;
	v26 =	vmov s0;
	v48 =	vsub.f32 v48, v17  }
0xc8: {  	v39 =	vmul.f32 v39, v19;
	v37 =	vld.idx.msk [tilespmem:v62+s17+$0x0], $0xffff;
	v62 =	vadd.s32 v14, v32;
	v58 =	vmul.f32 v58, v58  }
0xc9: {  	v21 =	vmul.u32 $0x180, v26;
	v52 =	vld.idx.msk [tilespmem:v1+s17+$0x0], $0xffff;
	v1 =	vadd.f32 v33, v34;
	v47 =	vmul.f32 v47, v19  }
0xca: {  	v61 =	vld.idx.msk [tilespmem:v61+s17+$0x0], $0xffff;
	v34 =	vadd.s32 v2, v32;
	v50 =	vmul.f32 v50, v50;
	v59 =	vmul.f32 v59, v59  }
0xcb: {  	v42 =	vld.idx.msk [tilespmem:v11+s17+$0x0], $0xffff;
	v11 =	vadd.s32 v7, v32;
	v48 =	vmul.f32 v48, v19;
	v39 =	vmul.f32 v39, v39  }
0xcc: {  	s28 =	simm.s32 $0x5;
	v49 =	vld.idx.msk [tilespmem:v49+s17+$0x0], $0xffff;
	vm8 =	vlt.f32 v58, v20;
	v51 =	vsub.f32 v51, v17;
	vm3 =	vlt.f32 v50, v20  }
0xcd: {  	v43 =	vld.idx.msk [tilespmem:v43+s17+$0x0], $0xffff;
	vm9 =	vlt.f32 v59, v20;
	v27 =	vadd.f32 v27, v1;
	v1 =	vmov s28  }
0xce: {  	v36 =	vld.idx.msk [tilespmem:v36+s17+$0x0], $0xffff;
	v41 =	vadd.f32 v41, v53;
	v53 =	vadd.s32 v15, v32;
	vm2 =	vlt.f32 v39, v20  }
0xcf: {  	v63 =	vld.idx.msk [tilespmem:v63+s17+$0x0], $0xffff;
	v51 =	vmul.f32 v51, v19;
	v37 =	vadd.f32 v37, v61;
	v25 =	vadd.f32 v27, v35  }
0xd0: {  	v35 =	vadd.s32 v0, v29;
	v27 =	vadd.s32 v18, v29;
	v38 =	vld.idx.msk [tilespmem:v11+s17+$0x0], $0xffff;
	v11 =	vadd.s32 v16, v32  }
0xd1: {  	v18 =	vadd.s32 v15, v29;
	v34 =	vld.idx.msk [tilespmem:v34+s17+$0x0], $0xffff;
	v49 =	vadd.f32 v52, v49;
	v32 =	vadd.s32 v6, v32  }
0xd2: {  	s31 =	simm.s32 $0x500;
	v62 =	vld.idx.msk [tilespmem:v62+s17+$0x0], $0xffff;
	v52 =	vadd.s32 v16, v30;
	v30 =	vadd.s32 v6, v30;
	v6 =	vmul.f32 v46, v46  }
0xd3: {  	v42 =	vadd.f32 v42, v43;
	v61 =	vmul.f32 v51, v51;
	v51 =	vnsel vm7, $0x43480000, v57;
	v57 =	vld [tilespmem:s31+$0x20]  }
0xd4: {  	v37 =	vadd.f32 v37, v49;
	v49 =	vnsel vm5, $0x43480000, v54;
	v53 =	vld.idx.msk [tilespmem:v53+s17+$0x0], $0xffff;
	vm12 =	vlt.f32 v6, v20  }
0xd5: {  	v41 =	vadd.f32 v42, v41;
	vm15 =	vlt.f32 v61, v20;
	v42 =	vnsel vm12, $0x43480000, v6;
	v43 =	vld.idx.msk [tilespmem:v11+s17+$0x0], $0xffff  }
0xd6: {  	v6 =	vadd.s32 v3, v29;
	v34 =	vadd.f32 v34, v36;
	v36 =	vmul.f32 v60, v60;
	v32 =	vld.idx.msk [tilespmem:v32+s17+$0x0], $0xffff  }
0xd7: {  	v60 =	vmul.f32 v47, v47;
	v37 =	vadd.f32 v37, v41;
	v41 =	vnsel vm0, $0x43480000, v44  }
0xd8: {  	v44 =	vnsel vm1, $0x43480000, v45;
	v45 =	vnsel vm2, $0x43480000, v39;
	v47 =	vnsel vm15, $0x43480000, v61  }
0xd9: {  	v4 =	vld [tilespmem:s31+$0x90];
	v39 =	vadd.s32 v13, v29;
	v38 =	vadd.f32 v38, v63;
	v63 =	vmul.f32 v56, v56  }
0xda: {  	v30 =	vld.idx.msk [tilespmem:v30+s17+$0x0], $0xffff;
	v11 =	vmul.f32 v48, v48;
	v48 =	vnsel vm3, $0x43480000, v50;
	v57 =	vsub.f32 v57, v17  }
0xdb: {  	v61 =	vld [tilespmem:s31+$0x50];
	v50 =	vnsel vm6, $0x43480000, v55;
	v53 =	vadd.f32 v53, v62;
	v32 =	vadd.f32 v32, v43  }
0xdc: {  	v56 =	vld [tilespmem:s31+$0x10];
	vm10 =	vlt.f32 v36, v20;
	vm14 =	vlt.f32 v60, v20;
	v34 =	vadd.f32 v34, v38  }
0xdd: {  	vm11 =	vlt.f32 v63, v20;
	vm13 =	vlt.f32 v11, v20;
	v62 =	vld.idx.msk [tilespmem:v52+s17+$0x0], $0xffff;
	v32 =	vadd.f32 v32, v53  }
0xde: {  	v52 =	vnsel vm8, $0x43480000, v58;
	v54 =	vnsel vm10, $0x43480000, v36;
	v46 =	vnsel vm14, $0x43480000, v60;
	v58 =	vld [tilespmem:s31+$0x30]  }
0xdf: {  	v36 =	vadd.s32 v10, v29;
	v33 =	vnsel vm13, $0x43480000, v11;
	v11 =	vld [tilespmem:s31+$0x60];
	v32 =	vadd.f32 v32, v34  }
0xe0: {  	v38 =	vadd.s32 v12, v29;
	v61 =	vsub.f32 v61, v17;
	v43 =	vnsel vm11, $0x43480000, v63;
	v63 =	vld [tilespmem:$0x1FEE0];
	[tilespmem:s2+$0xFFFFFE80] =	vst v41  }
0xe1: {  	v57 =	vmul.f32 v57, v19;
	v41 =	vld [tilespmem:s31+$0x70];
	[tilespmem:s2+$0xFFFFFE98] =	vst v44;
	v56 =	vsub.f32 v56, v17;
	v32 =	vadd.f32 v32, v37  }
0xe2: {  	v44 =	vld [tilespmem:s31+$0x80];
	[tilespmem:s2+$0xFFFFFEB0] =	vst v45;
	v45 =	vsub.f32 v4, v17;
	v53 =	vnsel vm9, $0x43480000, v59;
	v28 =	vadd.f32 v30, v62  }
0xe3: {  	v59 =	vld [tilespmem:s31+$0x40];
	v30 =	vadd.s32 v5, v29;
	v58 =	vsub.f32 v58, v17;
	v32 =	vsub.f32 $0.0e+00, v32  }
0xe4: {  	[tilespmem:s2+$0xFFFFFEF8] =	vst v49;
	v5 =	vld [tilespmem:s31+$0xB0];
	v56 =	vmul.f32 v56, v19;
	v49 =	vmul.f32 v45, v19;
	v62 =	vsub.f32 v11, v17  }
0xe5: {  	v11 =	vld [tilespmem:s31+$0xD0];
	[tilespmem:s2+$0xFFFFFF58] =	vst v53;
	v53 =	vmul.f32 v61, v19;
	v34 =	vadd.s32 v8, v29;
	v32 =	vmul.f32 $1.442695020e+00, v32  }
0xe6: {  	v24 =	vadd.f32 v28, v24;
	v28 =	vadd.s32 v7, v29;
	v7 =	vld [tilespmem:s31+$0xC0];
	v58 =	vmul.f32 v58, v19  }
0xe7: {  	v41 =	vsub.f32 v41, v17;
	v44 =	vsub.f32 v44, v17;
	(erf) = vpow2.f32 v32;
	v32 =	vld [tilespmem:s31+$0x0]  }
0xe8: {  	[tilespmem:s2+$0xFFFFFEC8] =	vst v48;
	v61 =	vmul.f32 v62, v19;
	v53 =	vmul.f32 v53, v53;
	v37 =	vadd.s32 v9, v29  }
0xe9: {  	[tilespmem:s2+$0xFFFFFEE0] =	vst v40;
	v23 =	vadd.f32 v24, v23;
	v24 =	vadd.s32 v14, v29;
	v59 =	vsub.f32 v59, v17  }
0xea: {  	[tilespmem:s2+$0xFFFFFF10] =	vst v50;
	v40 =	vsub.f32 v5, v17;
	v41 =	vmul.f32 v41, v19;
	v62 =	vmul.f32 v44, v19  }
0xeb: {  	v55 =	vld [tilespmem:s31+$0xFFFFFF30];
	[tilespmem:s2+$0xFFFFFF28] =	vst v51;
	v59 =	vmul.f32 v59, v19;
	v5 =	vsub.f32 v7, v17;
	v7 =	vsub.f32 v11, v17  }
0xec: {  	[tilespmem:s2+$0xFFFFFF40] =	vst v52;
	v4 =	vld [tilespmem:s31+$0xF0];
	v40 =	vmul.f32 v40, v19;
	v41 =	vmul.f32 v41, v41;
	v14 =	vsub.f32 v32, v17  }
0xed: {  	s26 =	simm.s32 $0x4010;
	[tilespmem:s2+$0xFFFFFF70] =	vst v54;
	v54 =	vld [tilespmem:s31+$0xFFFFFF20];
	v50 =	vmul.f32 v5, v19;
	v51 =	vmul.f32 v7, v19;
	v32 =	vmul.u32 $0x180, v1  }
0xee: {  	[tilespmem:s26+$0x0] =	vst v63;
	vm5 =	vlt.f32 v53, v20;
	v5 =	vmul.f32 v56, v56;
	v63 =	vmul.f32 v14, v19;
	v14 =	vld [tilespmem:s31+$0xE0]  }
0xef: {  	[tilespmem:s2+$0xFFFFFFA0] =	vst v42;
	v42 =	vld [tilespmem:s31+$0xFFFFFF70];
	v7 =	vmul.f32 v57, v57;
	vm7 =	vlt.f32 v41, v20;
	v32 =	vbroadcast v32, $0x0  }
0xf0: {  	[tilespmem:s2+$0xFFFFFFD0] =	vst v46;
	v46 =	vld [tilespmem:s31+$0xFFFFFFB0];
	v40 =	vmul.f32 v40, v40;
	v41 =	vnsel vm7, $0x43480000, v41;
	vm13 =	vlt.f32 v5, v20  }
0xf1: {  	[tilespmem:s2+$0xFFFFFFE8] =	vst v47;
	v47 =	vld [tilespmem:s31+$0xFFFFFFC0];
	vm14 =	vlt.f32 v7, v20;
	v50 =	vmul.f32 v50, v50;
	v26 =	vpop (erf);
	v56 =	vadd.s32 v8, v32  }
0xf2: {  	[tilespmem:s2+$0xFFFFFFB8] =	vst v33;
	v8 =	vmul.f32 v58, v58;
	v60 =	vmul.f32 v26, v22;
	v26 =	vadd.s32 v2, v29;
	v2 =	vld [tilespmem:s31+$0xA0]  }
0xf3: {  	s30 =	simm.s32 $0x4BB0;
	[tilespmem:s2+$0xFFFFFF88] =	vst v43;
	v43 =	vld [tilespmem:s31+$0xFFFFFF80];
	vm11 =	vlt.f32 v40, v20;
	v11 =	vsub.f32 v14, v17;
	v14 =	vsub.f32 v4, v17  }
0xf4: {  	v35 =	vld.idx.msk [tilespmem:v35+s17+$0x0], $0xffff;
	v51 =	vmul.f32 v51, v51;
	v40 =	vnsel vm11, $0x43480000, v40;
	[tilespmem:s30+$0xA8] =	vst v41;
	vm15 =	vlt.f32 v8, v20  }
0xf5: {  	s28 =	simm.s32 $0x4030;
	v36 =	vld.idx.msk [tilespmem:v36+s17+$0x0], $0xffff;
	[tilespmem:s30+$0x108] =	vst v40;
	v8 =	vnsel vm15, $0x43480000, v8;
	v33 =	vmul.f32 v11, v19;
	v52 =	vmul.f32 v14, v19  }
0xf6: {  	v38 =	vld.idx.msk [tilespmem:v38+s17+$0x0], $0xffff;
	[tilespmem:s28+$0x0] =	vst v60;
	v14 =	vmul.f32 v59, v59;
	v59 =	vnsel vm13, $0x43480000, v5;
	v5 =	vnsel vm14, $0x43480000, v7  }
0xf7: {  	v45 =	vld [tilespmem:s31+$0xFFFFFFA0];
	[tilespmem:s30+$0x48] =	vst v8;
	v7 =	vmul.f32 v61, v61;
	v61 =	vmul.f32 v49, v49;
	v48 =	vsub.f32 v2, v17  }
0xf8: {  	v39 =	vld.idx.msk [tilespmem:v39+s17+$0x0], $0xffff;
	v58 =	vsub.f32 v54, v17;
	[tilespmem:s30+$0x18] =	vst v59;
	v59 =	vnsel vm5, $0x43480000, v53;
	v33 =	vmul.f32 v33, v33  }
0xf9: {  	v44 =	vld [tilespmem:s31+$0xFFFFFF90];
	[tilespmem:s30+$0x30] =	vst v5;
	vm9 =	vlt.f32 v61, v20;
	v1 =	vmul.f32 v48, v19;
	v48 =	vmul.f32 v63, v63  }
0xfa: {  	v34 =	vld.idx.msk [tilespmem:v34+s17+$0x0], $0xffff;
	v54 =	vadd.s32 v12, v32;
	[tilespmem:s30+$0x78] =	vst v59;
	v53 =	vnsel vm9, $0x43480000, v61;
	vm14 =	vlt.f32 v33, v20  }
0xfb: {  	v37 =	vld.idx.msk [tilespmem:v37+s17+$0x0], $0xffff;
	v22 =	vadd.f32 v23, v25;
	[tilespmem:s30+$0xD8] =	vst v53;
	vm12 =	vlt.f32 v48, v20;
	v33 =	vnsel vm14, $0x43480000, v33  }
0xfc: {  	v60 =	vld [tilespmem:s31+$0xFFFFFF40];
	vm4 =	vlt.f32 v14, v20;
	vm6 =	vlt.f32 v7, v20;
	v11 =	vnsel vm12, $0x43480000, v48;
	[tilespmem:s30+$0x150] =	vst v33  }
0xfd: {  	v4 =	vld [tilespmem:s31+$0xFFFFFF50];
	v8 =	vmul.f32 v52, v52;
	v1 =	vmul.f32 v1, v1;
	[tilespmem:s30+$0x0] =	vst v11;
	v11 =	vnsel vm4, $0x43480000, v14  }
0xfe: {  	v49 =	vld [tilespmem:s31+$0xFFFFFFE0];
	vm12 =	vlt.f32 v50, v20;
	v14 =	vmul.f32 v62, v62;
	v62 =	vnsel vm6, $0x43480000, v7;
	[tilespmem:s30+$0x60] =	vst v11  }
0xff: {  	vm13 =	vlt.f32 v51, v20;
	v2 =	vld [tilespmem:s31+$0xFFFFFF10];
	vm10 =	vlt.f32 v1, v20;
	v50 =	vnsel vm12, $0x43480000, v50;
	[tilespmem:s30+$0x90] =	vst v62  }
0x100: {  	v5 =	vld [tilespmem:s31+$0xFFFFFF00];
	vm15 =	vlt.f32 v8, v20;
	v1 =	vnsel vm10, $0x43480000, v1;
	[tilespmem:s30+$0x120] =	vst v50;
	vm8 =	vlt.f32 v14, v20  }
0x101: {  	v63 =	vld [tilespmem:s31+$0xFFFFFF60];
	v11 =	vnsel vm13, $0x43480000, v51;
	[tilespmem:s30+$0xF0] =	vst v1;
	v7 =	vnsel vm8, $0x43480000, v14;
	v14 =	vadd.s32 v0, v32  }
0x102: {  	v25 =	vadd.s32 v16, v29;
	v22 =	vsub.f32 $0.0e+00, v22;
	v48 =	vld [tilespmem:s31+$0xFFFFFFD0];
	[tilespmem:s30+$0x138] =	vst v11;
	v1 =	vnsel vm15, $0x43480000, v8  }
0x103: {  	v59 =	vsub.f32 v55, v17;
	v53 =	vadd.s32 v9, v32;
	v33 =	vld.idx.msk [tilespmem:v6+s17+$0x0], $0xffff;
	[tilespmem:s30+$0x168] =	vst v1  }
0x104: {  	v22 =	vmul.f32 $1.442695020e+00, v22;
	v60 =	vsub.f32 v60, v17;
	v61 =	vsub.f32 v4, v17;
	v50 =	vld [tilespmem:s31+$0xFFFFFFF0];
	[tilespmem:s30+$0xC0] =	vst v7  }
0x105: {  	v55 =	vadd.s32 v13, v32;
	v52 =	vsub.f32 v5, v17;
	v57 =	vsub.f32 v2, v17;
	v40 =	vld.idx.msk [tilespmem:v56+s17+$0x0], $0xffff  }
0x106: {  	s29 =	simm.s32 $0x4030;
	s2 =	simm.s32 $0x6;
	v51 =	vadd.s32 v10, v32;
	v62 =	vsub.f32 v63, v17;
	v56 =	vadd.s32 v3, v32;
	v41 =	vld.idx.msk [tilespmem:v14+s17+$0x0], $0xffff  }
.LBB2_3:
0x107: {  	v8 =	vld [tilespmem:$0x1FF10]  }
0x108: {  	v53 =	vld.idx.msk [tilespmem:v53+s17+$0x0], $0xffff  }
0x109: {  	v16 =	vld [tilespmem:$0x1FF20]  }
0x10a: {  	v54 =	vld.idx.msk [tilespmem:v54+s17+$0x0], $0xffff  }
0x10b: {  	v10 =	vld [tilespmem:$0x1FF30]  }
0x10c: {  	v55 =	vld.idx.msk [tilespmem:v55+s17+$0x0], $0xffff  }
0x10d: {  	v12 =	vld [tilespmem:$0x1FF40]  }
0x10e: {  	v56 =	vld.idx.msk [tilespmem:v56+s17+$0x0], $0xffff  }
0x10f: {  	v14 =	vmov v18;
	v18 =	vld [tilespmem:$0x1FF00];
	v52 =	vmul.f32 v52, v19;
	v57 =	vmul.f32 v57, v19  }
0x110: {  	v9 =	vld [tilespmem:$0x1FF50];
	v58 =	vmul.f32 v58, v19;
	v59 =	vmul.f32 v59, v19  }
0x111: {  	v11 =	vld [tilespmem:$0x1FF60];
	v60 =	vmul.f32 v60, v19;
	v61 =	vmul.f32 v61, v19  }
0x112: {  	v15 =	vld [tilespmem:$0x1FF80];
	v62 =	vmul.f32 v62, v19;
	v1 =	vsub.f32 v42, v17;
	v7 =	vadd.s32 v8, v32  }
0x113: {  	v13 =	vld [tilespmem:$0x1FFE0];
	v42 =	vsub.f32 v43, v17;
	v44 =	vsub.f32 v44, v17;
	v63 =	vadd.s32 v16, v32  }
0x114: {  	v30 =	vld.idx.msk [tilespmem:v30+s17+$0x0], $0xffff;
	v45 =	vsub.f32 v45, v17;
	v46 =	vsub.f32 v46, v17;
	v0 =	vadd.s32 v10, v32  }
0x115: {  	v28 =	vld.idx.msk [tilespmem:v28+s17+$0x0], $0xffff;
	v47 =	vsub.f32 v47, v17;
	v48 =	vsub.f32 v48, v17;
	v2 =	vadd.s32 v12, v32  }
0x116: {  	v43 =	vld.idx.msk [tilespmem:v51+s17+$0x0], $0xffff;
	v49 =	vsub.f32 v49, v17;
	v50 =	vsub.f32 v50, v17;
	v3 =	vadd.s32 v18, v32  }
0x117: {  	v36 =	vadd.f32 v37, v36;
	v38 =	vadd.f32 v39, v38;
	v4 =	vadd.s32 v9, v32;
	v51 =	vld.idx.msk [tilespmem:v7+s17+$0x0], $0xffff  }
0x118: {  	v40 =	vadd.f32 v41, v40;
	v5 =	vadd.s32 v11, v32;
	v6 =	vadd.s32 v15, v32;
	v63 =	vld.idx.msk [tilespmem:v63+s17+$0x0], $0xffff  }
0x119: {  	v29 =	vadd.s32 v13, v29;
	v1 =	vmul.f32 v1, v19;
	v42 =	vmul.f32 v42, v19;
	v0 =	vld.idx.msk [tilespmem:v0+s17+$0x0], $0xffff  }
0x11a: {  	v44 =	vmul.f32 v44, v19;
	v45 =	vmul.f32 v45, v19;
	v2 =	vld.idx.msk [tilespmem:v2+s17+$0x0], $0xffff;
	v7 =	vadd.s32 v13, v32  }
0x11b: {  	v28 =	vadd.f32 v28, v30;
	v37 =	vmul.f32 v48, v19;
	v48 =	vmul.f32 v58, v58;
	v3 =	vld.idx.msk [tilespmem:v3+s17+$0x0], $0xffff  }
0x11c: {  	v39 =	vmul.f32 v50, v19;
	v50 =	vmul.f32 v60, v60;
	v58 =	vadd.f32 v55, v54;
	v4 =	vld.idx.msk [tilespmem:v4+s17+$0x0], $0xffff  }
0x11d: {  	v1 =	vmul.f32 v1, v1;
	v42 =	vmul.f32 v42, v42;
	vm2 =	vlt.f32 v48, v20;
	v5 =	vld.idx.msk [tilespmem:v5+s17+$0x0], $0xffff  }
0x11e: {  	v44 =	vmul.f32 v44, v44;
	vm4 =	vlt.f32 v50, v20;
	v48 =	vnsel vm2, $0x43480000, v48;
	v6 =	vld.idx.msk [tilespmem:v6+s17+$0x0], $0xffff  }
0x11f: {  	v32 =	vadd.f32 v35, v34;
	v34 =	vmul.f32 v46, v19;
	v35 =	vmul.f32 v47, v19;
	v7 =	vld.idx.msk [tilespmem:v7+s17+$0x0], $0xffff  }
0x120: {  	v50 =	vnsel vm4, $0x43480000, v50;
	v46 =	vmul.f32 v49, v19;
	v47 =	vmul.f32 v52, v52  }
0x121: {  	v49 =	vmul.f32 v59, v59;
	v52 =	vmul.f32 v61, v61;
	v13 =	vadd.f32 v53, v43  }
0x122: {  	v59 =	vld.idx.msk [tilespmem:v26+s17+$0x0], $0xffff;
	v26 =	vmul.f32 v45, v45;
	v45 =	vmul.f32 v37, v37;
	v51 =	vadd.f32 v51, v56  }
0x123: {  	vm7 =	vlt.f32 v1, v20;
	v0 =	vadd.f32 v0, v63;
	v2 =	vadd.f32 v3, v2  }
0x124: {  	vm8 =	vlt.f32 v42, v20;
	v4 =	vadd.f32 v5, v4;
	v60 =	vadd.f32 v7, v6  }
0x125: {  	v61 =	vld.idx.msk [tilespmem:v24+s17+$0x0], $0xffff;
	vm9 =	vlt.f32 v44, v20;
	v24 =	vadd.f32 v13, v40;
	v63 =	vadd.f32 v51, v58  }
0x126: {  	v53 =	vnsel vm7, $0x43480000, v1;
	v0 =	vadd.f32 v2, v0;
	v13 =	vadd.f32 v60, v4  }
0x127: {  	v54 =	vnsel vm8, $0x43480000, v42;
	v32 =	vadd.f32 v36, v32;
	v36 =	vmul.f32 v57, v57  }
0x128: {  	v23 =	vld.idx.msk [tilespmem:v14+s17+$0x0], $0xffff;
	v57 =	vmul.f32 v62, v62;
	v24 =	vadd.f32 v63, v24;
	v0 =	vadd.f32 v13, v0  }
0x129: {  	v14 =	vld.idx.msk [tilespmem:v25+s17+$0x0], $0xffff;
	vm0 =	vlt.f32 v47, v20;
	v62 =	vmul.f32 v34, v34;
	v35 =	vmul.f32 v35, v35  }
0x12a: {  	v25 =	vmul.f32 v46, v46;
	v46 =	vld.idx.msk [tilespmem:v29+s17+$0x0], $0xffff;
	v29 =	vmul.f32 v39, v39;
	v0 =	vadd.f32 v0, v24  }
0x12b: {  	v31 =	vld.idx.msk [tilespmem:v31+s17+$0x0], $0xffff;
	vm3 =	vlt.f32 v49, v20;
	vm5 =	vlt.f32 v52, v20;
	vm10 =	vlt.f32 v26, v20  }
0x12c: {  	v27 =	vld.idx.msk [tilespmem:v27+s17+$0x0], $0xffff;
	s31 =	sadd.s32 $0x200, s31;
	vm13 =	vlt.f32 v45, v20;
	v47 =	vnsel vm0, $0x43480000, v47;
	v0 =	vsub.f32 $0.0e+00, v0  }
0x12d: {  	v40 =	vld [tilespmem:s31+$0x0];
	v49 =	vnsel vm3, $0x43480000, v49;
	v26 =	vnsel vm10, $0x43480000, v26;
	vm1 =	vlt.f32 v36, v20  }
0x12e: {  	vm6 =	vlt.f32 v57, v20;
	vm15 =	vlt.f32 v29, v20;
	[tilespmem:s30+$0xFFFFFEC8] =	vst v49;
	v49 =	vld [tilespmem:$0x1FF70];
	v0 =	vmul.f32 $1.442695020e+00, v0  }
0x12f: {  	vm11 =	vlt.f32 v62, v20;
	v5 =	vnsel vm13, $0x43480000, v45;
	v42 =	vnsel vm15, $0x43480000, v29;
	v45 =	vld [tilespmem:s31+$0x10]  }
0x130: {  	v29 =	vbroadcast v21, $0x0;
	v21 =	vld [tilespmem:$0x1FFF0];
	v51 =	vnsel vm5, $0x43480000, v52;
	(erf) = vpow2.f32 v0  }
0x131: {  	vm12 =	vlt.f32 v35, v20;
	vm14 =	vlt.f32 v25, v20;
	v52 =	vnsel vm6, $0x43480000, v57;
	[tilespmem:s30+$0xFFFFFEF8] =	vst v51;
	v51 =	vld [tilespmem:s31+$0x50]  }
0x132: {  	v55 =	vnsel vm12, $0x43480000, v35;
	v25 =	vnsel vm14, $0x43480000, v25;
	v3 =	vadd.f32 v59, v27;
	[tilespmem:s30+$0xFFFFFF10] =	vst v52;
	v52 =	vld [tilespmem:s31+$0x60]  }
0x133: {  	[tilespmem:s30+$0xFFFFFF70] =	vst v26;
	v30 =	vadd.s32 v16, v29;
	v27 =	vadd.s32 v12, v29;
	v26 =	vadd.s32 v18, v29;
	v63 =	vld [tilespmem:s31+$0x40]  }
0x134: {  	[tilespmem:s30+$0xFFFFFFD0] =	vst v25;
	v18 =	vadd.s32 v11, v29;
	v40 =	vsub.f32 v40, v17;
	v25 =	vadd.s32 v15, v29  }
0x135: {  	[tilespmem:s30+$0xFFFFFEB0] =	vst v48;
	v48 =	vld [tilespmem:$0x1FEF0];
	v34 =	vadd.s32 v49, v29;
	v7 =	vnsel vm11, $0x43480000, v62;
	v4 =	vsub.f32 v45, v17  }
0x136: {  	[tilespmem:s30+$0xFFFFFE80] =	vst v47;
	v47 =	vld [tilespmem:s31+$0x20];
	v1 =	vsub.f32 v51, v17;
	(erf) = vpow2.f32 v22;
	v22 =	vmov s2  }
0x137: {  	v59 =	vld [tilespmem:$0x1FFA0];
	v6 =	vadd.f32 v23, v61;
	v39 =	vadd.s32 v21, v29;
	v41 =	vsub.f32 v52, v17  }
0x138: {  	v60 =	vld [tilespmem:$0x1FFB0];
	v62 =	vsub.f32 v63, v17;
	v4 =	vmul.f32 v4, v19;
	v1 =	vmul.f32 v1, v19  }
0x139: {  	[tilespmem:s30+$0xFFFFFEE0] =	vst v50;
	v58 =	vld [tilespmem:$0x1FF90];
	v41 =	vmul.f32 v41, v19;
	v24 =	vnsel vm1, $0x43480000, v36;
	v23 =	vmul.u32 $0x180, v22;
	v22 =	vpop (erf)  }
0x13a: {  	v13 =	vld [tilespmem:$0x1FFC0];
	[tilespmem:s30+$0xFFFFFE98] =	vst v24;
	v24 =	vnsel vm9, $0x43480000, v44;
	v44 =	vadd.f32 v46, v14;
	v50 =	vmul.f32 v22, v48  }
0x13b: {  	s28 =	sadd.s32 $0x20, s28;
	v36 =	vadd.f32 v31, v33;
	v31 =	vadd.s32 v8, v29;
	v45 =	vmul.f32 v62, v19;
	v14 =	vld [tilespmem:$0x1FFD0]  }
0x13c: {  	v4 =	vmul.f32 v4, v4;
	v46 =	vadd.f32 v3, v28;
	v0 =	vadd.f32 v44, v6;
	v6 =	vld [tilespmem:s31+$0x30];
	[tilespmem:s28+$0x0] =	vst v50  }
0x13d: {  	[tilespmem:s30+$0xFFFFFF28] =	vst v53;
	v35 =	vadd.s32 v60, v29;
	v28 =	vadd.s32 v10, v29;
	v3 =	vsub.f32 v47, v17;
	v53 =	vld [tilespmem:s31+$0x70]  }
0x13e: {  	[tilespmem:s30+$0xFFFFFF88] =	vst v7;
	v10 =	vmul.f32 v40, v19;
	v1 =	vmul.f32 v1, v1;
	v2 =	vadd.f32 v36, v38;
	v7 =	vld [tilespmem:s31+$0x80]  }
0x13f: {  	[tilespmem:s30+$0xFFFFFFA0] =	vst v55;
	v36 =	vadd.s32 v58, v29;
	v38 =	vadd.s32 v59, v29;
	v3 =	vmul.f32 v3, v19;
	v55 =	vld [tilespmem:s31+$0x90]  }
0x140: {  	[tilespmem:s30+$0xFFFFFF58] =	vst v24;
	v24 =	vadd.s32 v9, v29;
	vm13 =	vlt.f32 v4, v20;
	v37 =	vadd.s32 v13, v29;
	v56 =	vld [tilespmem:s31+$0xA0]  }
0x141: {  	v4 =	vnsel vm13, $0x43480000, v4;
	v2 =	vadd.f32 v2, v32;
	v3 =	vmul.f32 v3, v3;
	v61 =	vld [tilespmem:s31+$0xB0]  }
0x142: {  	[tilespmem:s30+$0xFFFFFF40] =	vst v54;
	vm5 =	vlt.f32 v1, v20;
	v0 =	vadd.f32 v0, v46;
	v6 =	vsub.f32 v6, v17;
	v54 =	vpop (erf);
	v63 =	vld [tilespmem:s31+$0xC0]  }
0x143: {  	[tilespmem:s30+$0xFFFFFFB8] =	vst v5;
	v1 =	vnsel vm5, $0x43480000, v1;
	vm14 =	vlt.f32 v3, v20;
	v5 =	vmul.f32 v54, v48;
	v9 =	vld [tilespmem:s31+$0xD0]  }
0x144: {  	[tilespmem:s30+$0xFFFFFFE8] =	vst v42;
	v46 =	vmul.f32 v10, v10;
	v0 =	vadd.f32 v0, v2;
	v6 =	vmul.f32 v6, v19;
	v11 =	vld [tilespmem:s31+$0xE0]  }
0x145: {  	v33 =	vadd.s32 v14, v29;
	v3 =	vnsel vm14, $0x43480000, v3;
	v10 =	vmul.f32 v41, v41;
	[tilespmem:s26+$0xFFFFFFF0] =	vst v5;
	v12 =	vld [tilespmem:s31+$0xF0]  }
0x146: {  	s0 =	sadd.s32 $0x1, s2;
	vm12 =	vlt.f32 v46, v20;
	v0 =	vsub.f32 $0.0e+00, v0;
	v6 =	vmul.f32 v6, v6;
	v40 =	vld [tilespmem:s31+$0xFFFFFF10]  }
0x147: {  	vm6 =	vlt.f32 v10, v20;
	v46 =	vnsel vm12, $0x43480000, v46;
	v22 =	vmov s0;
	v54 =	vld [tilespmem:s31+$0xFFFFFF20]  }
0x148: {  	s30 =	sadd.s32 $0x300, s30;
	v57 =	vmul.u32 $0x180, v22;
	v22 =	vmul.f32 $1.442695020e+00, v0;
	vm15 =	vlt.f32 v6, v20;
	v62 =	vld [tilespmem:s31+$0xFFFFFF60]  }
0x149: {  	v6 =	vnsel vm15, $0x43480000, v6;
	[tilespmem:s30+$0x0] =	vst v46;
	v44 =	vld [tilespmem:s31+$0xFFFFFF90];
	v2 =	vsub.f32 v53, v17;
	v7 =	vsub.f32 v7, v17  }
0x14a: {  	v32 =	vbroadcast v57, $0x0;
	[tilespmem:s30+$0x18] =	vst v4;
	v46 =	vld [tilespmem:s31+$0xFFFFFFB0];
	v43 =	vsub.f32 v55, v17;
	v42 =	vsub.f32 v56, v17  }
0x14b: {  	[tilespmem:s30+$0x30] =	vst v3;
	v4 =	vnsel vm6, $0x43480000, v10;
	v47 =	vld [tilespmem:s31+$0xFFFFFFC0];
	v5 =	vsub.f32 v61, v17;
	v0 =	vsub.f32 v63, v17  }
0x14c: {  	[tilespmem:s30+$0x48] =	vst v6;
	v48 =	vld [tilespmem:s31+$0xFFFFFFD0];
	v53 =	vsub.f32 v9, v17;
	v9 =	vmul.f32 v45, v45;
	v2 =	vmul.f32 v2, v19  }
0x14d: {  	[tilespmem:s30+$0x90] =	vst v4;
	v4 =	vld [tilespmem:s31+$0xFFFFFF00];
	v57 =	vsub.f32 v11, v17;
	v7 =	vmul.f32 v7, v19;
	v50 =	vmul.f32 v43, v19  }
0x14e: {  	v34 =	vld.idx.msk [tilespmem:v34+s17+$0x0], $0xffff;
	v8 =	vsub.f32 v12, v17;
	v51 =	vmul.f32 v42, v19;
	v5 =	vmul.f32 v5, v19  }
0x14f: {  	v35 =	vld.idx.msk [tilespmem:v35+s17+$0x0], $0xffff;
	v63 =	vadd.s32 v49, v32;
	v0 =	vmul.f32 v0, v19;
	v52 =	vmul.f32 v53, v19  }
0x150: {  	v36 =	vld.idx.msk [tilespmem:v36+s17+$0x0], $0xffff;
	v62 =	vsub.f32 v62, v17;
	v53 =	vmul.f32 v57, v19;
	v2 =	vmul.f32 v2, v2  }
0x151: {  	v37 =	vld.idx.msk [tilespmem:v37+s17+$0x0], $0xffff;
	v57 =	vmul.f32 v8, v19;
	vm4 =	vlt.f32 v9, v20;
	v12 =	vmul.f32 v7, v7  }
0x152: {  	[tilespmem:s30+$0x78] =	vst v1;
	v38 =	vld.idx.msk [tilespmem:v38+s17+$0x0], $0xffff;
	v11 =	vnsel vm4, $0x43480000, v9;
	v41 =	vmul.f32 v50, v50;
	vm7 =	vlt.f32 v2, v20  }
0x153: {  	v39 =	vld.idx.msk [tilespmem:v39+s17+$0x0], $0xffff;
	[tilespmem:s30+$0x60] =	vst v11;
	v51 =	vmul.f32 v51, v51;
	vm8 =	vlt.f32 v12, v20;
	v2 =	vnsel vm7, $0x43480000, v2  }
0x154: {  	v33 =	vld.idx.msk [tilespmem:v33+s17+$0x0], $0xffff;
	v5 =	vmul.f32 v5, v5;
	vm9 =	vlt.f32 v41, v20;
	v6 =	vnsel vm8, $0x43480000, v12;
	[tilespmem:s30+$0xA8] =	vst v2  }
0x155: {  	v55 =	vld [tilespmem:s31+$0xFFFFFF30];
	v0 =	vmul.f32 v0, v0;
	vm10 =	vlt.f32 v51, v20;
	v8 =	vnsel vm9, $0x43480000, v41;
	[tilespmem:s30+$0xC0] =	vst v6  }
0x156: {  	v56 =	vld [tilespmem:s31+$0xFFFFFF40];
	v9 =	vmul.f32 v52, v52;
	vm11 =	vlt.f32 v5, v20;
	v1 =	vnsel vm10, $0x43480000, v51;
	[tilespmem:s30+$0xD8] =	vst v8  }
0x157: {  	v61 =	vld [tilespmem:s31+$0xFFFFFF50];
	v10 =	vmul.f32 v53, v53;
	vm12 =	vlt.f32 v0, v20;
	v5 =	vnsel vm11, $0x43480000, v5;
	[tilespmem:s30+$0xF0] =	vst v1  }
0x158: {  	v45 =	vld [tilespmem:s31+$0xFFFFFFA0];
	v11 =	vmul.f32 v57, v57;
	vm13 =	vlt.f32 v9, v20;
	v0 =	vnsel vm12, $0x43480000, v0;
	[tilespmem:s30+$0x108] =	vst v5  }
0x159: {  	p1 =	slt.u32 s2, $0x1E;
	v49 =	vld [tilespmem:s31+$0xFFFFFFE0];
	vm14 =	vlt.f32 v10, v20;
	v3 =	vnsel vm13, $0x43480000, v9;
	v12 =	vadd.s32 v60, v32;
	[tilespmem:s30+$0x120] =	vst v0  }
.Ltmp0:
0x15a: {  	v42 =	vld [tilespmem:s31+$0xFFFFFF70];
	v52 =	vsub.f32 v4, v17;
	vm15 =	vlt.f32 v11, v20;
	v2 =	vnsel vm14, $0x43480000, v10;
	[tilespmem:s30+$0x138] =	vst v3;
	(pc) =	sbr.rel @p1 .LBB2_3-.Ltmp0, $4  }
0x15b: {  	v43 =	vld [tilespmem:s31+$0xFFFFFF80];
	v53 =	vadd.s32 v13, v32;
	v57 =	vsub.f32 v40, v17;
	v1 =	vnsel vm15, $0x43480000, v11;
	[tilespmem:s30+$0x150] =	vst v2  }
0x15c: {  	v50 =	vld [tilespmem:s31+$0xFFFFFFF0];
	v61 =	vsub.f32 v61, v17;
	v51 =	vadd.s32 v58, v32;
	v58 =	vsub.f32 v54, v17;
	[tilespmem:s30+$0x168] =	vst v1  }
0x15d: {  	v54 =	vadd.s32 v59, v32;
	v59 =	vsub.f32 v55, v17;
	v60 =	vsub.f32 v56, v17;
	v40 =	vld.idx.msk [tilespmem:v63+s17+$0x0], $0xffff  }
0x15e: {  	s2 =	sadd.s32 $0x2, s2;
	s26 =	smov.u32 s29;
	s29 =	smov.u32 s28;
	v55 =	vadd.s32 v21, v32;
	v21 =	vmov v23;
	v56 =	vadd.s32 v14, v32;
	v41 =	vld.idx.msk [tilespmem:v12+s17+$0x0], $0xffff  }
0x15f: {  	v2 =	vld [tilespmem:$0x1FF10]  }
0x160: {  	v14 =	vld [tilespmem:$0x1FF20]  }
0x161: {  	v16 =	vld [tilespmem:$0x1FF30]  }
0x162: {  	v0 =	vsub.f32 v42, v17;
	v3 =	vsub.f32 v44, v17;
	v10 =	vld [tilespmem:$0x1FF40]  }
0x163: {  	v4 =	vsub.f32 v45, v17;
	v6 =	vsub.f32 v46, v17;
	v44 =	vmul.f32 v52, v19;
	v63 =	vld [tilespmem:$0x1FF00]  }
0x164: {  	v7 =	vsub.f32 v47, v17;
	v46 =	vmul.f32 v57, v19;
	v47 =	vmul.f32 v58, v19;
	v51 =	vld.idx.msk [tilespmem:v51+s17+$0x0], $0xffff  }
0x165: {  	v45 =	vsub.f32 v49, v17;
	v49 =	vmul.f32 v59, v19;
	v52 =	vmul.f32 v60, v19;
	v12 =	vld [tilespmem:$0x1FF50]  }
0x166: {  	v57 =	vmul.f32 v61, v19;
	v58 =	vmul.f32 v62, v19;
	v53 =	vld.idx.msk [tilespmem:v53+s17+$0x0], $0xffff  }
0x167: {  	v9 =	vld [tilespmem:$0x1FF60];
	v0 =	vmul.f32 v0, v19;
	v3 =	vmul.f32 v3, v19  }
0x168: {  	v54 =	vld.idx.msk [tilespmem:v54+s17+$0x0], $0xffff;
	v4 =	vmul.f32 v4, v19;
	v6 =	vmul.f32 v6, v19  }
0x169: {  	v11 =	vld [tilespmem:$0x1FF80];
	v1 =	vsub.f32 v43, v17;
	v44 =	vmul.f32 v44, v44;
	v46 =	vmul.f32 v46, v46  }
0x16a: {  	v55 =	vld.idx.msk [tilespmem:v55+s17+$0x0], $0xffff;
	v47 =	vmul.f32 v47, v47;
	v0 =	vmul.f32 v0, v0  }
0x16b: {  	v8 =	vld [tilespmem:$0x1FFE0];
	v43 =	vsub.f32 v48, v17;
	v1 =	vmul.f32 v1, v19;
	v3 =	vmul.f32 v3, v3  }
0x16c: {  	v56 =	vld.idx.msk [tilespmem:v56+s17+$0x0], $0xffff;
	v4 =	vmul.f32 v4, v4;
	v2 =	vadd.s32 v2, v32;
	vm7 =	vlt.f32 v0, v20  }
0x16d: {  	v30 =	vld.idx.msk [tilespmem:v30+s17+$0x0], $0xffff;
	v1 =	vmul.f32 v1, v1;
	vm9 =	vlt.f32 v3, v20;
	v0 =	vnsel vm7, $0x43480000, v0  }
0x16e: {  	v5 =	vadd.s32 v14, v32;
	vm10 =	vlt.f32 v4, v20;
	v3 =	vnsel vm9, $0x43480000, v3;
	[tilespmem:s30+$0xFFFFFF28] =	vst v0;
	v0 =	vld.idx.msk [tilespmem:v31+s17+$0x0], $0xffff  }
0x16f: {  	v42 =	vadd.s32 v16, v32;
	vm8 =	vlt.f32 v1, v20;
	v4 =	vnsel vm10, $0x43480000, v4;
	[tilespmem:s30+$0xFFFFFF58] =	vst v3;
	v3 =	vld.idx.msk [tilespmem:v27+s17+$0x0], $0xffff  }
0x170: {  	v49 =	vmul.f32 v49, v49;
	v48 =	vadd.s32 v10, v32;
	v1 =	vnsel vm8, $0x43480000, v1;
	[tilespmem:s30+$0xFFFFFF70] =	vst v4;
	v4 =	vld.idx.msk [tilespmem:v26+s17+$0x0], $0xffff  }
0x171: {  	v52 =	vmul.f32 v52, v52;
	v59 =	vadd.s32 v63, v32;
	[tilespmem:s30+$0xFFFFFF40] =	vst v1;
	v1 =	vld.idx.msk [tilespmem:v28+s17+$0x0], $0xffff  }
0x172: {  	v58 =	vmul.f32 v58, v58;
	vm0 =	vlt.f32 v44, v20;
	v60 =	vadd.s32 v12, v32;
	v2 =	vld.idx.msk [tilespmem:v2+s17+$0x0], $0xffff  }
0x173: {  	vm14 =	vlt.f32 v46, v20;
	v61 =	vadd.s32 v9, v32;
	v44 =	vnsel vm0, $0x43480000, v44;
	v5 =	vld.idx.msk [tilespmem:v5+s17+$0x0], $0xffff  }
0x174: {  	vm15 =	vlt.f32 v47, v20;
	v62 =	vadd.s32 v11, v32;
	v46 =	vnsel vm14, $0x43480000, v46;
	[tilespmem:s30+$0xFFFFFE80] =	vst v44;
	v42 =	vld.idx.msk [tilespmem:v42+s17+$0x0], $0xffff  }
0x175: {  	vm6 =	vlt.f32 v58, v20;
	v32 =	vadd.s32 v8, v32;
	v47 =	vnsel vm15, $0x43480000, v47;
	[tilespmem:s30+$0xFFFFFE98] =	vst v46;
	v46 =	vld.idx.msk [tilespmem:v48+s17+$0x0], $0xffff  }
0x176: {  	v57 =	vmul.f32 v57, v57;
	vm1 =	vlt.f32 v49, v20;
	[tilespmem:s30+$0xFFFFFEB0] =	vst v47;
	v44 =	vnsel vm6, $0x43480000, v58;
	v47 =	vld.idx.msk [tilespmem:v59+s17+$0x0], $0xffff  }
0x177: {  	vm4 =	vlt.f32 v52, v20;
	[tilespmem:s30+$0xFFFFFF10] =	vst v44;
	v59 =	vnsel vm1, $0x43480000, v49;
	v48 =	vld.idx.msk [tilespmem:v60+s17+$0x0], $0xffff  }
0x178: {  	vm5 =	vlt.f32 v57, v20;
	v6 =	vmul.f32 v6, v6;
	v60 =	vnsel vm4, $0x43480000, v52;
	v49 =	vld.idx.msk [tilespmem:v61+s17+$0x0], $0xffff;
	[tilespmem:s30+$0xFFFFFEC8] =	vst v59  }
0x179: {  	v7 =	vmul.f32 v7, v19;
	v61 =	vnsel vm5, $0x43480000, v57;
	v52 =	vld.idx.msk [tilespmem:v62+s17+$0x0], $0xffff;
	[tilespmem:s30+$0xFFFFFEE0] =	vst v60  }
0x17a: {  	v43 =	vmul.f32 v43, v19;
	vm11 =	vlt.f32 v6, v20;
	v32 =	vld.idx.msk [tilespmem:v32+s17+$0x0], $0xffff;
	[tilespmem:s30+$0xFFFFFEF8] =	vst v61  }
0x17b: {  	v50 =	vsub.f32 v50, v17;
	v7 =	vmul.f32 v7, v7;
	v6 =	vnsel vm11, $0x43480000, v6;
	v60 =	vld [tilespmem:$0x1FF70]  }
0x17c: {  	v45 =	vmul.f32 v45, v19;
	v57 =	vmul.f32 v43, v43;
	[tilespmem:s30+$0xFFFFFF88] =	vst v6;
	v6 =	vld.idx.msk [tilespmem:v24+s17+$0x0], $0xffff  }
0x17d: {  	v50 =	vmul.f32 v50, v19;
	v29 =	vadd.s32 v8, v29;
	vm12 =	vlt.f32 v7, v20;
	v24 =	vld.idx.msk [tilespmem:v25+s17+$0x0], $0xffff  }
0x17e: {  	v58 =	vmul.f32 v45, v45;
	v7 =	vnsel vm12, $0x43480000, v7;
	vm13 =	vlt.f32 v57, v20;
	v15 =	vld [tilespmem:$0x1FFB0]  }
0x17f: {  	v59 =	vmul.f32 v50, v50;
	v44 =	vnsel vm13, $0x43480000, v57;
	[tilespmem:s30+$0xFFFFFFA0] =	vst v7;
	v7 =	vld.idx.msk [tilespmem:v18+s17+$0x0], $0xffff  }
0x180: {  	v21 =	vbroadcast v21, $0x0;
	vm14 =	vlt.f32 v58, v20;
	v18 =	vld [tilespmem:$0x1FF90];
	[tilespmem:s30+$0xFFFFFFB8] =	vst v44  }
0x181: {  	v23 =	vnsel vm14, $0x43480000, v58;
	vm15 =	vlt.f32 v59, v20;
	v13 =	vld [tilespmem:$0x1FFC0]  }
0x182: {  	v34 =	vadd.f32 v35, v34;
	v35 =	vadd.s32 v14, v21;
	v45 =	vnsel vm15, $0x43480000, v59;
	[tilespmem:s30+$0xFFFFFFD0] =	vst v23;
	v23 =	vld.idx.msk [tilespmem:v29+s17+$0x0], $0xffff  }
0x183: {  	v36 =	vadd.f32 v37, v36;
	v37 =	vadd.f32 v39, v38;
	v38 =	vadd.s32 v16, v21;
	v62 =	vld [tilespmem:$0x1FFA0];
	[tilespmem:s30+$0xFFFFFFE8] =	vst v45  }
0x184: {  	v39 =	vadd.f32 v41, v40;
	v41 =	vadd.s32 v10, v21;
	v57 =	vld [tilespmem:$0x1FFF0]  }
0x185: {  	v55 =	vadd.f32 v55, v54;
	v54 =	vadd.s32 v9, v21;
	v2 =	vadd.f32 v2, v56;
	v58 =	vld [tilespmem:$0x1FFD0]  }
0x186: {  	v40 =	vadd.f32 v53, v51;
	v26 =	vadd.s32 v60, v21;
	v59 =	vld [tilespmem:$0x1FF10]  }
0x187: {  	v35 =	vld.idx.msk [tilespmem:v35+s17+$0x0], $0xffff;
	v2 =	vadd.f32 v2, v55;
	v55 =	vadd.s32 v11, v21  }
0x188: {  	v39 =	vadd.f32 v40, v39;
	v38 =	vld.idx.msk [tilespmem:v38+s17+$0x0], $0xffff;
	v28 =	vadd.s32 v15, v21  }
0x189: {  	v41 =	vld.idx.msk [tilespmem:v41+s17+$0x0], $0xffff;
	v31 =	vadd.s32 v18, v21  }
0x18a: {  	v2 =	vadd.f32 v2, v39;
	v39 =	vld.idx.msk [tilespmem:v54+s17+$0x0], $0xffff;
	v50 =	vadd.s32 v57, v21  }
0x18b: {  	v26 =	vld.idx.msk [tilespmem:v26+s17+$0x0], $0xffff;
	v61 =	vadd.s32 v58, v21  }
0x18c: {  	v6 =	vadd.f32 v7, v6;
	v27 =	vadd.s32 v13, v21;
	v7 =	vadd.f32 v23, v24;
	v23 =	vld.idx.msk [tilespmem:v55+s17+$0x0], $0xffff  }
0x18d: {  	v29 =	vadd.s32 v62, v21;
	v28 =	vld.idx.msk [tilespmem:v28+s17+$0x0], $0xffff  }
0x18e: {  	v44 =	vadd.s32 v59, v21;
	v31 =	vld.idx.msk [tilespmem:v31+s17+$0x0], $0xffff  }
0x18f: {  	v25 =	vld.idx.msk [tilespmem:v50+s17+$0x0], $0xffff;
	v50 =	vadd.s32 v63, v21  }
0x190: {  	v5 =	vadd.f32 v42, v5;
	v56 =	vadd.f32 v47, v46;
	v43 =	vld.idx.msk [tilespmem:v61+s17+$0x0], $0xffff;
	v61 =	vadd.s32 v12, v21  }
0x191: {  	v53 =	vadd.f32 v49, v48;
	v32 =	vadd.f32 v32, v52;
	v27 =	vld.idx.msk [tilespmem:v27+s17+$0x0], $0xffff;
	v21 =	vadd.s32 v8, v21  }
0x192: {  	v0 =	vadd.f32 v0, v33;
	v29 =	vld.idx.msk [tilespmem:v29+s17+$0x0], $0xffff  }
0x193: {  	v5 =	vadd.f32 v56, v5;
	v32 =	vadd.f32 v32, v53;
	v44 =	vld.idx.msk [tilespmem:v44+s17+$0x0], $0xffff  }
0x194: {  	v3 =	vadd.f32 v4, v3;
	v1 =	vadd.f32 v1, v30;
	v56 =	vld.idx.msk [tilespmem:v50+s17+$0x0], $0xffff  }
0x195: {  	v34 =	vadd.f32 v36, v34;
	v5 =	vadd.f32 v32, v5;
	v61 =	vld.idx.msk [tilespmem:v61+s17+$0x0], $0xffff  }
0x196: {  	v0 =	vadd.f32 v0, v37;
	v1 =	vadd.f32 v3, v1;
	v40 =	vld.idx.msk [tilespmem:v21+s17+$0x0], $0xffff  }
0x197: {  	v2 =	vadd.f32 v5, v2;
	v42 =	vadd.f32 v7, v6  }
0x198: {  	v45 =	vadd.f32 v38, v35;
	v6 =	vadd.f32 v28, v26  }
0x199: {  	v7 =	vadd.f32 v27, v31;
	v21 =	vadd.f32 v25, v29  }
0x19a: {  	v44 =	vadd.f32 v44, v43;
	v46 =	vadd.f32 v56, v41  }
0x19b: {  	v4 =	vadd.f32 v39, v61;
	v5 =	vadd.f32 v40, v23  }
0x19c: {  	v6 =	vadd.f32 v7, v6;
	v7 =	vadd.f32 v44, v21  }
0x19d: {  	v21 =	vadd.f32 v46, v45;
	v4 =	vadd.f32 v5, v4  }
0x19e: {  	v0 =	vadd.f32 v0, v34;
	v1 =	vadd.f32 v42, v1  }
0x19f: {  	v47 =	vadd.f32 v7, v6;
	v4 =	vadd.f32 v4, v21  }
0x1a0: {  	v48 =	vsub.f32 $0.0e+00, v2;
	v0 =	vadd.f32 v1, v0  }
0x1a1: {  	v49 =	vadd.f32 v4, v47  }
0x1a2: {  	v1 =	vmul.f32 $1.442695020e+00, v48;
	v0 =	vsub.f32 $0.0e+00, v0  }
0x1a3: {  	v2 =	vsub.f32 $0.0e+00, v49  }
0x1a4: {  	(erf) = vpow2.f32 v1;
	v0 =	vmul.f32 $1.442695020e+00, v0  }
0x1a5: {  	(erf) = vpow2.f32 v22;
	v50 =	vmul.f32 $1.442695020e+00, v2  }
0x1a6: {  	(erf) = vpow2.f32 v0  }
0x1a7: {  	(erf) = vpow2.f32 v50;
	_ =	sdelay $0x2  }
0x1a8: {  	v53 =	vld [tilespmem:$0x1FEF0];
	_ =	sdelay $0x2  }
0x1a9: {  	v51 =	vpop (erf)  }
0x1aa: {  	v52 =	vpop (erf)  }
0x1ab: {  	v0 =	vmul.f32 v51, v53;
	v54 =	vpop (erf)  }
0x1ac: {  	s0 =	sadd.s32 $0x20, s28;
	p1 =	sne.s32 s24, $0x1F;
	v1 =	vmul.f32 v52, v53;
	v56 =	vpop (erf)  }
.Ltmp1:
0x1ad: {  	[tilespmem:s0+$0x0] =	vst v0;
	v55 =	vmul.f32 v54, v53;
	v61 =	vmul.f32 v56, v53;
	(pc) =	sbr.rel @p1 .LBB2_6-.Ltmp1, $4  }
0x1ae: {  	[tilespmem:s26+$0xFFFFFFF0] =	vst v1  }
0x1af: {  	s2 =	sshrl.u32 s25, $0x3;
	[tilespmem:s29+$0xFFFFFFF0] =	vst v55  }
0x1b0: {  	s25 =	sor.u32 $0x200, s25;
	s31 =	sadd.s32 s4, s2;
	v34 =	vmovc v13;
	v32 =	vmov v15;
	v15 =	vmov v16;
	v16 =	vmov v11;
	[tilespmem:s0+$0xFFFFFFF0] =	vst v61  }
0x1b1: {  	v13 =	vmovc v57;
	v57 =	vmovc v10;
	v10 =	vmov v53;
	[hbm4b:s31+s5] =	stream.linear.scatter [tilespmem:s18], [sflag:$0x3], $0x200, $0x38;
	v61 =	vmov v14;
	v14 =	vmov v9;
	[tilespmem:$0xA430] =	vst v63  }
.Ltmp2:
0x1b2: {  	(pc) =	sbr.rel .LBB2_7-.Ltmp2, $4  }
0x1b3: {  	_ = 	snop  }
0x1b4: {  	_ =	swait.ge [sflag:s19], $0x2000  }
0x1b5: {  	[sflag:s19] =	ssyncset.done $0x0  }
0x1b6: {  	[sflag:s19] =	ssyncadd.s32 $0xFFFFE000  }
.LBB2_6:
0x1b7: {  	s0 =	sshll.u32 s25, $0x1  }
.Ltmp3:
0x1b8: {  	s0 =	sadd.s32 s0, s9;
	(pc) =	sbr.rel @p0 .LBB2_8-.Ltmp3, $4  }
0x1b9: {  	[tilespmem:s5], [sflag:$0x1] =	stream.linear.gather [hbm4b:s0+s5], $0x2000, $0x38;
	[tilespmem:$0xA430] =	vst v63  }
0x1ba: {  	_ =	swait.ge [sflag:s19], $0x2000  }
0x1bb: {  	[sflag:s19] =	ssyncset.done $0x0  }
0x1bc: {  	[sflag:s19] =	ssyncadd.s32 $0xFFFFE000  }
.LBB2_7:
0x1bd: {  	_ =	swait.ge [sflag:s20], $0x200  }
0x1be: {  	[sflag:s20] =	ssyncset.done $0x0  }
0x1bf: {  	[sflag:s20] =	ssyncadd.s32 $0xFFFFFE00  }
.LBB2_8:
0x1c0: {  	s26 =	simm.s32 $0x21F0  }
0x1c1: {  	v0 =	vld [tilespmem:s26+$0xFFFFFF10]  }
0x1c2: {  	v1 =	vld [tilespmem:s26+$0xFFFFFF20]  }
0x1c3: {  	v2 =	vld [tilespmem:s26+$0xFFFFFF30]  }
0x1c4: {  	v3 =	vld [tilespmem:s26+$0xFFFFFF40]  }
0x1c5: {  	v4 =	vld [tilespmem:s26+$0xFFFFFF50]  }
0x1c6: {  	v5 =	vld [tilespmem:s26+$0xFFFFFF60]  }
0x1c7: {  	v6 =	vld [tilespmem:s26+$0xFFFFFF70]  }
0x1c8: {  	v7 =	vld [tilespmem:s26+$0xFFFFFF80]  }
0x1c9: {  	v22 =	vld [tilespmem:s26+$0xFFFFFF90]  }
0x1ca: {  	v23 =	vld [tilespmem:s26+$0xFFFFFFA0]  }
0x1cb: {  	v24 =	vld [tilespmem:s26+$0xFFFFFFB0]  }
0x1cc: {  	v25 =	vld [tilespmem:s26+$0xFFFFFFC0]  }
0x1cd: {  	v26 =	vld [tilespmem:s26+$0xFFFFFFD0]  }
0x1ce: {  	v27 =	vld [tilespmem:s26+$0xFFFFFFE0];
	v0 =	vsub.f32 v0, v17  }
0x1cf: {  	v28 =	vld [tilespmem:s26+$0xFFFFFFF0];
	v1 =	vsub.f32 v1, v17;
	v2 =	vsub.f32 v2, v17  }
0x1d0: {  	v29 =	vld [tilespmem:s26+$0x0];
	v3 =	vsub.f32 v3, v17;
	v4 =	vsub.f32 v4, v17  }
0x1d1: {  	s0 =	simm.s32 $0x1;
	v31 =	vld [tilespmem:s26+$0xFFFFFE20];
	v5 =	vsub.f32 v5, v17;
	v6 =	vsub.f32 v6, v17  }
0x1d2: {  	v21 =	vmov s0;
	v33 =	vld [tilespmem:s26+$0xFFFFFF00];
	v7 =	vsub.f32 v7, v17;
	v22 =	vsub.f32 v22, v17  }
0x1d3: {  	v21 =	vmul.u32 $0x180, v21;
	v23 =	vsub.f32 v23, v17;
	v24 =	vsub.f32 v24, v17  }
0x1d4: {  	v25 =	vsub.f32 v25, v17;
	v26 =	vsub.f32 v26, v17  }
0x1d5: {  	v21 =	vadd.s32 $0x3000, v21;
	v27 =	vsub.f32 v27, v17;
	v28 =	vsub.f32 v28, v17  }
0x1d6: {  	v21 =	vbroadcast v21, $0x0;
	v29 =	vsub.f32 v29, v17;
	v31 =	vsub.f32 v31, v17  }
0x1d7: {  	v33 =	vsub.f32 v33, v17;
	v0 =	vmul.f32 v0, v19;
	v1 =	vmul.f32 v1, v19  }
0x1d8: {  	v30 =	vadd.s32 v60, v21;
	v2 =	vmul.f32 v2, v19;
	v3 =	vmul.f32 v3, v19  }
0x1d9: {  	v35 =	vadd.s32 v13, v21;
	v4 =	vmul.f32 v4, v19;
	v5 =	vmul.f32 v5, v19  }
0x1da: {  	v36 =	vadd.s32 v58, v21;
	v6 =	vmul.f32 v6, v19;
	v7 =	vmul.f32 v7, v19  }
0x1db: {  	v37 =	vadd.s32 v59, v21;
	v22 =	vmul.f32 v22, v19;
	v23 =	vmul.f32 v23, v19  }
0x1dc: {  	v38 =	vadd.s32 v61, v21;
	v24 =	vmul.f32 v24, v19;
	v25 =	vmul.f32 v25, v19  }
0x1dd: {  	v40 =	vadd.s32 v15, v21;
	v26 =	vmul.f32 v26, v19;
	v27 =	vmul.f32 v27, v19  }
0x1de: {  	v41 =	vadd.s32 v57, v21;
	v28 =	vmul.f32 v28, v19;
	v29 =	vmul.f32 v29, v19  }
0x1df: {  	v42 =	vadd.s32 v63, v21;
	v31 =	vmul.f32 v31, v19;
	v0 =	vmul.f32 v0, v0  }
0x1e0: {  	v43 =	vadd.s32 v12, v21;
	v1 =	vmul.f32 v1, v1;
	v2 =	vmul.f32 v2, v2  }
0x1e1: {  	v44 =	vadd.s32 v14, v21;
	v3 =	vmul.f32 v3, v3;
	v4 =	vmul.f32 v4, v4  }
0x1e2: {  	v5 =	vmul.f32 v5, v5;
	v6 =	vmul.f32 v6, v6;
	vm0 =	vlt.f32 v0, v20  }
0x1e3: {  	s2 =	simm.s32 $0x7718;
	v7 =	vmul.f32 v7, v7;
	vm5 =	vlt.f32 v1, v20;
	v0 =	vnsel vm0, $0x43480000, v0  }
0x1e4: {  	v22 =	vmul.f32 v22, v22;
	vm6 =	vlt.f32 v2, v20;
	v1 =	vnsel vm5, $0x43480000, v1;
	[tilespmem:s2+$0xFFFFFE98] =	vst v0  }
0x1e5: {  	v23 =	vmul.f32 v23, v23;
	vm7 =	vlt.f32 v3, v20;
	v2 =	vnsel vm6, $0x43480000, v2;
	[tilespmem:s2+$0xFFFFFEB0] =	vst v1  }
0x1e6: {  	v54 =	vld [tilespmem:s26+$0xFFFFFE30];
	v24 =	vmul.f32 v24, v24;
	vm8 =	vlt.f32 v4, v20;
	v3 =	vnsel vm7, $0x43480000, v3;
	[tilespmem:s2+$0xFFFFFEC8] =	vst v2  }
0x1e7: {  	v55 =	vld [tilespmem:s26+$0xFFFFFE40];
	v25 =	vmul.f32 v25, v25;
	vm9 =	vlt.f32 v5, v20;
	v4 =	vnsel vm8, $0x43480000, v4;
	[tilespmem:s2+$0xFFFFFEE0] =	vst v3  }
0x1e8: {  	v56 =	vld [tilespmem:s26+$0xFFFFFE50];
	v26 =	vmul.f32 v26, v26;
	vm10 =	vlt.f32 v6, v20;
	v5 =	vnsel vm9, $0x43480000, v5;
	[tilespmem:s2+$0xFFFFFEF8] =	vst v4  }
0x1e9: {  	v45 =	vld [tilespmem:s26+$0xFFFFFE60];
	v27 =	vmul.f32 v27, v27;
	vm11 =	vlt.f32 v7, v20;
	v6 =	vnsel vm10, $0x43480000, v6;
	[tilespmem:s2+$0xFFFFFF10] =	vst v5  }
0x1ea: {  	v46 =	vld [tilespmem:s26+$0xFFFFFE70];
	v28 =	vmul.f32 v28, v28;
	vm12 =	vlt.f32 v22, v20;
	v7 =	vnsel vm11, $0x43480000, v7;
	[tilespmem:s2+$0xFFFFFF28] =	vst v6  }
0x1eb: {  	v47 =	vld [tilespmem:s26+$0xFFFFFE80];
	v29 =	vmul.f32 v29, v29;
	vm13 =	vlt.f32 v23, v20;
	v22 =	vnsel vm12, $0x43480000, v22;
	[tilespmem:s2+$0xFFFFFF40] =	vst v7  }
0x1ec: {  	v48 =	vld [tilespmem:s26+$0xFFFFFE90];
	v31 =	vmul.f32 v31, v31;
	vm14 =	vlt.f32 v24, v20;
	v23 =	vnsel vm13, $0x43480000, v23;
	[tilespmem:s2+$0xFFFFFF58] =	vst v22  }
0x1ed: {  	v49 =	vld [tilespmem:s26+$0xFFFFFEA0];
	vm15 =	vlt.f32 v25, v20;
	vm4 =	vlt.f32 v26, v20;
	v24 =	vnsel vm14, $0x43480000, v24;
	[tilespmem:s2+$0xFFFFFF70] =	vst v23  }
0x1ee: {  	v50 =	vld [tilespmem:s26+$0xFFFFFEF0];
	vm1 =	vlt.f32 v31, v20;
	v25 =	vnsel vm15, $0x43480000, v25;
	v26 =	vnsel vm4, $0x43480000, v26;
	[tilespmem:s2+$0xFFFFFF88] =	vst v24  }
0x1ef: {  	v51 =	vld [tilespmem:s26+$0xFFFFFE10];
	vm5 =	vlt.f32 v27, v20;
	vm6 =	vlt.f32 v28, v20;
	vm7 =	vlt.f32 v29, v20;
	[tilespmem:s2+$0xFFFFFFA0] =	vst v25  }
0x1f0: {  	v31 =	vnsel vm1, $0x43480000, v31;
	v22 =	vld [tilespmem:s26+$0xFFFFFEB0];
	v27 =	vnsel vm5, $0x43480000, v27;
	[tilespmem:s2+$0xFFFFFFB8] =	vst v26;
	v0 =	vsub.f32 v54, v17  }
0x1f1: {  	v9 =	vmovc v32;
	v23 =	vld [tilespmem:s26+$0xFFFFFEC0];
	v28 =	vnsel vm6, $0x43480000, v28;
	v1 =	vsub.f32 v55, v17;
	v2 =	vsub.f32 v56, v17;
	[tilespmem:s2+$0xFFFFFFD0] =	vst v27  }
0x1f2: {  	v11 =	vmovc v34;
	v24 =	vld [tilespmem:s26+$0xFFFFFED0];
	v29 =	vnsel vm7, $0x43480000, v29;
	v3 =	vsub.f32 v45, v17;
	v4 =	vsub.f32 v46, v17;
	[tilespmem:s2+$0xFFFFFFE8] =	vst v28  }
0x1f3: {  	v25 =	vld [tilespmem:s26+$0xFFFFFEE0];
	v26 =	vadd.s32 v32, v21;
	v5 =	vsub.f32 v47, v17;
	v6 =	vsub.f32 v48, v17;
	[tilespmem:s2+$0x0] =	vst v29  }
0x1f4: {  	v7 =	vsub.f32 v49, v17;
	v45 =	vadd.s32 v16, v21;
	v30 =	vld.idx.msk [tilespmem:v30+s17+$0x0], $0xffff;
	v0 =	vmul.f32 v0, v19  }
0x1f5: {  	v32 =	vsub.f32 v50, v17;
	v35 =	vld.idx.msk [tilespmem:v35+s17+$0x0], $0xffff;
	v1 =	vmul.f32 v1, v19;
	v2 =	vmul.f32 v2, v19  }
0x1f6: {  	v28 =	vadd.s32 v34, v21;
	v36 =	vld.idx.msk [tilespmem:v36+s17+$0x0], $0xffff;
	v3 =	vmul.f32 v3, v19;
	v4 =	vmul.f32 v4, v19  }
0x1f7: {  	v34 =	vsub.f32 v51, v17;
	v37 =	vld.idx.msk [tilespmem:v37+s17+$0x0], $0xffff;
	v5 =	vmul.f32 v5, v19;
	v6 =	vmul.f32 v6, v19  }
0x1f8: {  	v27 =	vadd.s32 v18, v21;
	v38 =	vld.idx.msk [tilespmem:v38+s17+$0x0], $0xffff;
	v7 =	vmul.f32 v7, v19;
	v32 =	vmul.f32 v32, v19  }
0x1f9: {  	s26 =	simm.s32 $0x0;
	v29 =	vadd.s32 v62, v21;
	v40 =	vld.idx.msk [tilespmem:v40+s17+$0x0], $0xffff;
	v34 =	vmul.f32 v34, v19;
	v0 =	vmul.f32 v0, v0  }
0x1fa: {  	v39 =	vmov s26;
	v41 =	vld.idx.msk [tilespmem:v41+s17+$0x0], $0xffff;
	v1 =	vmul.f32 v1, v1;
	v2 =	vmul.f32 v2, v2  }
0x1fb: {  	v21 =	vadd.s32 v8, v21;
	v42 =	vld.idx.msk [tilespmem:v42+s17+$0x0], $0xffff;
	v3 =	vmul.f32 v3, v3;
	v4 =	vmul.f32 v4, v4  }
0x1fc: {  	v43 =	vld.idx.msk [tilespmem:v43+s17+$0x0], $0xffff;
	v5 =	vmul.f32 v5, v5;
	v6 =	vmul.f32 v6, v6;
	v22 =	vsub.f32 v22, v17  }
0x1fd: {  	s26 =	simm.s32 $0x23F0;
	v44 =	vld.idx.msk [tilespmem:v44+s17+$0x0], $0xffff;
	v7 =	vmul.f32 v7, v7;
	v23 =	vsub.f32 v23, v17;
	v24 =	vsub.f32 v24, v17  }
0x1fe: {  	v48 =	vld [tilespmem:s26+$0xFFFFFF50];
	v25 =	vsub.f32 v25, v17;
	v52 =	vmul.f32 v34, v34;
	vm2 =	vlt.f32 v0, v20  }
0x1ff: {  	v49 =	vld [tilespmem:s26+$0xFFFFFF60];
	vm3 =	vlt.f32 v1, v20;
	vm4 =	vlt.f32 v2, v20;
	vm5 =	vlt.f32 v3, v20  }
0x200: {  	v50 =	vld [tilespmem:s26+$0xFFFFFF70];
	vm6 =	vlt.f32 v4, v20;
	vm7 =	vlt.f32 v5, v20;
	vm8 =	vlt.f32 v6, v20  }
0x201: {  	v26 =	vld.idx.msk [tilespmem:v26+s17+$0x0], $0xffff;
	vm9 =	vlt.f32 v7, v20;
	v22 =	vmul.f32 v22, v19;
	v23 =	vmul.f32 v23, v19  }
0x202: {  	v45 =	vld.idx.msk [tilespmem:v45+s17+$0x0], $0xffff;
	v24 =	vmul.f32 v24, v19;
	v25 =	vmul.f32 v25, v19;
	v53 =	vadd.f32 v40, v38  }
0x203: {  	v27 =	vld.idx.msk [tilespmem:v27+s17+$0x0], $0xffff;
	v54 =	vadd.f32 v42, v41;
	v55 =	vadd.f32 v44, v43;
	vm0 =	vlt.f32 v52, v20  }
0x204: {  	v28 =	vld.idx.msk [tilespmem:v28+s17+$0x0], $0xffff;
	v0 =	vnsel vm2, $0x43480000, v0;
	v1 =	vnsel vm3, $0x43480000, v1;
	v2 =	vnsel vm4, $0x43480000, v2  }
0x205: {  	v29 =	vld.idx.msk [tilespmem:v29+s17+$0x0], $0xffff;
	v3 =	vnsel vm5, $0x43480000, v3;
	v4 =	vnsel vm6, $0x43480000, v4;
	v5 =	vnsel vm7, $0x43480000, v5  }
0x206: {  	v21 =	vld.idx.msk [tilespmem:v21+s17+$0x0], $0xffff;
	v6 =	vnsel vm8, $0x43480000, v6;
	v7 =	vnsel vm9, $0x43480000, v7;
	v48 =	vsub.f32 v48, v17  }
0x207: {  	v56 =	vld [tilespmem:s26+$0xFFFFFF40];
	v49 =	vsub.f32 v49, v17;
	v50 =	vsub.f32 v50, v17;
	v22 =	vmul.f32 v22, v22  }
0x208: {  	v38 =	vnsel vm0, $0x43480000, v52;
	v23 =	vmul.f32 v23, v23;
	v24 =	vmul.f32 v24, v24  }
0x209: {  	v40 =	vld [tilespmem:s26+$0xFFFFFF20];
	v25 =	vmul.f32 v25, v25;
	v26 =	vadd.f32 v26, v30;
	v30 =	vadd.f32 v37, v36  }
0x20a: {  	v27 =	vadd.f32 v28, v27;
	v28 =	vmul.f32 v33, v19;
	v29 =	vadd.f32 v35, v29  }
0x20b: {  	v52 =	vld [tilespmem:s26+$0xFFFFFF90];
	v21 =	vadd.f32 v21, v45;
	vm10 =	vlt.f32 v22, v20;
	vm11 =	vlt.f32 v23, v20  }
0x20c: {  	[tilespmem:s2+$0xFFFFFD48] =	vst v0;
	v0 =	vld [tilespmem:s26+$0xFFFFFFC0];
	vm12 =	vlt.f32 v24, v20;
	vm13 =	vlt.f32 v25, v20;
	v45 =	vsub.f32 v56, v17  }
0x20d: {  	[tilespmem:s2+$0xFFFFFD18] =	vst v38;
	v38 =	vld [tilespmem:s26+$0xFFFFFFA0];
	v56 =	vmul.f32 v49, v19;
	v49 =	vmul.f32 v50, v19;
	v41 =	vnsel vm10, $0x43480000, v22  }
0x20e: {  	v42 =	vnsel vm11, $0x43480000, v23;
	v43 =	vnsel vm12, $0x43480000, v24;
	v40 =	vsub.f32 v40, v17  }
0x20f: {  	v44 =	vnsel vm13, $0x43480000, v25;
	v26 =	vadd.f32 v27, v26;
	v27 =	vadd.f32 v30, v29  }
0x210: {  	v29 =	vadd.f32 v54, v53;
	v21 =	vadd.f32 v21, v55;
	v30 =	vmul.u32 $0x180, v39  }
0x211: {  	[tilespmem:s2+$0xFFFFFD90] =	vst v3;
	v3 =	vsub.f32 v52, v17;
	v0 =	vsub.f32 v0, v17;
	v56 =	vmul.f32 v56, v56  }
0x212: {  	[tilespmem:s2+$0xFFFFFDA8] =	vst v4;
	v39 =	vld [tilespmem:s26+$0xFFFFFF10];
	v40 =	vmul.f32 v40, v19;
	v4 =	vsub.f32 v38, v17;
	v38 =	vmul.f32 v45, v19  }
0x213: {  	v53 =	vld [tilespmem:s26+$0xFFFFFFB0];
	v45 =	vmul.f32 v48, v19;
	v26 =	vadd.f32 v27, v26;
	v27 =	vmul.f32 v28, v28  }
0x214: {  	v54 =	vld [tilespmem:s26+$0xFFFFFFD0];
	v21 =	vadd.f32 v21, v29;
	v3 =	vmul.f32 v3, v19;
	v0 =	vmul.f32 v0, v19  }
0x215: {  	vm13 =	vlt.f32 v56, v20;
	v4 =	vmul.f32 v4, v19;
	v40 =	vmul.f32 v40, v40  }
0x216: {  	v38 =	vmul.f32 v38, v38;
	v45 =	vmul.f32 v45, v45;
	v21 =	vadd.f32 v21, v26  }
0x217: {  	v26 =	vmul.f32 v32, v32;
	vm15 =	vlt.f32 v27, v20;
	v3 =	vmul.f32 v3, v3  }
0x218: {  	v48 =	vld [tilespmem:s26+$0xFFFFFE80];
	v0 =	vmul.f32 v0, v0;
	v47 =	vnsel vm15, $0x43480000, v27;
	v39 =	vsub.f32 v39, v17  }
0x219: {  	v51 =	vld [tilespmem:s26+$0xFFFFFF80];
	v55 =	vsub.f32 v53, v17;
	v53 =	vsub.f32 v54, v17;
	vm9 =	vlt.f32 v40, v20  }
0x21a: {  	vm11 =	vlt.f32 v38, v20;
	vm12 =	vlt.f32 v45, v20;
	v4 =	vmul.f32 v4, v4  }
0x21b: {  	v21 =	vsub.f32 $0.0e+00, v21;
	vm14 =	vlt.f32 v26, v20;
	v40 =	vnsel vm9, $0x43480000, v40  }
0x21c: {  	[tilespmem:s2+$0xFFFFFD30] =	vst v31;
	v38 =	vnsel vm11, $0x43480000, v38;
	v45 =	vnsel vm12, $0x43480000, v45;
	vm4 =	vlt.f32 v3, v20  }
0x21d: {  	[tilespmem:s2+$0xFFFFFD78] =	vst v2;
	vm7 =	vlt.f32 v0, v20;
	v48 =	vsub.f32 v48, v17;
	v46 =	vnsel vm14, $0x43480000, v26  }
0x21e: {  	[tilespmem:s2+$0xFFFFFDC0] =	vst v5;
	v2 =	vmul.f32 v39, v19;
	v39 =	vsub.f32 v51, v17;
	v5 =	vmul.f32 v55, v19  }
0x21f: {  	[tilespmem:s2+$0xFFFFFDF0] =	vst v7;
	v7 =	vmul.f32 v53, v19;
	v3 =	vnsel vm4, $0x43480000, v3;
	v21 =	vmul.f32 $1.442695020e+00, v21  }
0x220: {  	[tilespmem:s2+$0xFFFFFD60] =	vst v1;
	v51 =	vld [tilespmem:s26+$0xFFFFFFF0];
	vm5 =	vlt.f32 v4, v20;
	v0 =	vnsel vm7, $0x43480000, v0;
	v48 =	vmul.f32 v48, v19  }
0x221: {  	s0 =	simm.s32 $0x2;
	[tilespmem:s2+$0xFFFFFDD8] =	vst v6;
	v6 =	vmul.f32 v39, v19;
	(erf) = vpow2.f32 v21;
	v21 =	vadd.s32 $0x3000, v30;
	v30 =	vld [tilespmem:s26+$0xFFFFFF30]  }
0x222: {  	[tilespmem:s2+$0xFFFFFE08] =	vst v41;
	v2 =	vmul.f32 v2, v2;
	v29 =	vbroadcast v21, $0x0;
	v21 =	vmov s0;
	s0 =	simm.s32 $0x3  }
0x223: {  	[tilespmem:s2+$0xFFFFFE20] =	vst v42;
	v4 =	vnsel vm5, $0x43480000, v4;
	v48 =	vmul.f32 v48, v48;
	v27 =	vmov s0  }
0x224: {  	[tilespmem:s2+$0xFFFFFE38] =	vst v43;
	vm8 =	vlt.f32 v2, v20;
	v6 =	vmul.f32 v6, v6;
	v31 =	vmul.u32 $0x180, v27  }
0x225: {  	[tilespmem:s2+$0xFFFFFE50] =	vst v44;
	v22 =	vmul.u32 $0x180, v21;
	v54 =	vsub.f32 v51, v17;
	v2 =	vnsel vm8, $0x43480000, v2  }
0x226: {  	v41 =	vld [tilespmem:s26+$0xFFFFFE20];
	[tilespmem:s2+$0xFFFFFE80] =	vst v47;
	vm7 =	vlt.f32 v48, v20;
	v30 =	vsub.f32 v30, v17;
	v1 =	vadd.s32 $0x3000, v31  }
0x227: {  	[tilespmem:s2+$0xFFFFFE68] =	vst v46;
	s2 =	simm.s32 $0x7A18;
	v37 =	vadd.s32 v60, v29;
	v36 =	vadd.s32 v9, v29;
	v31 =	vbroadcast v1, $0x0;
	v1 =	vld [tilespmem:s26+$0xFFFFFFE0]  }
0x228: {  	v35 =	vadd.s32 v18, v29;
	v34 =	vadd.s32 v11, v29;
	v52 =	vmul.f32 v30, v19;
	v30 =	vld [tilespmem:s26+$0x0];
	[tilespmem:s2+$0xFFFFFE98] =	vst v2  }
0x229: {  	v53 =	vld [tilespmem:s26+$0xFFFFFE10];
	v33 =	vadd.s32 v62, v29;
	v32 =	vadd.s32 v13, v29;
	v28 =	vadd.s32 v58, v29;
	[tilespmem:s2+$0xFFFFFEB0] =	vst v40  }
0x22a: {  	vm15 =	vlt.f32 v6, v20;
	v39 =	vmul.f32 v54, v19;
	v54 =	vmul.f32 v49, v49;
	v49 =	vld [tilespmem:s26+$0xFFFFFE90];
	[tilespmem:s2+$0xFFFFFEE0] =	vst v38  }
0x22b: {  	v26 =	vadd.s32 v59, v29;
	v25 =	vadd.s32 v61, v29;
	v6 =	vnsel vm15, $0x43480000, v6;
	v38 =	vld [tilespmem:s26+$0xFFFFFEB0];
	[tilespmem:s2+$0xFFFFFEF8] =	vst v45  }
0x22c: {  	v23 =	vadd.s32 v15, v29;
	v24 =	vadd.s32 v57, v29;
	vm14 =	vlt.f32 v54, v20;
	v45 =	vld [tilespmem:s26+$0xFFFFFEC0];
	[tilespmem:s2+$0xFFFFFF40] =	vst v6  }
0x22d: {  	v27 =	vadd.s32 v63, v29;
	v40 =	vnsel vm14, $0x43480000, v54;
	[tilespmem:s2+$0xFFFFFF58] =	vst v3;
	v54 =	vmul.f32 v39, v39;
	v39 =	vld [tilespmem:s26+$0xFFFFFEF0]  }
0x22e: {  	v2 =	vnsel vm13, $0x43480000, v56;
	v56 =	vmul.f32 v7, v7;
	[tilespmem:s2+$0xFFFFFFA0] =	vst v0;
	v7 =	vsub.f32 v53, v17;
	v3 =	vld.idx.msk [tilespmem:v37+s17+$0x0], $0xffff  }
0x22f: {  	v50 =	vadd.s32 v60, v31;
	v36 =	vld.idx.msk [tilespmem:v36+s17+$0x0], $0xffff;
	v37 =	vsub.f32 v41, v17;
	v41 =	vadd.s32 v62, v31  }
0x230: {  	v35 =	vld.idx.msk [tilespmem:v35+s17+$0x0], $0xffff;
	v53 =	vadd.s32 v59, v31;
	v21 =	vpop (erf);
	v51 =	vmul.f32 v52, v52;
	vm8 =	vlt.f32 v56, v20  }
0x231: {  	v0 =	vld.idx.msk [tilespmem:v34+s17+$0x0], $0xffff;
	v49 =	vsub.f32 v49, v17;
	v7 =	vmul.f32 v7, v19;
	v21 =	vmul.f32 v21, v10  }
0x232: {  	[tilespmem:s2+$0xFFFFFF28] =	vst v40;
	v28 =	vld.idx.msk [tilespmem:v28+s17+$0x0], $0xffff;
	v6 =	vnsel vm8, $0x43480000, v56;
	v56 =	vadd.s32 v18, v31;
	v37 =	vmul.f32 v37, v19  }
0x233: {  	v40 =	vld [tilespmem:s26+$0xFFFFFEE0];
	v1 =	vsub.f32 v1, v17;
	vm10 =	vlt.f32 v51, v20;
	[tilespmem:s2+$0xFFFFFFB8] =	vst v6;
	v6 =	vadd.s32 v9, v31  }
0x234: {  	v26 =	vld.idx.msk [tilespmem:v26+s17+$0x0], $0xffff;
	v49 =	vmul.f32 v49, v19;
	v7 =	vmul.f32 v7, v7;
	v55 =	vsub.f32 v30, v17  }
0x235: {  	v25 =	vld.idx.msk [tilespmem:v25+s17+$0x0], $0xffff;
	v30 =	vadd.s32 v12, v29;
	v51 =	vnsel vm10, $0x43480000, v51;
	v38 =	vsub.f32 v38, v17  }
0x236: {  	v23 =	vld.idx.msk [tilespmem:v23+s17+$0x0], $0xffff;
	vm10 =	vlt.f32 v54, v20;
	v45 =	vsub.f32 v45, v17;
	v39 =	vsub.f32 v39, v17  }
0x237: {  	v43 =	vld [tilespmem:s26+$0xFFFFFE30];
	[tilespmem:s2+$0xFFFFFF70] =	vst v4;
	v37 =	vmul.f32 v37, v37;
	v1 =	vmul.f32 v1, v19;
	v4 =	vnsel vm10, $0x43480000, v54  }
0x238: {  	v54 =	vadd.s32 v61, v31;
	v40 =	vsub.f32 v40, v17;
	v3 =	vadd.f32 v36, v3  }
0x239: {  	v44 =	vld [tilespmem:s26+$0xFFFFFE40];
	v36 =	vadd.s32 v57, v31;
	v0 =	vadd.f32 v0, v35;
	v35 =	vadd.s32 v63, v31  }
0x23a: {  	v47 =	vld [tilespmem:s26+$0xFFFFFE60];
	vm0 =	vlt.f32 v7, v20;
	v49 =	vmul.f32 v49, v49;
	v26 =	vadd.f32 v26, v28  }
0x23b: {  	v46 =	vld [tilespmem:s26+$0xFFFFFE50];
	v23 =	vadd.f32 v23, v25;
	v42 =	vmul.f32 v55, v19;
	v55 =	vmul.f32 v5, v5  }
0x23c: {  	v52 =	vld [tilespmem:s26+$0xFFFFFE70];
	[tilespmem:s2+$0xFFFFFFE8] =	vst v4;
	v4 =	vsub.f32 v43, v17;
	v38 =	vmul.f32 v38, v19;
	v45 =	vmul.f32 v45, v19  }
0x23d: {  	[tilespmem:s2+$0xFFFFFEC8] =	vst v51;
	v51 =	vld [tilespmem:s26+$0xFFFFFEA0];
	v39 =	vmul.f32 v39, v19;
	v1 =	vmul.f32 v1, v1;
	vm6 =	vlt.f32 v55, v20  }
0x23e: {  	[tilespmem:s2+$0xFFFFFF10] =	vst v2;
	v5 =	vld [tilespmem:s26+$0xFFFFFED0];
	v7 =	vnsel vm0, $0x43480000, v7;
	v2 =	vnsel vm6, $0x43480000, v55;
	v55 =	vmul.f32 v42, v42  }
0x23f: {  	v43 =	vld [tilespmem:s26+$0xFFFFFF00];
	vm1 =	vlt.f32 v37, v20;
	v0 =	vadd.f32 v0, v3;
	[tilespmem:s2+$0xFFFFFD18] =	vst v7;
	vm9 =	vlt.f32 v1, v20  }
0x240: {  	s31 =	simm.s32 $0x25F0;
	v33 =	vld.idx.msk [tilespmem:v33+s17+$0x0], $0xffff;
	v3 =	vadd.s32 v14, v31;
	[tilespmem:s2+$0xFFFFFF88] =	vst v2;
	v1 =	vnsel vm9, $0x43480000, v1;
	vm11 =	vlt.f32 v55, v20  }
0x241: {  	v40 =	vmul.f32 v40, v19;
	v7 =	vld [tilespmem:s31+$0xFFFFFF80];
	v4 =	vmul.f32 v4, v19;
	[tilespmem:s2+$0xFFFFFFD0] =	vst v1;
	v2 =	vnsel vm11, $0x43480000, v55  }
0x242: {  	v22 =	vadd.s32 $0x3000, v22;
	v42 =	vsub.f32 v44, v17;
	v44 =	vadd.s32 v13, v31;
	v1 =	vld.idx.msk [tilespmem:v32+s17+$0x0], $0xffff;
	[tilespmem:s2+$0x0] =	vst v2  }
0x243: {  	vm8 =	vlt.f32 v49, v20;
	v2 =	vsub.f32 v46, v17;
	v46 =	vsub.f32 v47, v17;
	v47 =	vld.idx.msk [tilespmem:v50+s17+$0x0], $0xffff  }
0x244: {  	v51 =	vsub.f32 v51, v17;
	v4 =	vmul.f32 v4, v4;
	v32 =	vadd.s32 v11, v31;
	v6 =	vld.idx.msk [tilespmem:v6+s17+$0x0], $0xffff  }
0x245: {  	v5 =	vsub.f32 v5, v17;
	v42 =	vmul.f32 v42, v19;
	v43 =	vsub.f32 v43, v17;
	v34 =	vld.idx.msk [tilespmem:v56+s17+$0x0], $0xffff  }
0x246: {  	v55 =	vadd.s32 v15, v31;
	v51 =	vmul.f32 v51, v19;
	vm2 =	vlt.f32 v4, v20;
	v41 =	vld.idx.msk [tilespmem:v41+s17+$0x0], $0xffff  }
0x247: {  	v7 =	vsub.f32 v7, v17;
	v5 =	vmul.f32 v5, v19;
	v43 =	vmul.f32 v43, v19;
	v44 =	vld.idx.msk [tilespmem:v44+s17+$0x0], $0xffff  }
0x248: {  	v42 =	vmul.f32 v42, v42;
	v4 =	vnsel vm2, $0x43480000, v4;
	v50 =	vsub.f32 v52, v17;
	v54 =	vld.idx.msk [tilespmem:v54+s17+$0x0], $0xffff  }
0x249: {  	v52 =	vadd.s32 v58, v31;
	v36 =	vld.idx.msk [tilespmem:v36+s17+$0x0], $0xffff;
	v51 =	vmul.f32 v51, v51;
	v7 =	vmul.f32 v7, v19  }
0x24a: {  	v56 =	vadd.s32 v16, v31;
	v35 =	vld.idx.msk [tilespmem:v35+s17+$0x0], $0xffff;
	v2 =	vmul.f32 v2, v19;
	v46 =	vmul.f32 v46, v19  }
0x24b: {  	v3 =	vld.idx.msk [tilespmem:v3+s17+$0x0], $0xffff;
	v5 =	vmul.f32 v5, v5;
	vm3 =	vlt.f32 v42, v20;
	v1 =	vadd.f32 v1, v33  }
0x24c: {  	v33 =	vld.idx.msk [tilespmem:v53+s17+$0x0], $0xffff;
	v53 =	vadd.s32 v12, v31;
	v50 =	vmul.f32 v50, v19;
	v31 =	vadd.s32 v8, v31  }
0x24d: {  	[tilespmem:s2+$0xFFFFFD48] =	vst v4;
	v4 =	vld [tilespmem:s31+$0xFFFFFFA0];
	vm9 =	vlt.f32 v51, v20;
	v2 =	vmul.f32 v2, v2;
	v46 =	vmul.f32 v46, v46  }
0x24e: {  	v32 =	vld.idx.msk [tilespmem:v32+s17+$0x0], $0xffff;
	vm12 =	vlt.f32 v5, v20;
	v50 =	vmul.f32 v50, v50;
	v1 =	vadd.f32 v26, v1  }
0x24f: {  	v55 =	vld.idx.msk [tilespmem:v55+s17+$0x0], $0xffff;
	v5 =	vnsel vm12, $0x43480000, v5;
	v6 =	vadd.f32 v6, v47;
	v41 =	vadd.f32 v44, v41  }
0x250: {  	v52 =	vld.idx.msk [tilespmem:v52+s17+$0x0], $0xffff;
	v44 =	vadd.s32 v16, v29;
	v35 =	vadd.f32 v35, v36;
	v36 =	vmul.f32 v38, v38  }
0x251: {  	v47 =	vld.idx.msk [tilespmem:v56+s17+$0x0], $0xffff;
	v38 =	vmul.f32 v45, v45;
	vm4 =	vlt.f32 v2, v20;
	vm5 =	vlt.f32 v46, v20  }
0x252: {  	v45 =	vnsel vm9, $0x43480000, v51;
	v51 =	vld [tilespmem:s31+$0xFFFFFF40];
	v4 =	vsub.f32 v4, v17;
	vm6 =	vlt.f32 v50, v20  }
0x253: {  	v2 =	vnsel vm4, $0x43480000, v2;
	v0 =	vadd.f32 v1, v0;
	v1 =	vld [tilespmem:s31+$0xFFFFFF30];
	v32 =	vadd.f32 v32, v34  }
0x254: {  	v53 =	vld.idx.msk [tilespmem:v53+s17+$0x0], $0xffff;
	v34 =	vadd.s32 v14, v29;
	v29 =	vadd.s32 v8, v29;
	vm10 =	vlt.f32 v36, v20  }
0x255: {  	v31 =	vld.idx.msk [tilespmem:v31+s17+$0x0], $0xffff;
	vm11 =	vlt.f32 v38, v20;
	v4 =	vmul.f32 v4, v19;
	v56 =	vadd.f32 v55, v54  }
0x256: {  	v54 =	vmul.f32 v43, v43;
	v43 =	vnsel vm7, $0x43480000, v48;
	v6 =	vadd.f32 v32, v6  }
0x257: {  	[tilespmem:s2+$0xFFFFFD78] =	vst v2;
	v2 =	vld [tilespmem:s31+$0xFFFFFFC0];
	v4 =	vmul.f32 v4, v4;
	v33 =	vadd.f32 v33, v52;
	v52 =	vadd.f32 v35, v56  }
0x258: {  	vm15 =	vlt.f32 v54, v20;
	v56 =	vld.idx.msk [tilespmem:v44+s17+$0x0], $0xffff;
	v44 =	vnsel vm8, $0x43480000, v49;
	v51 =	vsub.f32 v51, v17  }
0x259: {  	v1 =	vsub.f32 v1, v17;
	vm9 =	vlt.f32 v4, v20;
	v3 =	vadd.f32 v3, v53  }
0x25a: {  	v55 =	vld.idx.msk [tilespmem:v24+s17+$0x0], $0xffff;
	v31 =	vadd.f32 v31, v47;
	v47 =	vadd.f32 v33, v41;
	v53 =	vmul.f32 v39, v39  }
0x25b: {  	v24 =	vld.idx.msk [tilespmem:v27+s17+$0x0], $0xffff;
	v41 =	vnsel vm3, $0x43480000, v42;
	v42 =	vnsel vm5, $0x43480000, v46;
	v46 =	vnsel vm10, $0x43480000, v36  }
0x25c: {  	v29 =	vld.idx.msk [tilespmem:v29+s17+$0x0], $0xffff;
	v51 =	vmul.f32 v51, v19;
	v2 =	vsub.f32 v2, v17;
	v4 =	vnsel vm9, $0x43480000, v4  }
0x25d: {  	v27 =	vld.idx.msk [tilespmem:v30+s17+$0x0], $0xffff;
	v1 =	vmul.f32 v1, v19;
	v3 =	vadd.f32 v31, v3;
	v31 =	vmul.f32 v40, v40  }
0x25e: {  	v30 =	vld.idx.msk [tilespmem:v34+s17+$0x0], $0xffff;
	v6 =	vadd.f32 v47, v6;
	vm14 =	vlt.f32 v53, v20;
	v40 =	vnsel vm1, $0x43480000, v37  }
0x25f: {  	v47 =	vnsel vm11, $0x43480000, v38;
	v2 =	vmul.f32 v2, v19;
	v49 =	vnsel vm14, $0x43480000, v53  }
0x260: {  	v1 =	vmul.f32 v1, v1;
	v3 =	vadd.f32 v3, v52;
	vm13 =	vlt.f32 v31, v20  }
0x261: {  	s26 =	simm.s32 $0x4;
	v2 =	vmul.f32 v2, v2;
	v48 =	vnsel vm13, $0x43480000, v31;
	v25 =	vadd.f32 v29, v56  }
0x262: {  	v29 =	vbroadcast v22, $0x0;
	v22 =	vmov s26;
	v3 =	vadd.f32 v3, v6  }
0x263: {  	s0 =	simm.s32 $0x5;
	[tilespmem:s2+$0xFFFFFE38] =	vst v5;
	s26 =	simm.s32 $0x4210;
	vm14 =	vlt.f32 v1, v20;
	v6 =	vadd.f32 v24, v55;
	v24 =	vadd.f32 v30, v27  }
0x264: {  	v22 =	vmul.u32 $0x180, v22;
	[tilespmem:s26+$0x0] =	vst v21;
	v21 =	vmov s0;
	v3 =	vsub.f32 $0.0e+00, v3  }
0x265: {  	v5 =	vld [tilespmem:s31+$0xFFFFFE40];
	[tilespmem:s2+$0xFFFFFDF0] =	vst v45;
	v1 =	vnsel vm14, $0x43480000, v1;
	vm11 =	vlt.f32 v2, v20;
	v34 =	vadd.s32 v60, v29  }
0x266: {  	v32 =	vld [tilespmem:s31+$0xFFFFFF20];
	[tilespmem:s2+$0xFFFFFDC0] =	vst v43;
	v6 =	vadd.f32 v6, v23;
	v23 =	vadd.f32 v25, v24;
	v3 =	vmul.f32 $1.442695020e+00, v3  }
0x267: {  	[tilespmem:s2+$0xFFFFFDD8] =	vst v44;
	v53 =	vld [tilespmem:s31+$0xFFFFFF50];
	v35 =	vadd.s32 v9, v29;
	v36 =	vadd.s32 v18, v29;
	v37 =	vadd.s32 v11, v29  }
0x268: {  	[tilespmem:s2+$0xFFFFFD60] =	vst v41;
	v27 =	vld [tilespmem:s31+$0xFFFFFF10];
	v38 =	vadd.s32 v62, v29;
	v6 =	vadd.f32 v23, v6;
	(erf) = vpow2.f32 v3  }
0x269: {  	[tilespmem:s2+$0xFFFFFD30] =	vst v40;
	v40 =	vld [tilespmem:s31+$0xFFFFFF90];
	v39 =	vadd.s32 v13, v29;
	v33 =	vadd.s32 v58, v29;
	v31 =	vadd.s32 v59, v29  }
0x26a: {  	v43 =	vld [tilespmem:s31+$0xFFFFFE90];
	[tilespmem:s2+$0xFFFFFD90] =	vst v42;
	v30 =	vadd.s32 v61, v29;
	v28 =	vadd.s32 v15, v29;
	v0 =	vadd.f32 v6, v0  }
0x26b: {  	[tilespmem:s2+$0xFFFFFE08] =	vst v46;
	v26 =	vadd.s32 v12, v29;
	v3 =	vnsel vm6, $0x43480000, v50;
	v50 =	vnsel vm15, $0x43480000, v54;
	v54 =	vld [tilespmem:s31+$0xFFFFFF60]  }
0x26c: {  	[tilespmem:s2+$0xFFFFFE20] =	vst v47;
	v56 =	vmul.u32 $0x180, v21;
	v59 =	vld [tilespmem:s31+$0xFFFFFFD0];
	v53 =	vsub.f32 v53, v17;
	v0 =	vsub.f32 $0.0e+00, v0  }
0x26d: {  	v46 =	vld [tilespmem:s31+$0xFFFFFEC0];
	[tilespmem:s2+$0xFFFFFE68] =	vst v49;
	v2 =	vnsel vm11, $0x43480000, v2;
	v25 =	vadd.s32 v57, v29;
	v61 =	vsub.f32 v27, v17  }
0x26e: {  	[tilespmem:s2+$0xFFFFFE50] =	vst v48;
	v12 =	vmovc v13;
	v40 =	vsub.f32 v40, v17;
	v53 =	vmul.f32 v53, v19;
	v13 =	vmul.f32 $1.442695020e+00, v0;
	v0 =	vld [tilespmem:s31+$0xFFFFFFB0]  }
0x26f: {  	v47 =	vld [tilespmem:s31+$0xFFFFFED0];
	v57 =	vadd.s32 $0x3000, v56;
	v23 =	vadd.s32 v14, v29;
	[tilespmem:s2+$0xFFFFFDA8] =	vst v3;
	v55 =	vmul.f32 v61, v19  }
0x270: {  	v40 =	vmul.f32 v40, v19;
	v49 =	vmul.f32 v53, v53;
	v61 =	vld [tilespmem:s31+$0xFFFFFFF0];
	[tilespmem:s2+$0xFFFFFE80] =	vst v50;
	v54 =	vsub.f32 v54, v17  }
0x271: {  	v27 =	vadd.s32 v16, v29;
	v42 =	vsub.f32 v59, v17;
	v34 =	vld.idx.msk [tilespmem:v34+s17+$0x0], $0xffff;
	v44 =	vmul.f32 v55, v55;
	v24 =	vpop (erf)  }
0x272: {  	vm4 =	vlt.f32 v49, v20;
	v45 =	vmul.f32 v54, v19;
	v52 =	vmul.f32 v24, v10;
	v10 =	vld [tilespmem:s31+$0xFFFFFF70]  }
0x273: {  	v35 =	vld.idx.msk [tilespmem:v35+s17+$0x0], $0xffff;
	v53 =	vnsel vm4, $0x43480000, v49;
	vm12 =	vlt.f32 v44, v20;
	v0 =	vsub.f32 v0, v17  }
0x274: {  	v36 =	vld.idx.msk [tilespmem:v36+s17+$0x0], $0xffff;
	v50 =	vmul.f32 v45, v45;
	v24 =	vadd.s32 v63, v29;
	v63 =	vsub.f32 v32, v17  }
0x275: {  	s28 =	simm.s32 $0x4230;
	v37 =	vld.idx.msk [tilespmem:v37+s17+$0x0], $0xffff;
	v8 =	vsub.f32 v61, v17;
	v32 =	vbroadcast v57, $0x0;
	v57 =	vmul.f32 v42, v19  }
0x276: {  	s30 =	simm.s32 $0x7D18;
	v48 =	vnsel vm12, $0x43480000, v44;
	v0 =	vmul.f32 v0, v19;
	v41 =	vmul.f32 v63, v19;
	v63 =	vld [tilespmem:s31+$0x0];
	[tilespmem:s28+$0x0] =	vst v52  }
0x277: {  	v52 =	vmul.f32 v8, v19;
	v8 =	vmul.f32 v51, v51;
	v6 =	vsub.f32 v10, v17;
	v10 =	vld [tilespmem:s31+$0xFFFFFFE0];
	[tilespmem:s30+$0xFFFFFE98] =	vst v48  }
0x278: {  	v56 =	vld [tilespmem:s31+$0xFFFFFE30];
	vm5 =	vlt.f32 v50, v20;
	v55 =	vadd.s32 v60, v32;
	v60 =	vmul.f32 v40, v40;
	[tilespmem:s30+$0xFFFFFEC8] =	vst v1  }
0x279: {  	v38 =	vld.idx.msk [tilespmem:v38+s17+$0x0], $0xffff;
	v49 =	vnsel vm5, $0x43480000, v50;
	v0 =	vmul.f32 v0, v0;
	vm15 =	vlt.f32 v8, v20;
	[tilespmem:s30+$0xFFFFFEF8] =	vst v53  }
0x27a: {  	v39 =	vld.idx.msk [tilespmem:v39+s17+$0x0], $0xffff;
	v41 =	vmul.f32 v41, v41;
	vm8 =	vlt.f32 v60, v20;
	v51 =	vnsel vm15, $0x43480000, v8;
	[tilespmem:s30+$0xFFFFFF10] =	vst v49  }
0x27b: {  	v59 =	vld [tilespmem:s31+$0xFFFFFE50];
	v53 =	vmul.f32 v57, v57;
	vm10 =	vlt.f32 v0, v20;
	[tilespmem:s30+$0xFFFFFF70] =	vst v4;
	v57 =	vmul.f32 v52, v52  }
0x27c: {  	v21 =	vld.idx.msk [tilespmem:v33+s17+$0x0], $0xffff;
	vm13 =	vlt.f32 v41, v20;
	[tilespmem:s30+$0xFFFFFEE0] =	vst v51;
	v51 =	vnsel vm8, $0x43480000, v60;
	v6 =	vmul.f32 v6, v19  }
0x27d: {  	v61 =	vld [tilespmem:s31+$0xFFFFFE60];
	[tilespmem:s30+$0xFFFFFFA0] =	vst v2;
	v0 =	vnsel vm10, $0x43480000, v0;
	v41 =	vnsel vm13, $0x43480000, v41;
	v3 =	vsub.f32 v10, v17  }
0x27e: {  	v44 =	vld [tilespmem:s31+$0xFFFFFEA0];
	[tilespmem:s30+$0xFFFFFF58] =	vst v51;
	v1 =	vmul.f32 v6, v6;
	v10 =	vmovc v18;
	v18 =	vmov v58;
	v58 =	vsub.f32 v63, v17  }
0x27f: {  	v54 =	vld [tilespmem:s31+$0xFFFFFE20];
	[tilespmem:s30+$0xFFFFFF88] =	vst v0;
	vm14 =	vlt.f32 v57, v20;
	v6 =	vmul.f32 v7, v7;
	v3 =	vmul.f32 v3, v19  }
0x280: {  	v45 =	vld [tilespmem:s31+$0xFFFFFEB0];
	[tilespmem:s30+$0xFFFFFEB0] =	vst v41;
	v4 =	vnsel vm14, $0x43480000, v57;
	vm6 =	vlt.f32 v1, v20;
	v58 =	vmul.f32 v58, v19  }
0x281: {  	v42 =	vld [tilespmem:s31+$0xFFFFFE80];
	[tilespmem:s30+$0xFFFFFFE8] =	vst v4;
	vm7 =	vlt.f32 v6, v20;
	v1 =	vnsel vm6, $0x43480000, v1;
	v3 =	vmul.f32 v3, v3  }
0x282: {  	vm12 =	vlt.f32 v53, v20;
	v63 =	vld [tilespmem:s31+$0xFFFFFE70];
	v50 =	vnsel vm7, $0x43480000, v6;
	[tilespmem:s30+$0xFFFFFF28] =	vst v1;
	v60 =	vmul.f32 v58, v58  }
0x283: {  	v9 =	vadd.s32 v9, v32;
	v6 =	vnsel vm12, $0x43480000, v53;
	[tilespmem:s30+$0xFFFFFF40] =	vst v50;
	v1 =	vld [tilespmem:s31+$0xFFFFFE10];
	vm13 =	vlt.f32 v3, v20  }
0x284: {  	v59 =	vsub.f32 v59, v17;
	v48 =	vld [tilespmem:s31+$0xFFFFFEE0];
	[tilespmem:s30+$0xFFFFFFB8] =	vst v6;
	vm15 =	vlt.f32 v60, v20;
	v8 =	vnsel vm13, $0x43480000, v3  }
0x285: {  	v49 =	vld [tilespmem:s31+$0xFFFFFEF0];
	v57 =	vsub.f32 v56, v17;
	v51 =	vadd.s32 v10, v32;
	v0 =	vnsel vm15, $0x43480000, v60;
	[tilespmem:s30+$0xFFFFFFD0] =	vst v8  }
0x286: {  	v56 =	vadd.s32 v18, v32;
	v53 =	vadd.s32 v11, v32;
	v50 =	vld [tilespmem:s31+$0xFFFFFF00];
	v58 =	vsub.f32 v54, v17;
	[tilespmem:s30+$0x0] =	vst v0  }
0x287: {  	v54 =	vadd.s32 v62, v32;
	v62 =	vsub.f32 v61, v17;
	v61 =	vsub.f32 v63, v17;
	v40 =	vld.idx.msk [tilespmem:v55+s17+$0x0], $0xffff  }
0x288: {  	s29 =	simm.s32 $0x4230;
	s2 =	simm.s32 $0x6;
	v60 =	vsub.f32 v5, v17;
	v52 =	vsub.f32 v1, v17;
	v55 =	vadd.s32 v12, v32;
	v41 =	vld.idx.msk [tilespmem:v9+s17+$0x0], $0xffff  }
.LBB2_9:
0x289: {  	_ =	sdelay $0x1  }
0x28a: {  	v2 =	vld.idx.msk [tilespmem:v51+s17+$0x0], $0xffff  }
0x28b: {  	v14 =	vld [tilespmem:$0x1FF10]  }
0x28c: {  	v6 =	vld.idx.msk [tilespmem:v53+s17+$0x0], $0xffff  }
0x28d: {  	v8 =	vld [tilespmem:$0x1FF20]  }
0x28e: {  	v16 =	vld [tilespmem:$0x1FF30]  }
0x28f: {  	v33 =	vld [tilespmem:$0x1FF40]  }
0x290: {  	v18 =	vld [tilespmem:$0x1FF00]  }
0x291: {  	v12 =	vld [tilespmem:$0x1FF50]  }
0x292: {  	v10 =	vld [tilespmem:$0x1FF60]  }
0x293: {  	v9 =	vld [tilespmem:$0x1FF80];
	v51 =	vmul.f32 v52, v19;
	v0 =	vsub.f32 v42, v17  }
0x294: {  	v15 =	vld [tilespmem:$0x1FFE0];
	v61 =	vmul.f32 v61, v19;
	v1 =	vsub.f32 v43, v17;
	v4 =	vsub.f32 v44, v17  }
0x295: {  	v26 =	vld.idx.msk [tilespmem:v26+s17+$0x0], $0xffff;
	v5 =	vsub.f32 v45, v17;
	v42 =	vsub.f32 v46, v17;
	v3 =	vadd.s32 v14, v32  }
0x296: {  	v23 =	vld.idx.msk [tilespmem:v23+s17+$0x0], $0xffff;
	v43 =	vsub.f32 v47, v17;
	v46 =	vsub.f32 v48, v17;
	v7 =	vadd.s32 v8, v32  }
0x297: {  	v44 =	vld.idx.msk [tilespmem:v54+s17+$0x0], $0xffff;
	v47 =	vsub.f32 v49, v17;
	v50 =	vsub.f32 v50, v17;
	v45 =	vadd.s32 v16, v32  }
0x298: {  	v48 =	vld.idx.msk [tilespmem:v55+s17+$0x0], $0xffff;
	v54 =	vmul.f32 v58, v19;
	v55 =	vmul.f32 v57, v19;
	v49 =	vadd.s32 v33, v32  }
0x299: {  	v52 =	vld.idx.msk [tilespmem:v56+s17+$0x0], $0xffff;
	v57 =	vmul.f32 v60, v19;
	v58 =	vmul.f32 v59, v19;
	v53 =	vadd.s32 v18, v32  }
0x29a: {  	v60 =	vmul.f32 v62, v19;
	v11 =	vadd.f32 v35, v34;
	v56 =	vadd.s32 v12, v32;
	v3 =	vld.idx.msk [tilespmem:v3+s17+$0x0], $0xffff  }
0x29b: {  	v36 =	vadd.f32 v37, v36;
	v38 =	vadd.f32 v39, v38;
	v59 =	vadd.s32 v10, v32;
	v7 =	vld.idx.msk [tilespmem:v7+s17+$0x0], $0xffff  }
0x29c: {  	v40 =	vadd.f32 v41, v40;
	v62 =	vadd.s32 v9, v32;
	v0 =	vmul.f32 v0, v19;
	v45 =	vld.idx.msk [tilespmem:v45+s17+$0x0], $0xffff  }
0x29d: {  	v63 =	vadd.s32 v15, v32;
	v1 =	vmul.f32 v1, v19;
	v4 =	vmul.f32 v4, v19;
	v49 =	vld.idx.msk [tilespmem:v49+s17+$0x0], $0xffff  }
0x29e: {  	v41 =	vadd.s32 $0x3000, v22;
	v5 =	vmul.f32 v5, v19;
	v34 =	vmul.f32 v42, v19;
	v53 =	vld.idx.msk [tilespmem:v53+s17+$0x0], $0xffff  }
0x29f: {  	v29 =	vadd.s32 v15, v29;
	v35 =	vmul.f32 v43, v19;
	v37 =	vmul.f32 v46, v19;
	v42 =	vld.idx.msk [tilespmem:v56+s17+$0x0], $0xffff  }
0x2a0: {  	v2 =	vadd.f32 v6, v2;
	v43 =	vmul.f32 v47, v19;
	v39 =	vmul.f32 v50, v19;
	v46 =	vld.idx.msk [tilespmem:v59+s17+$0x0], $0xffff  }
0x2a1: {  	v47 =	vmul.f32 v51, v51;
	v32 =	vadd.f32 v36, v11;
	v36 =	vmul.f32 v54, v54;
	v50 =	vld.idx.msk [tilespmem:v62+s17+$0x0], $0xffff  }
0x2a2: {  	v23 =	vadd.f32 v23, v26;
	v51 =	vmul.f32 v55, v55;
	v55 =	vmul.f32 v57, v57;
	v11 =	vld.idx.msk [tilespmem:v63+s17+$0x0], $0xffff  }
0x2a3: {  	v60 =	vmul.f32 v60, v60;
	v2 =	vadd.f32 v2, v40;
	vm0 =	vlt.f32 v47, v20  }
0x2a4: {  	vm1 =	vlt.f32 v36, v20;
	v0 =	vmul.f32 v0, v0;
	v1 =	vmul.f32 v1, v1  }
0x2a5: {  	v6 =	vld.idx.msk [tilespmem:v28+s17+$0x0], $0xffff;
	v4 =	vmul.f32 v4, v4;
	v28 =	vadd.f32 v48, v44;
	v3 =	vadd.f32 v3, v52  }
0x2a6: {  	v5 =	vmul.f32 v5, v5;
	v7 =	vadd.f32 v45, v7;
	v63 =	vadd.f32 v53, v49  }
0x2a7: {  	v34 =	vmul.f32 v34, v34;
	v42 =	vadd.f32 v46, v42;
	v11 =	vadd.f32 v11, v50  }
0x2a8: {  	v37 =	vmul.f32 v37, v37;
	vm2 =	vlt.f32 v51, v20;
	v3 =	vadd.f32 v3, v28  }
0x2a9: {  	v39 =	vmul.f32 v39, v39;
	v7 =	vadd.f32 v63, v7;
	v48 =	vadd.f32 v11, v42  }
0x2aa: {  	v31 =	vld.idx.msk [tilespmem:v31+s17+$0x0], $0xffff;
	vm3 =	vlt.f32 v55, v20;
	vm5 =	vlt.f32 v60, v20;
	v54 =	vnsel vm2, $0x43480000, v51  }
0x2ab: {  	v30 =	vld.idx.msk [tilespmem:v30+s17+$0x0], $0xffff;
	v55 =	vnsel vm3, $0x43480000, v55;
	v2 =	vadd.f32 v3, v2;
	v50 =	vadd.f32 v48, v7  }
0x2ac: {  	v25 =	vld.idx.msk [tilespmem:v25+s17+$0x0], $0xffff;
	v60 =	vnsel vm5, $0x43480000, v60;
	v44 =	vmov s2;
	v56 =	vmul.f32 v58, v58  }
0x2ad: {  	v24 =	vld.idx.msk [tilespmem:v24+s17+$0x0], $0xffff;
	v62 =	vmul.f32 v61, v61;
	vm7 =	vlt.f32 v0, v20;
	v2 =	vadd.f32 v50, v2  }
0x2ae: {  	v27 =	vld.idx.msk [tilespmem:v27+s17+$0x0], $0xffff;
	vm8 =	vlt.f32 v1, v20;
	vm9 =	vlt.f32 v4, v20;
	vm10 =	vlt.f32 v5, v20  }
0x2af: {  	s31 =	sadd.s32 $0x200, s31;
	v29 =	vld.idx.msk [tilespmem:v29+s17+$0x0], $0xffff;
	vm11 =	vlt.f32 v34, v20;
	vm13 =	vlt.f32 v37, v20;
	v2 =	vsub.f32 $0.0e+00, v2  }
0x2b0: {  	vm15 =	vlt.f32 v39, v20;
	[tilespmem:s30+$0xFFFFFD60] =	vst v55;
	v6 =	vadd.f32 v6, v30;
	v55 =	vld [tilespmem:s31+$0xFFFFFF40];
	v0 =	vnsel vm7, $0x43480000, v0  }
0x2b1: {  	vm4 =	vlt.f32 v56, v20;
	vm6 =	vlt.f32 v62, v20;
	v2 =	vmul.f32 $1.442695020e+00, v2  }
0x2b2: {  	v1 =	vnsel vm8, $0x43480000, v1;
	v59 =	vnsel vm4, $0x43480000, v56;
	v61 =	vnsel vm6, $0x43480000, v62  }
0x2b3: {  	v15 =	vld [tilespmem:$0x1FFD0];
	[tilespmem:s30+$0xFFFFFD90] =	vst v60;
	v62 =	vnsel vm9, $0x43480000, v4;
	v49 =	vmul.f32 v43, v43;
	(erf) = vpow2.f32 v2  }
0x2b4: {  	v60 =	vld [tilespmem:$0x1FF90];
	[tilespmem:s30+$0xFFFFFD78] =	vst v59;
	v52 =	vnsel vm0, $0x43480000, v47;
	v53 =	vnsel vm1, $0x43480000, v36;
	v22 =	vadd.f32 v29, v27  }
0x2b5: {  	v59 =	vld [tilespmem:$0x1FFB0];
	v29 =	vbroadcast v41, $0x0;
	v55 =	vsub.f32 v55, v17;
	[tilespmem:s30+$0xFFFFFD30] =	vst v53;
	v53 =	vnsel vm15, $0x43480000, v39  }
0x2b6: {  	v27 =	vld [tilespmem:s31+$0xFFFFFF10];
	v39 =	vadd.f32 v31, v21;
	v21 =	vadd.f32 v24, v25;
	v28 =	vmul.f32 v35, v35  }
0x2b7: {  	v45 =	vld [tilespmem:s31+$0xFFFFFF20];
	vm14 =	vlt.f32 v49, v20;
	v63 =	vnsel vm10, $0x43480000, v5;
	v11 =	vnsel vm11, $0x43480000, v34  }
0x2b8: {  	v46 =	vadd.f32 v22, v23;
	v23 =	vmul.u32 $0x180, v44;
	v42 =	vadd.f32 v21, v6;
	v21 =	vld [tilespmem:$0x1FEF0]  }
0x2b9: {  	[tilespmem:s30+$0xFFFFFD48] =	vst v54;
	v47 =	vld [tilespmem:s31+$0xFFFFFF30];
	v36 =	vadd.s32 v60, v29;
	v58 =	vadd.s32 v15, v29;
	v31 =	vadd.s32 v14, v29  }
0x2ba: {  	[tilespmem:s30+$0xFFFFFDC0] =	vst v0;
	v5 =	vld [tilespmem:s31+$0xFFFFFF60];
	v30 =	vadd.s32 v8, v29;
	v25 =	vadd.s32 v33, v29;
	v26 =	vadd.s32 v12, v29  }
0x2bb: {  	[tilespmem:s30+$0xFFFFFDD8] =	vst v1;
	v22 =	vld [tilespmem:$0x1FFF0];
	v10 =	vadd.s32 v10, v29;
	v44 =	vmul.f32 v55, v19;
	v40 =	vnsel vm14, $0x43480000, v49  }
0x2bc: {  	[tilespmem:s30+$0xFFFFFE20] =	vst v11;
	v11 =	vld [tilespmem:$0x1FFC0];
	vm12 =	vlt.f32 v28, v20;
	v3 =	vadd.f32 v39, v38;
	(erf) = vpow2.f32 v13;
	v54 =	vpop (erf)  }
0x2bd: {  	[tilespmem:s30+$0xFFFFFDF0] =	vst v62;
	v35 =	vadd.s32 v59, v29;
	v0 =	vadd.f32 v46, v42;
	v2 =	vld [tilespmem:s31+$0xFFFFFF50];
	v24 =	vmul.f32 v54, v21  }
0x2be: {  	s28 =	sadd.s32 $0x20, s28;
	[tilespmem:s30+$0xFFFFFD18] =	vst v52;
	v52 =	vnsel vm12, $0x43480000, v28;
	v49 =	vsub.f32 v27, v17;
	v3 =	vadd.f32 v3, v32;
	v50 =	vld [tilespmem:$0x1FF70]  }
0x2bf: {  	v28 =	vnsel vm13, $0x43480000, v37;
	v1 =	vsub.f32 v47, v17;
	v5 =	vsub.f32 v5, v17;
	v13 =	vld [tilespmem:$0x1FFA0];
	[tilespmem:s28+$0x0] =	vst v24  }
0x2c0: {  	[tilespmem:s30+$0xFFFFFE80] =	vst v53;
	v53 =	vsub.f32 v45, v17;
	v27 =	vadd.s32 v9, v29;
	v0 =	vadd.f32 v0, v3;
	v3 =	vld [tilespmem:s31+$0xFFFFFF70]  }
0x2c1: {  	[tilespmem:s30+$0xFFFFFE50] =	vst v28;
	v28 =	vadd.s32 v16, v29;
	v1 =	vmul.f32 v1, v19;
	v5 =	vmul.f32 v5, v19;
	v62 =	vld [tilespmem:s31+$0xFFFFFF80]  }
0x2c2: {  	[tilespmem:s30+$0xFFFFFE08] =	vst v63;
	v39 =	vadd.s32 v22, v29;
	v42 =	vmul.f32 v49, v19;
	v2 =	vsub.f32 v2, v17;
	v63 =	vld [tilespmem:s31+$0xFFFFFF90]  }
0x2c3: {  	v1 =	vmul.f32 v1, v1;
	v0 =	vsub.f32 $0.0e+00, v0;
	v5 =	vmul.f32 v5, v5;
	v48 =	vld [tilespmem:s31+$0xFFFFFFA0]  }
0x2c4: {  	[tilespmem:s30+$0xFFFFFE38] =	vst v52;
	v37 =	vadd.s32 v11, v29;
	v34 =	vadd.s32 v50, v29;
	v2 =	vmul.f32 v2, v19;
	v52 =	vld [tilespmem:s31+$0xFFFFFFB0]  }
0x2c5: {  	s0 =	sadd.s32 $0x1, s2;
	[tilespmem:s30+$0xFFFFFDA8] =	vst v61;
	vm14 =	vlt.f32 v1, v20;
	v8 =	vmul.f32 $1.442695020e+00, v0;
	vm5 =	vlt.f32 v5, v20;
	v61 =	vpop (erf);
	v54 =	vld [tilespmem:s31+$0xFFFFFFC0]  }
0x2c6: {  	v2 =	vmul.f32 v2, v2;
	v4 =	vmul.f32 v61, v21;
	v21 =	vmov s0;
	v57 =	vld [tilespmem:s31+$0xFFFFFFD0]  }
0x2c7: {  	[tilespmem:s30+$0xFFFFFE68] =	vst v40;
	v1 =	vnsel vm14, $0x43480000, v1;
	v5 =	vnsel vm5, $0x43480000, v5;
	v51 =	vmul.u32 $0x180, v21;
	v61 =	vld [tilespmem:s31+$0xFFFFFFE0]  }
0x2c8: {  	v38 =	vadd.s32 v13, v29;
	vm4 =	vlt.f32 v2, v20;
	[tilespmem:s26+$0xFFFFFFF0] =	vst v4;
	v4 =	vmul.f32 v53, v19;
	v9 =	vld [tilespmem:s31+$0x0]  }
0x2c9: {  	v24 =	vadd.s32 v18, v29;
	v2 =	vnsel vm4, $0x43480000, v2;
	v56 =	vadd.s32 $0x3000, v51;
	v40 =	vld [tilespmem:s31+$0xFFFFFE20]  }
0x2ca: {  	v34 =	vld.idx.msk [tilespmem:v34+s17+$0x0], $0xffff;
	v4 =	vmul.f32 v4, v4;
	v3 =	vsub.f32 v3, v17;
	v7 =	vsub.f32 v62, v17  }
0x2cb: {  	v35 =	vld.idx.msk [tilespmem:v35+s17+$0x0], $0xffff;
	v32 =	vbroadcast v56, $0x0;
	v62 =	vsub.f32 v63, v17;
	v41 =	vsub.f32 v48, v17  }
0x2cc: {  	v36 =	vld.idx.msk [tilespmem:v36+s17+$0x0], $0xffff;
	vm13 =	vlt.f32 v4, v20;
	v0 =	vsub.f32 v52, v17;
	v43 =	vsub.f32 v57, v17  }
0x2cd: {  	v37 =	vld.idx.msk [tilespmem:v37+s17+$0x0], $0xffff;
	v57 =	vsub.f32 v9, v17;
	v9 =	vmul.f32 v42, v42;
	v3 =	vmul.f32 v3, v19  }
0x2ce: {  	v38 =	vld.idx.msk [tilespmem:v38+s17+$0x0], $0xffff;
	v6 =	vsub.f32 v54, v17;
	v7 =	vmul.f32 v7, v19;
	v49 =	vmul.f32 v62, v19  }
0x2cf: {  	v39 =	vld.idx.msk [tilespmem:v39+s17+$0x0], $0xffff;
	v45 =	vsub.f32 v61, v17;
	v41 =	vmul.f32 v41, v19;
	v0 =	vmul.f32 v0, v19  }
0x2d0: {  	s30 =	sadd.s32 $0x300, s30;
	v63 =	vld [tilespmem:s31+$0xFFFFFFF0];
	v4 =	vnsel vm13, $0x43480000, v4;
	v6 =	vmul.f32 v6, v19;
	v51 =	vmul.f32 v43, v19  }
0x2d1: {  	v55 =	vld [tilespmem:s31+$0xFFFFFE40];
	[tilespmem:s30+$0xFFFFFEC8] =	vst v1;
	v52 =	vmul.f32 v45, v19;
	v62 =	vadd.s32 v50, v32;
	v57 =	vmul.f32 v57, v19  }
0x2d2: {  	v46 =	vld [tilespmem:s31+$0xFFFFFEC0];
	[tilespmem:s30+$0xFFFFFEF8] =	vst v2;
	vm12 =	vlt.f32 v9, v20;
	v3 =	vmul.f32 v3, v3;
	v1 =	vmul.f32 v7, v7  }
0x2d3: {  	v21 =	vld.idx.msk [tilespmem:v58+s17+$0x0], $0xffff;
	[tilespmem:s30+$0xFFFFFF10] =	vst v5;
	v48 =	vnsel vm12, $0x43480000, v9;
	v9 =	vmul.f32 v49, v49;
	v0 =	vmul.f32 v0, v0  }
0x2d4: {  	v47 =	vld [tilespmem:s31+$0xFFFFFED0];
	[tilespmem:s30+$0xFFFFFEB0] =	vst v4;
	v51 =	vmul.f32 v51, v51;
	v52 =	vmul.f32 v52, v52;
	vm6 =	vlt.f32 v3, v20  }
0x2d5: {  	v56 =	vld [tilespmem:s31+$0xFFFFFE50];
	[tilespmem:s30+$0xFFFFFE98] =	vst v48;
	v33 =	vsub.f32 v63, v17;
	vm7 =	vlt.f32 v1, v20;
	v3 =	vnsel vm6, $0x43480000, v3  }
0x2d6: {  	v54 =	vld [tilespmem:s31+$0xFFFFFE30];
	vm8 =	vlt.f32 v9, v20;
	vm10 =	vlt.f32 v0, v20;
	v1 =	vnsel vm7, $0x43480000, v1;
	[tilespmem:s30+$0xFFFFFF28] =	vst v3  }
0x2d7: {  	v61 =	vld [tilespmem:s31+$0xFFFFFE60];
	v53 =	vmul.f32 v33, v19;
	v33 =	vmul.f32 v44, v44;
	v4 =	vnsel vm8, $0x43480000, v9;
	[tilespmem:s30+$0xFFFFFF40] =	vst v1  }
0x2d8: {  	v42 =	vld [tilespmem:s31+$0xFFFFFE80];
	vm12 =	vlt.f32 v51, v20;
	vm13 =	vlt.f32 v52, v20;
	v0 =	vnsel vm10, $0x43480000, v0;
	[tilespmem:s30+$0xFFFFFF58] =	vst v4  }
0x2d9: {  	v43 =	vld [tilespmem:s31+$0xFFFFFE90];
	v9 =	vmul.f32 v57, v57;
	[tilespmem:s30+$0xFFFFFF88] =	vst v0;
	v1 =	vnsel vm12, $0x43480000, v51;
	vm15 =	vlt.f32 v33, v20  }
0x2da: {  	v45 =	vld [tilespmem:s31+$0xFFFFFEB0];
	v4 =	vnsel vm13, $0x43480000, v52;
	[tilespmem:s30+$0xFFFFFFB8] =	vst v1;
	v50 =	vnsel vm15, $0x43480000, v33;
	v33 =	vmul.f32 v41, v41  }
0x2db: {  	v58 =	vsub.f32 v40, v17;
	v48 =	vld [tilespmem:s31+$0xFFFFFEE0];
	[tilespmem:s30+$0xFFFFFFD0] =	vst v4;
	v41 =	vmul.f32 v6, v6;
	vm15 =	vlt.f32 v9, v20  }
0x2dc: {  	v3 =	vld [tilespmem:s31+$0xFFFFFE10];
	v53 =	vmul.f32 v53, v53;
	[tilespmem:s30+$0xFFFFFEE0] =	vst v50;
	v0 =	vnsel vm15, $0x43480000, v9;
	vm9 =	vlt.f32 v33, v20  }
0x2dd: {  	p0 =	slt.u32 s2, $0x1E;
	v63 =	vld [tilespmem:s31+$0xFFFFFE70];
	vm11 =	vlt.f32 v41, v20;
	[tilespmem:s30+$0x0] =	vst v0;
	v2 =	vnsel vm9, $0x43480000, v33;
	v33 =	vadd.s32 v59, v32  }
.Ltmp4:
0x2de: {  	v49 =	vld [tilespmem:s31+$0xFFFFFEF0];
	v57 =	vsub.f32 v54, v17;
	vm14 =	vlt.f32 v53, v20;
	v5 =	vnsel vm11, $0x43480000, v41;
	[tilespmem:s30+$0xFFFFFF70] =	vst v2;
	(pc) =	sbr.rel @p0 .LBB2_9-.Ltmp4, $4  }
0x2df: {  	v44 =	vld [tilespmem:s31+$0xFFFFFEA0];
	v54 =	vadd.s32 v13, v32;
	v13 =	vmovc v8;
	v51 =	vadd.s32 v60, v32;
	[tilespmem:s30+$0xFFFFFFA0] =	vst v5;
	v2 =	vnsel vm14, $0x43480000, v53  }
0x2e0: {  	v60 =	vsub.f32 v55, v17;
	v55 =	vadd.s32 v22, v32;
	v22 =	vmovc v23;
	v23 =	vmov v10;
	v50 =	vld [tilespmem:s31+$0xFFFFFF00];
	[tilespmem:s30+$0xFFFFFFE8] =	vst v2  }
0x2e1: {  	v52 =	vsub.f32 v3, v17;
	v59 =	vsub.f32 v56, v17;
	v56 =	vadd.s32 v15, v32;
	v40 =	vld.idx.msk [tilespmem:v62+s17+$0x0], $0xffff  }
0x2e2: {  	s2 =	sadd.s32 $0x2, s2;
	s26 =	smov.u32 s29;
	s29 =	smov.u32 s28;
	v53 =	vadd.s32 v11, v32;
	v62 =	vsub.f32 v61, v17;
	v61 =	vsub.f32 v63, v17;
	v41 =	vld.idx.msk [tilespmem:v33+s17+$0x0], $0xffff  }
0x2e3: {  	v10 =	vld [tilespmem:$0x1FF10]  }
0x2e4: {  	v14 =	vld [tilespmem:$0x1FF20]  }
0x2e5: {  	v8 =	vld [tilespmem:$0x1FF30]  }
0x2e6: {  	v0 =	vsub.f32 v42, v17;
	v1 =	vsub.f32 v43, v17;
	v16 =	vld [tilespmem:$0x1FF40]  }
0x2e7: {  	v4 =	vsub.f32 v45, v17;
	v7 =	vsub.f32 v47, v17;
	v45 =	vmul.f32 v58, v19;
	v63 =	vld [tilespmem:$0x1FF00]  }
0x2e8: {  	v43 =	vsub.f32 v48, v17;
	v47 =	vmul.f32 v57, v19;
	v48 =	vmul.f32 v60, v19;
	v51 =	vld.idx.msk [tilespmem:v51+s17+$0x0], $0xffff  }
0x2e9: {  	v15 =	vld [tilespmem:$0x1FF50];
	v3 =	vsub.f32 v44, v17;
	v44 =	vmul.f32 v52, v19;
	v52 =	vmul.f32 v59, v19  }
0x2ea: {  	v6 =	vsub.f32 v46, v17;
	v9 =	vld.idx.msk [tilespmem:v53+s17+$0x0], $0xffff;
	v57 =	vmul.f32 v62, v19;
	v58 =	vmul.f32 v61, v19  }
0x2eb: {  	v33 =	vld [tilespmem:$0x1FF60];
	v0 =	vmul.f32 v0, v19;
	v1 =	vmul.f32 v1, v19  }
0x2ec: {  	v12 =	vld.idx.msk [tilespmem:v54+s17+$0x0], $0xffff;
	v4 =	vmul.f32 v4, v19;
	v6 =	vmul.f32 v6, v19  }
0x2ed: {  	v53 =	vld [tilespmem:$0x1FF80];
	v45 =	vmul.f32 v45, v45;
	v47 =	vmul.f32 v47, v47  }
0x2ee: {  	v55 =	vld.idx.msk [tilespmem:v55+s17+$0x0], $0xffff;
	v48 =	vmul.f32 v48, v48;
	v0 =	vmul.f32 v0, v0  }
0x2ef: {  	v46 =	vsub.f32 v49, v17;
	v54 =	vld [tilespmem:$0x1FFE0];
	v3 =	vmul.f32 v3, v19;
	v1 =	vmul.f32 v1, v1  }
0x2f0: {  	v56 =	vld.idx.msk [tilespmem:v56+s17+$0x0], $0xffff;
	v4 =	vmul.f32 v4, v4;
	v2 =	vadd.s32 v10, v32;
	vm7 =	vlt.f32 v0, v20  }
0x2f1: {  	v30 =	vld.idx.msk [tilespmem:v30+s17+$0x0], $0xffff;
	v3 =	vmul.f32 v3, v3;
	vm8 =	vlt.f32 v1, v20;
	v0 =	vnsel vm7, $0x43480000, v0  }
0x2f2: {  	v5 =	vadd.s32 v14, v32;
	vm10 =	vlt.f32 v4, v20;
	v1 =	vnsel vm8, $0x43480000, v1;
	[tilespmem:s30+$0xFFFFFDC0] =	vst v0;
	v0 =	vld.idx.msk [tilespmem:v31+s17+$0x0], $0xffff  }
0x2f3: {  	v42 =	vadd.s32 v8, v32;
	vm9 =	vlt.f32 v3, v20;
	v4 =	vnsel vm10, $0x43480000, v4;
	[tilespmem:s30+$0xFFFFFDD8] =	vst v1;
	v1 =	vld.idx.msk [tilespmem:v28+s17+$0x0], $0xffff  }
0x2f4: {  	v44 =	vmul.f32 v44, v44;
	v49 =	vadd.s32 v16, v32;
	v3 =	vnsel vm9, $0x43480000, v3;
	[tilespmem:s30+$0xFFFFFE08] =	vst v4;
	v4 =	vld.idx.msk [tilespmem:v24+s17+$0x0], $0xffff  }
0x2f5: {  	v52 =	vmul.f32 v52, v52;
	v59 =	vadd.s32 v63, v32;
	[tilespmem:s30+$0xFFFFFDF0] =	vst v3;
	v3 =	vld.idx.msk [tilespmem:v25+s17+$0x0], $0xffff  }
0x2f6: {  	v57 =	vmul.f32 v57, v57;
	v60 =	vadd.s32 v15, v32;
	vm0 =	vlt.f32 v44, v20;
	v2 =	vld.idx.msk [tilespmem:v2+s17+$0x0], $0xffff  }
0x2f7: {  	vm14 =	vlt.f32 v45, v20;
	v61 =	vadd.s32 v33, v32;
	v44 =	vnsel vm0, $0x43480000, v44;
	v5 =	vld.idx.msk [tilespmem:v5+s17+$0x0], $0xffff  }
0x2f8: {  	vm15 =	vlt.f32 v47, v20;
	v62 =	vadd.s32 v53, v32;
	[tilespmem:s30+$0xFFFFFD18] =	vst v44;
	v44 =	vnsel vm14, $0x43480000, v45;
	v42 =	vld.idx.msk [tilespmem:v42+s17+$0x0], $0xffff  }
0x2f9: {  	vm1 =	vlt.f32 v48, v20;
	v32 =	vadd.s32 v54, v32;
	[tilespmem:s30+$0xFFFFFD30] =	vst v44;
	v44 =	vld.idx.msk [tilespmem:v49+s17+$0x0], $0xffff;
	v49 =	vnsel vm15, $0x43480000, v47  }
0x2fa: {  	v58 =	vmul.f32 v58, v58;
	vm4 =	vlt.f32 v52, v20;
	v45 =	vld.idx.msk [tilespmem:v59+s17+$0x0], $0xffff;
	v59 =	vnsel vm1, $0x43480000, v48;
	[tilespmem:s30+$0xFFFFFD48] =	vst v49  }
0x2fb: {  	vm5 =	vlt.f32 v57, v20;
	v47 =	vld.idx.msk [tilespmem:v60+s17+$0x0], $0xffff;
	v60 =	vnsel vm4, $0x43480000, v52;
	[tilespmem:s30+$0xFFFFFD60] =	vst v59  }
0x2fc: {  	v6 =	vmul.f32 v6, v6;
	vm6 =	vlt.f32 v58, v20;
	v48 =	vld.idx.msk [tilespmem:v61+s17+$0x0], $0xffff;
	v61 =	vnsel vm5, $0x43480000, v57;
	[tilespmem:s30+$0xFFFFFD78] =	vst v60  }
0x2fd: {  	v50 =	vsub.f32 v50, v17;
	v7 =	vmul.f32 v7, v19;
	[tilespmem:s30+$0xFFFFFD90] =	vst v61;
	v49 =	vld.idx.msk [tilespmem:v62+s17+$0x0], $0xffff;
	v62 =	vnsel vm6, $0x43480000, v58  }
0x2fe: {  	v43 =	vmul.f32 v43, v19;
	vm11 =	vlt.f32 v6, v20;
	v32 =	vld.idx.msk [tilespmem:v32+s17+$0x0], $0xffff;
	[tilespmem:s30+$0xFFFFFDA8] =	vst v62  }
0x2ff: {  	v46 =	vmul.f32 v46, v19;
	v7 =	vmul.f32 v7, v7;
	v6 =	vnsel vm11, $0x43480000, v6;
	v58 =	vld [tilespmem:$0x1FF70]  }
0x300: {  	v50 =	vmul.f32 v50, v19;
	v43 =	vmul.f32 v43, v43;
	[tilespmem:s30+$0xFFFFFE20] =	vst v6;
	v6 =	vld.idx.msk [tilespmem:v26+s17+$0x0], $0xffff  }
0x301: {  	v22 =	vadd.s32 $0x3000, v22;
	vm12 =	vlt.f32 v7, v20;
	v31 =	vmul.f32 v46, v46;
	v26 =	vld.idx.msk [tilespmem:v27+s17+$0x0], $0xffff  }
0x302: {  	vm13 =	vlt.f32 v43, v20;
	v7 =	vnsel vm12, $0x43480000, v7;
	v52 =	vmul.f32 v50, v50;
	v62 =	vld [tilespmem:$0x1FFB0]  }
0x303: {  	v22 =	vbroadcast v22, $0x0;
	v43 =	vnsel vm13, $0x43480000, v43;
	vm14 =	vlt.f32 v31, v20;
	[tilespmem:s30+$0xFFFFFE38] =	vst v7;
	v7 =	vld.idx.msk [tilespmem:v23+s17+$0x0], $0xffff  }
0x304: {  	v29 =	vadd.s32 v54, v29;
	vm15 =	vlt.f32 v52, v20;
	v23 =	vnsel vm14, $0x43480000, v31;
	v61 =	vld [tilespmem:$0x1FF90];
	[tilespmem:s30+$0xFFFFFE50] =	vst v43  }
0x305: {  	v60 =	vadd.s32 v10, v22;
	v25 =	vnsel vm15, $0x43480000, v52;
	v52 =	vld [tilespmem:$0x1FFC0];
	[tilespmem:s30+$0xFFFFFE68] =	vst v23  }
0x306: {  	v34 =	vadd.f32 v35, v34;
	v35 =	vadd.s32 v14, v22;
	v11 =	vld [tilespmem:$0x1FFA0];
	[tilespmem:s30+$0xFFFFFE80] =	vst v25  }
0x307: {  	v36 =	vadd.f32 v37, v36;
	v37 =	vadd.f32 v39, v38;
	v38 =	vadd.s32 v8, v22;
	v57 =	vld [tilespmem:$0x1FFF0]  }
0x308: {  	v39 =	vadd.f32 v41, v40;
	v41 =	vadd.s32 v16, v22;
	v18 =	vld [tilespmem:$0x1FFD0]  }
0x309: {  	v23 =	vld.idx.msk [tilespmem:v29+s17+$0x0], $0xffff;
	v32 =	vadd.f32 v32, v49;
	v49 =	vadd.s32 v33, v22  }
0x30a: {  	v24 =	vadd.s32 v58, v22;
	v60 =	vld.idx.msk [tilespmem:v60+s17+$0x0], $0xffff  }
0x30b: {  	v35 =	vld.idx.msk [tilespmem:v35+s17+$0x0], $0xffff;
	v46 =	vadd.s32 v62, v22  }
0x30c: {  	v38 =	vld.idx.msk [tilespmem:v38+s17+$0x0], $0xffff;
	v50 =	vadd.s32 v57, v22  }
0x30d: {  	v41 =	vld.idx.msk [tilespmem:v41+s17+$0x0], $0xffff;
	v59 =	vadd.s32 v18, v22  }
0x30e: {  	v3 =	vadd.f32 v4, v3;
	v31 =	vadd.s32 v61, v22;
	v4 =	vld.idx.msk [tilespmem:v49+s17+$0x0], $0xffff  }
0x30f: {  	v27 =	vadd.s32 v52, v22;
	v24 =	vld.idx.msk [tilespmem:v24+s17+$0x0], $0xffff  }
0x310: {  	v40 =	vadd.f32 v9, v51;
	v29 =	vadd.s32 v11, v22;
	v28 =	vld.idx.msk [tilespmem:v46+s17+$0x0], $0xffff  }
0x311: {  	v2 =	vadd.f32 v2, v56;
	v25 =	vld.idx.msk [tilespmem:v50+s17+$0x0], $0xffff;
	v50 =	vadd.f32 v55, v12;
	v55 =	vadd.s32 v63, v22  }
0x312: {  	v5 =	vadd.f32 v42, v5;
	v56 =	vadd.f32 v45, v44;
	v43 =	vld.idx.msk [tilespmem:v59+s17+$0x0], $0xffff;
	v59 =	vadd.s32 v15, v22  }
0x313: {  	v48 =	vadd.f32 v48, v47;
	v31 =	vld.idx.msk [tilespmem:v31+s17+$0x0], $0xffff;
	v2 =	vadd.f32 v2, v50;
	v50 =	vadd.s32 v53, v22  }
0x314: {  	v34 =	vadd.f32 v36, v34;
	v39 =	vadd.f32 v40, v39;
	v27 =	vld.idx.msk [tilespmem:v27+s17+$0x0], $0xffff;
	v22 =	vadd.s32 v54, v22  }
0x315: {  	v5 =	vadd.f32 v56, v5;
	v32 =	vadd.f32 v32, v48;
	v29 =	vld.idx.msk [tilespmem:v29+s17+$0x0], $0xffff  }
0x316: {  	v0 =	vadd.f32 v0, v21;
	v1 =	vadd.f32 v1, v30;
	v51 =	vld.idx.msk [tilespmem:v55+s17+$0x0], $0xffff  }
0x317: {  	v5 =	vadd.f32 v32, v5;
	v2 =	vadd.f32 v2, v39;
	v55 =	vld.idx.msk [tilespmem:v59+s17+$0x0], $0xffff  }
0x318: {  	v6 =	vadd.f32 v7, v6;
	v7 =	vadd.f32 v23, v26;
	v23 =	vld.idx.msk [tilespmem:v50+s17+$0x0], $0xffff  }
0x319: {  	v0 =	vadd.f32 v0, v37;
	v2 =	vadd.f32 v5, v2;
	v5 =	vld.idx.msk [tilespmem:v22+s17+$0x0], $0xffff  }
0x31a: {  	v1 =	vadd.f32 v3, v1;
	v3 =	vadd.f32 v7, v6  }
0x31b: {  	v6 =	vadd.f32 v28, v24;
	v7 =	vadd.f32 v27, v31  }
0x31c: {  	v56 =	vadd.f32 v60, v43;
	v59 =	vadd.f32 v38, v35  }
0x31d: {  	v22 =	vadd.f32 v25, v29;
	v60 =	vadd.f32 v51, v41  }
0x31e: {  	v4 =	vadd.f32 v4, v55;
	v5 =	vadd.f32 v5, v23  }
0x31f: {  	v6 =	vadd.f32 v7, v6;
	v7 =	vadd.f32 v56, v22  }
0x320: {  	v22 =	vadd.f32 v60, v59;
	v4 =	vadd.f32 v5, v4  }
0x321: {  	v0 =	vadd.f32 v0, v34;
	v1 =	vadd.f32 v3, v1  }
0x322: {  	v3 =	vadd.f32 v7, v6;
	v4 =	vadd.f32 v4, v22  }
0x323: {  	v0 =	vadd.f32 v1, v0;
	v1 =	vsub.f32 $0.0e+00, v2  }
0x324: {  	v2 =	vadd.f32 v4, v3  }
0x325: {  	v0 =	vsub.f32 $0.0e+00, v0;
	v1 =	vmul.f32 $1.442695020e+00, v1  }
0x326: {  	v2 =	vsub.f32 $0.0e+00, v2  }
0x327: {  	v0 =	vmul.f32 $1.442695020e+00, v0;
	(erf) = vpow2.f32 v1  }
0x328: {  	(erf) = vpow2.f32 v13;
	v1 =	vmul.f32 $1.442695020e+00, v2  }
0x329: {  	(erf) = vpow2.f32 v0  }
0x32a: {  	(erf) = vpow2.f32 v1;
	_ =	sdelay $0x1  }
0x32b: {  	v21 =	vld [tilespmem:$0x1FEF0];
	_ =	sdelay $0x3  }
0x32c: {  	v0 =	vpop (erf)  }
0x32d: {  	v0 =	vmul.f32 v0, v21;
	v1 =	vpop (erf)  }
0x32e: {  	s0 =	sadd.s32 $0x20, s28;
	s24 =	sadd.s32 $0x1, s24;
	v1 =	vmul.f32 v1, v21;
	v2 =	vpop (erf)  }
0x32f: {  	p0 =	sne.s32 s24, $0x20;
	[tilespmem:s0+$0x0] =	vst v0;
	v0 =	vmul.f32 v2, v21;
	v2 =	vpop (erf)  }
.Ltmp5:
0x330: {  	[tilespmem:s26+$0xFFFFFFF0] =	vst v1;
	v1 =	vmul.f32 v2, v21;
	(pc) =	sbr.rel @p0 .LBB2_2-.Ltmp5, $4  }
0x331: {  	_ = 	snop  }
0x332: {  	s2 =	sshrl.u32 s25, $0x3;
	v9 =	vmov v52;
	[tilespmem:s29+$0xFFFFFFF0] =	vst v0  }
0x333: {  	s31 =	sadd.s32 s4, s2;
	v12 =	vmovc v11;
	v6 =	vmovc v54;
	v59 =	vmov v33;
	v13 =	vmov v57;
	v7 =	vmov v8;
	[tilespmem:s0+$0xFFFFFFF0] =	vst v1  }
0x334: {  	v60 =	vmovc v53;
	v3 =	vmovc v18;
	v18 =	vmov v21;
	v2 =	vmov v63;
	[hbm4b:s31+s5] =	stream.linear.scatter [tilespmem:s21], [sflag:$0x4], $0x200, $0x38;
	v1 =	vmov v16;
	[tilespmem:$0xA430] =	vst v63  }
0x335: {  	s23 =	sadd.s32 $0x1, s23  }
0x336: {  	_ =	swait.ge [sflag:s22], $0x200;
	p0 =	sne.s32 s23, s10  }
.Ltmp6:
0x337: {  	[sflag:s22] =	ssyncset.done $0x0;
	(pc) =	sbr.rel @p0 .LBB2_1-.Ltmp6, $4  }
0x338: {  	[sflag:s22] =	ssyncadd.s32 $0xFFFFFE00  }
0x339: {  	_ =	swait.ge [sflag:s20], $0x200  }
0x33a: {  	[sflag:s20] =	ssyncset.done $0x0  }
0x33b: {  	[sflag:s20] =	ssyncadd.s32 $0xFFFFFE00  }
0x33c: {  	_ =	sfence.sel $0x180000  }
0x33d: {  	[bflag:$0x0] =	sbarrier.arrive $0xFFFF  }
0x33e: {  	_ =	strace $0x90000047  }
0x33f: {  	s0 =	stileid.u32;
	[bflag:$0x2] =	sbarrier.arrive $0xFFFF  }
0x340: {  	p0 =	sne.s32 s0, $0x0;
	s0 =	rddreg [dreg:$0x4]  }
0x341: {  	s0 =	sadd.s32 @!p0 $0x100000, s0  }
0x342: {  	[sflag:s0] =	ssyncadd.tile.s32 @!p0 $0x1;
	_ =	shalt  }
.Lfunc_end2:
_tile_overlayer_lowered:
.L_overlay_start_2:
0x343: {  	(tag) =	ssettag $0x2  }
0x344: {  	s0 =	rddreg [dreg:$0x0];
	s2 =	stileid.u32  }
0x345: {  	s1 =	rddreg [dreg:$0x1];
	p0 =	sne.s32 s2, $0x0  }
0x346: {  	s3 =	rddreg [dreg:$0x2];
	[bflag:$0x3] =	sbarrier.arrive $0xFFFF;
	s2 =	simm.s32 @!p0 $0x1C05  }
0x347: {  	[timem:s3], [sflag:s2] =	dma.local @!p0 [hbm:s0], s1  }
0x348: {  	s0 =	simm.s32 @!p0 $0x5  }
0x349: {  	_ =	swait.ge @!p0 [sflag:s0], s1  }
0x34a: {  	s1 =	ssub.s32 @!p0 $0x0, s1;
	[sflag:s0] =	ssyncset.done @!p0 $0x0  }
0x34b: {  	[sflag:s0] =	ssyncadd.s32 @!p0 s1  }
0x34c: {  	[bflag:$0x3] =	sbarrier.arrive $0xFFFF  }
0x34d: {  	_ =	shalt  }

</sc_bundles>
